<compile_context>
chip_gen: v7x
topology: tpu7x:2x2x1
jax: 0.10.2.dev20260603
libtpu: 0.0.44.dev20260713+nightly
codegen_flags: <defaults>
</compile_context>

<pallas_src>
import jax
import jax.numpy as jnp
from jax import lax
from jax.experimental import pallas as pl
from jax.experimental.pallas import tpu as pltpu
from jax.experimental.pallas import tpu_sc as plsc

D = 128
K = 16
V = 64
B = 512
LEVELS = 7
NC = 2
NS = 16
NW = NC * NS
DPW = D // NW
LANES = 16


def _gather_body(x_ref, tab_ref, out_ref, xv, tabv, outv, sem):
    wid = lax.axis_index("s") * NC + lax.axis_index("c")
    pltpu.sync_copy(x_ref.at[pl.ds(wid * (DPW * B), DPW * B)], xv)
    pltpu.sync_copy(tab_ref.at[pl.ds(wid * (DPW * K * V), DPW * K * V)], tabv)

    copies = []
    for dl in range(DPW):
        @plsc.parallel_loop(0, B // LANES, unroll=4)
        def _chunk(c, dl=dl):
            xb = xv[pl.ds(dl * B + c * LANES, LANES)]
            for k in range(K):
                idx = xb + (dl * K * V + k * V)
                outv[pl.ds(dl * K * B + k * B + c * LANES, LANES)] = (
                    plsc.load_gather(tabv, [idx]))

        copies.append(pltpu.async_copy(
            outv.at[pl.ds(dl * K * B, K * B)],
            out_ref.at[pl.ds(wid * (DPW * K * B) + dl * K * B, K * B)],
            sem))
    for c in copies:
        c.wait()


_sc_gather = pl.kernel(
    _gather_body,
    out_type=jax.ShapeDtypeStruct((D * K * B,), jnp.float32),
    mesh=plsc.VectorSubcoreMesh(core_axis_name="c", subcore_axis_name="s",
                                num_cores=NC, num_subcores=NS),
    scratch_types=[
        pltpu.VMEM((DPW * B,), jnp.int32),
        pltpu.VMEM((DPW * K * V,), jnp.float32),
        pltpu.VMEM((DPW * K * B,), jnp.float32),
        pltpu.SemaphoreType.DMA,
    ],
    compiler_params=pltpu.CompilerParams(needs_layout_passes=False),
)


RTOT = D - 1


def _prep_kernel(logits_ref, w0, w1, w2, w3, w4, w5, w6, rw_ref,
                 logz_ref, wn_ref, rwn_ref):
    logits = logits_ref[...]
    lmax = jnp.max(logits, axis=-1, keepdims=True)
    logz = jnp.log(jnp.sum(jnp.exp(logits - lmax), axis=-1, keepdims=True)) + lmax
    logz_ref[...] = jnp.squeeze(logz, axis=-1)
    off = 0
    for w_ref in (w0, w1, w2, w3, w4, w5, w6):
        w = w_ref[...]
        r = w.shape[0]
        m = jnp.max(w, axis=-1, keepdims=True)
        e = jnp.exp(w - m)
        wn_ref[off:off + r] = e / jnp.sum(e, axis=-1, keepdims=True)
        off += r
    rw = rw_ref[...]
    rm = jnp.max(rw, axis=-1, keepdims=True)
    re = jnp.exp(rw - rm)
    rwn_ref[...] = re / jnp.sum(re, axis=-1, keepdims=True)


def _levels_kernel(node_ref, logz_ref, wn_ref, rwn_ref, out_ref):
    mars = node_ref[...] - logz_ref[...][:, :, None]
    off = 0
    for l in range(LEVELS):
        r = mars.shape[0] // 2
        m4 = mars.reshape(r, 2, K, B)
        left = m4[:, 0]
        right = m4[:, 1]
        mxl = jnp.max(left, axis=1, keepdims=True)
        mxr = jnp.max(right, axis=1, keepdims=True)
        el = jnp.exp(left - mxl)
        er = jnp.exp(right - mxr)
        p = (el[:, :, None, :] * er[:, None, :, :]).reshape(r, K * K, B)
        lin = lax.dot_general(
            wn_ref[off:off + r], p, (((2,), (1,)), ((0,), (0,))),
            preferred_element_type=jnp.float32)
        mars = jnp.log(lin) + mxl + mxr
        off += r
    m0 = mars[0]
    mx = jnp.max(m0, axis=0, keepdims=True)
    e0 = jnp.exp(m0 - mx)
    out_ref[...] = jnp.log(
        jnp.dot(rwn_ref[...], e0, preferred_element_type=jnp.float32)) + mx


def kernel(inputs, input_logits, w0, w1, w2, w3, w4, w5, w6, root_w):
    x_flat = inputs.T.reshape(-1)
    logits_flat = input_logits.reshape(-1)
    node_flat = _sc_gather(x_flat, logits_flat)
    node = node_flat.reshape(D, K, B)
    logz, wn, rwn = pl.pallas_call(
        _prep_kernel,
        out_shape=(
            jax.ShapeDtypeStruct((D, K), jnp.float32),
            jax.ShapeDtypeStruct((RTOT, K, K * K), jnp.float32),
            jax.ShapeDtypeStruct((1, K), jnp.float32),
        ),
    )(input_logits, w0, w1, w2, w3, w4, w5, w6, root_w.reshape(1, K))
    out = pl.pallas_call(
        _levels_kernel,
        out_shape=jax.ShapeDtypeStruct((1, B), jnp.float32),
    )(node, logz, wn, rwn)
    return out.reshape(B)

# --- scband reference (transcript-rebuilt; emitter-appended) ---
"""Pipeline reference for scband-prob-circuit-52819507806717 (READ-ONLY COPY).

The authoritative reference and input builder live on the scoring server;
editing this copy changes nothing except your own understanding.
"""

import jax, jax.numpy as jnp
import numpy as np

D = 128   # num variables
K = 16    # num latents (nodes per region)
V = 64    # categorical vocabulary per variable
B = 512   # batch size
LEVELS = 7  # log2(D) merges in balanced binary region graph


def setup_inputs(seed: int = 0) -> dict:
    key = jax.random.key(seed)
    ks = jax.random.split(key, LEVELS + 3)
    inputs = jax.random.randint(ks[0], (B, D), 0, V, dtype=jnp.int32)
    # leaf categorical logits (learned): one categorical per (var, latent)
    input_logits = jax.random.normal(ks[1], (D, K, V), dtype=jnp.float32) * 0.1
    out = {"inputs": inputs, "input_logits": input_logits}
    for l in range(LEVELS):
        R = D // (2 ** (l + 1))
        out[f"w{l}"] = jax.random.normal(ks[2 + l], (R, K, K * K), dtype=jnp.float32) * 0.1
    out["root_w"] = jax.random.normal(ks[2 + LEVELS], (K,), dtype=jnp.float32) * 0.1
    return out


def reference(inputs, input_logits, w0, w1, w2, w3, w4, w5, w6, root_w):
    # ProbCircuit.forward: permute inputs to [D, B], run input layers,
    # then alternating prod/sum inner layers in log space, return root lls.
    x = inputs.T  # [D, B]
    # flat_softmax_fw: normalize params per sum node -> log-space softmax
    lp = jax.nn.log_softmax(input_logits, axis=-1)  # [D, K, V]
    idx = jnp.broadcast_to(x[:, None, :], (D, K, B))
    node_mars = jnp.take_along_axis(lp, idx, axis=2)  # [D, K, B] input-layer log-likelihoods
    mars = node_mars
    for w in (w0, w1, w2, w3, w4, w5, w6):
        R = mars.shape[0] // 2
        left = mars[0::2]   # [R, K, B]
        right = mars[1::2]  # [R, K, B]
        # prod layer: element_mars = outer sum of child log-marginals
        elems = (left[:, :, None, :] + right[:, None, :, :]).reshape(R, K * K, B)
        # sum layer: logsumexp over weighted elements (normalized params)
        logw = jax.nn.log_softmax(w, axis=-1)  # [R, K, K*K]
        mars = jax.scipy.special.logsumexp(
            logw[:, :, :, None] + elems[:, None, :, :], axis=2
        )  # [R, K, B]
    # root sum node over the K nodes of the single remaining region
    lrw = jax.nn.log_softmax(root_w)  # [K]
    lls = jax.scipy.special.logsumexp(lrw[:, None] + mars[0], axis=0)  # [B]
    return lls

if __name__ == "__main__":
    import jax
    _d = setup_inputs()
    print(jax.jit(kernel)(*tuple(_d.values())))

</pallas_src>

<mosaic_0001>
#map = affine_map<(d0, d1) -> (0)>
module attributes {stable_mosaic.version = 14 : i64} {
  func.func @_gather_body(%arg0: i32, %arg1: i32, %arg2: memref<65536xi32, #tpu.memory_space<hbm>>, %arg3: memref<131072xf32, #tpu.memory_space<hbm>>, %arg4: memref<1048576xf32, #tpu.memory_space<hbm>>, %arg5: memref<2048xi32, #tpu.memory_space<vmem>>, %arg6: memref<4096xf32, #tpu.memory_space<vmem>>, %arg7: memref<32768xf32, #tpu.memory_space<vmem>>, %arg8: memref<!tpu.dma_semaphore, #tpu.memory_space<semaphore_mem>>) attributes {dimension_semantics = [#tpu.dimension_semantics<core_parallel>, #tpu.dimension_semantics<subcore_parallel>], iteration_bounds = array<i64: 2, 16>, scalar_prefetch = 0 : i64, scratch_operands = 4 : i64, tpu.core_type = #tpu.core_type<sc_vector_subcore>, window_params = [{transform_indices = #map}, {transform_indices = #map}, {transform_indices = #map}]} {
    %mul3A = arith.constant 2 : i32
    %mul3A_0 = arith.muli %arg1, %mul3A : i32
    %add3A = arith.addi %mul3A_0, %arg0 : i32
    %mul3A_1 = arith.constant 2048 : i32
    %mul3A_2 = arith.muli %add3A, %mul3A_1 : i32
    "tpu.region"() ({
      %run_scoped3A = tpu.sem_alloc : memref<!tpu.dma_semaphore, #tpu.memory_space<semaphore_mem>>
      %dma_start3A_78 = tpu.memref_slice %arg2[%mul3A_2] : memref<65536xi32, #tpu.memory_space<hbm>> -> memref<2048xi32, #tpu.memory_space<hbm>>
      %dma_start3A_79 = tpu.memref_slice %arg2[%mul3A_2] : memref<65536xi32, #tpu.memory_space<hbm>> -> memref<2048xi32, #tpu.memory_space<hbm>>
      tpu.enqueue_dma source(%dma_start3A_79 : memref<2048xi32, #tpu.memory_space<hbm>>) target(%arg5 : memref<2048xi32, #tpu.memory_space<vmem>>) target_semaphore(%run_scoped3A : memref<!tpu.dma_semaphore, #tpu.memory_space<semaphore_mem>>)
      %dma_wait3A_80 = tpu.memref_slice %arg2[%mul3A_2] : memref<65536xi32, #tpu.memory_space<hbm>> -> memref<2048xi32, #tpu.memory_space<hbm>>
      %dma_wait3A_81 = tpu.memref_slice %arg2[%mul3A_2] : memref<65536xi32, #tpu.memory_space<hbm>> -> memref<2048xi32, #tpu.memory_space<hbm>>
      tpu.wait_dma2 semaphore(%run_scoped3A : memref<!tpu.dma_semaphore, #tpu.memory_space<semaphore_mem>>) src(%dma_wait3A_81 : memref<2048xi32, #tpu.memory_space<hbm>>) dst(%arg5 : memref<2048xi32, #tpu.memory_space<vmem>>)
      tpu.yield
    }) : () -> ()
    %mul3A_3 = arith.constant 4096 : i32
    %mul3A_4 = arith.muli %add3A, %mul3A_3 : i32
    "tpu.region"() ({
      %run_scoped3A = tpu.sem_alloc : memref<!tpu.dma_semaphore, #tpu.memory_space<semaphore_mem>>
      %dma_start3A_78 = tpu.memref_slice %arg3[%mul3A_4] : memref<131072xf32, #tpu.memory_space<hbm>> -> memref<4096xf32, #tpu.memory_space<hbm>>
      %dma_start3A_79 = tpu.memref_slice %arg3[%mul3A_4] : memref<131072xf32, #tpu.memory_space<hbm>> -> memref<4096xf32, #tpu.memory_space<hbm>>
      tpu.enqueue_dma source(%dma_start3A_79 : memref<4096xf32, #tpu.memory_space<hbm>>) target(%arg6 : memref<4096xf32, #tpu.memory_space<vmem>>) target_semaphore(%run_scoped3A : memref<!tpu.dma_semaphore, #tpu.memory_space<semaphore_mem>>)
      %dma_wait3A_80 = tpu.memref_slice %arg3[%mul3A_4] : memref<131072xf32, #tpu.memory_space<hbm>> -> memref<4096xf32, #tpu.memory_space<hbm>>
      %dma_wait3A_81 = tpu.memref_slice %arg3[%mul3A_4] : memref<131072xf32, #tpu.memory_space<hbm>> -> memref<4096xf32, #tpu.memory_space<hbm>>
      tpu.wait_dma2 semaphore(%run_scoped3A : memref<!tpu.dma_semaphore, #tpu.memory_space<semaphore_mem>>) src(%dma_wait3A_81 : memref<4096xf32, #tpu.memory_space<hbm>>) dst(%arg6 : memref<4096xf32, #tpu.memory_space<vmem>>)
      tpu.yield
    }) : () -> ()
    %parallel_loop3A = arith.constant 0 : i32
    %parallel_loop3A_5 = arith.constant 32 : i32
    %parallel_loop3A_6 = arith.constant 1 : i32
    scf.for %parallel_loop3A_78 = %parallel_loop3A to %parallel_loop3A_5 step %parallel_loop3A_6  : i32 {
      %parallel_loop3A_79 = arith.constant 16 : i32
      %parallel_loop3A_80 = arith.muli %parallel_loop3A_78, %parallel_loop3A_79 : i32
      %parallel_loop3A_81 = arith.constant 0 : i32
      %parallel_loop3A_82 = arith.addi %parallel_loop3A_81, %parallel_loop3A_80 : i32
      %parallel_loop3A_83 = arith.index_cast %parallel_loop3A_82 : i32 to index
      %parallel_loop3A_84 = tpu.vector_load %arg5[%parallel_loop3A_83] {strides = array<i32>} : memref<2048xi32, #tpu.memory_space<vmem>>, vector<16xi32>,
      %parallel_loop3A_85 = arith.constant 0 : i32
      %parallel_loop3A_86 = vector.broadcast %parallel_loop3A_85 : i32 to vector<16xi32>
      %parallel_loop3A_87 = arith.addi %parallel_loop3A_84, %parallel_loop3A_86 : vector<16xi32>
      %parallel_loop3A_88 = tpu.vector_load_idx %arg6[%parallel_loop3A_87] : memref<4096xf32, #tpu.memory_space<vmem>>[vector<16xi32>], vector<16xf32>,
      %parallel_loop3A_89 = arith.constant 16 : i32
      %parallel_loop3A_90 = arith.muli %parallel_loop3A_78, %parallel_loop3A_89 : i32
      %parallel_loop3A_91 = arith.constant 0 : i32
      %parallel_loop3A_92 = arith.addi %parallel_loop3A_91, %parallel_loop3A_90 : i32
      %parallel_loop3A_93 = arith.index_cast %parallel_loop3A_92 : i32 to index
      %parallel_loop3A_94 = tpu.vector_load %arg7[%parallel_loop3A_93] {strides = array<i32>} : memref<32768xf32, #tpu.memory_space<vmem>>, vector<16xf32>,
      tpu.vector_store %arg7[%parallel_loop3A_93], %parallel_loop3A_88 {strides = array<i32>} : memref<32768xf32, #tpu.memory_space<vmem>>, vector<16xf32>,
      %parallel_loop3A_95 = arith.constant 64 : i32
      %parallel_loop3A_96 = vector.broadcast %parallel_loop3A_95 : i32 to vector<16xi32>
      %parallel_loop3A_97 = arith.addi %parallel_loop3A_84, %parallel_loop3A_96 : vector<16xi32>
      %parallel_loop3A_98 = tpu.vector_load_idx %arg6[%parallel_loop3A_97] : memref<4096xf32, #tpu.memory_space<vmem>>[vector<16xi32>], vector<16xf32>,
      %parallel_loop3A_99 = arith.constant 16 : i32
      %parallel_loop3A_100 = arith.muli %parallel_loop3A_78, %parallel_loop3A_99 : i32
      %parallel_loop3A_101 = arith.constant 512 : i32
      %parallel_loop3A_102 = arith.addi %parallel_loop3A_101, %parallel_loop3A_100 : i32
      %parallel_loop3A_103 = arith.index_cast %parallel_loop3A_102 : i32 to index
      %parallel_loop3A_104 = tpu.vector_load %arg7[%parallel_loop3A_103] {strides = array<i32>} : memref<32768xf32, #tpu.memory_space<vmem>>, vector<16xf32>,
      tpu.vector_store %arg7[%parallel_loop3A_103], %parallel_loop3A_98 {strides = array<i32>} : memref<32768xf32, #tpu.memory_space<vmem>>, vector<16xf32>,
      %parallel_loop3A_105 = arith.constant 128 : i32
      %parallel_loop3A_106 = vector.broadcast %parallel_loop3A_105 : i32 to vector<16xi32>
      %parallel_loop3A_107 = arith.addi %parallel_loop3A_84, %parallel_loop3A_106 : vector<16xi32>
      %parallel_loop3A_108 = tpu.vector_load_idx %arg6[%parallel_loop3A_107] : memref<4096xf32, #tpu.memory_space<vmem>>[vector<16xi32>], vector<16xf32>,
      %parallel_loop3A_109 = arith.constant 16 : i32
      %parallel_loop3A_110 = arith.muli %parallel_loop3A_78, %parallel_loop3A_109 : i32
      %parallel_loop3A_111 = arith.constant 1024 : i32
      %parallel_loop3A_112 = arith.addi %parallel_loop3A_111, %parallel_loop3A_110 : i32
      %parallel_loop3A_113 = arith.index_cast %parallel_loop3A_112 : i32 to index
      %parallel_loop3A_114 = tpu.vector_load %arg7[%parallel_loop3A_113] {strides = array<i32>} : memref<32768xf32, #tpu.memory_space<vmem>>, vector<16xf32>,
      tpu.vector_store %arg7[%parallel_loop3A_113], %parallel_loop3A_108 {strides = array<i32>} : memref<32768xf32, #tpu.memory_space<vmem>>, vector<16xf32>,
      %parallel_loop3A_115 = arith.constant 192 : i32
      %parallel_loop3A_116 = vector.broadcast %parallel_loop3A_115 : i32 to vector<16xi32>
      %parallel_loop3A_117 = arith.addi %parallel_loop3A_84, %parallel_loop3A_116 : vector<16xi32>
      %parallel_loop3A_118 = tpu.vector_load_idx %arg6[%parallel_loop3A_117] : memref<4096xf32, #tpu.memory_space<vmem>>[vector<16xi32>], vector<16xf32>,
      %parallel_loop3A_119 = arith.constant 16 : i32
      %parallel_loop3A_120 = arith.muli %parallel_loop3A_78, %parallel_loop3A_119 : i32
      %parallel_loop3A_121 = arith.constant 1536 : i32
      %parallel_loop3A_122 = arith.addi %parallel_loop3A_121, %parallel_loop3A_120 : i32
      %parallel_loop3A_123 = arith.index_cast %parallel_loop3A_122 : i32 to index
      %parallel_loop3A_124 = tpu.vector_load %arg7[%parallel_loop3A_123] {strides = array<i32>} : memref<32768xf32, #tpu.memory_space<vmem>>, vector<16xf32>,
      tpu.vector_store %arg7[%parallel_loop3A_123], %parallel_loop3A_118 {strides = array<i32>} : memref<32768xf32, #tpu.memory_space<vmem>>, vector<16xf32>,
      %parallel_loop3A_125 = arith.constant 256 : i32
      %parallel_loop3A_126 = vector.broadcast %parallel_loop3A_125 : i32 to vector<16xi32>
      %parallel_loop3A_127 = arith.addi %parallel_loop3A_84, %parallel_loop3A_126 : vector<16xi32>
      %parallel_loop3A_128 = tpu.vector_load_idx %arg6[%parallel_loop3A_127] : memref<4096xf32, #tpu.memory_space<vmem>>[vector<16xi32>], vector<16xf32>,
      %parallel_loop3A_129 = arith.constant 16 : i32
      %parallel_loop3A_130 = arith.muli %parallel_loop3A_78, %parallel_loop3A_129 : i32
      %parallel_loop3A_131 = arith.constant 2048 : i32
      %parallel_loop3A_132 = arith.addi %parallel_loop3A_131, %parallel_loop3A_130 : i32
      %parallel_loop3A_133 = arith.index_cast %parallel_loop3A_132 : i32 to index
      %parallel_loop3A_134 = tpu.vector_load %arg7[%parallel_loop3A_133] {strides = array<i32>} : memref<32768xf32, #tpu.memory_space<vmem>>, vector<16xf32>,
      tpu.vector_store %arg7[%parallel_loop3A_133], %parallel_loop3A_128 {strides = array<i32>} : memref<32768xf32, #tpu.memory_space<vmem>>, vector<16xf32>,
      %parallel_loop3A_135 = arith.constant 320 : i32
      %parallel_loop3A_136 = vector.broadcast %parallel_loop3A_135 : i32 to vector<16xi32>
      %parallel_loop3A_137 = arith.addi %parallel_loop3A_84, %parallel_loop3A_136 : vector<16xi32>
      %parallel_loop3A_138 = tpu.vector_load_idx %arg6[%parallel_loop3A_137] : memref<4096xf32, #tpu.memory_space<vmem>>[vector<16xi32>], vector<16xf32>,
      %parallel_loop3A_139 = arith.constant 16 : i32
      %parallel_loop3A_140 = arith.muli %parallel_loop3A_78, %parallel_loop3A_139 : i32
      %parallel_loop3A_141 = arith.constant 2560 : i32
      %parallel_loop3A_142 = arith.addi %parallel_loop3A_141, %parallel_loop3A_140 : i32
      %parallel_loop3A_143 = arith.index_cast %parallel_loop3A_142 : i32 to index
      %parallel_loop3A_144 = tpu.vector_load %arg7[%parallel_loop3A_143] {strides = array<i32>} : memref<32768xf32, #tpu.memory_space<vmem>>, vector<16xf32>,
      tpu.vector_store %arg7[%parallel_loop3A_143], %parallel_loop3A_138 {strides = array<i32>} : memref<32768xf32, #tpu.memory_space<vmem>>, vector<16xf32>,
      %parallel_loop3A_145 = arith.constant 384 : i32
      %parallel_loop3A_146 = vector.broadcast %parallel_loop3A_145 : i32 to vector<16xi32>
      %parallel_loop3A_147 = arith.addi %parallel_loop3A_84, %parallel_loop3A_146 : vector<16xi32>
      %parallel_loop3A_148 = tpu.vector_load_idx %arg6[%parallel_loop3A_147] : memref<4096xf32, #tpu.memory_space<vmem>>[vector<16xi32>], vector<16xf32>,
      %parallel_loop3A_149 = arith.constant 16 : i32
      %parallel_loop3A_150 = arith.muli %parallel_loop3A_78, %parallel_loop3A_149 : i32
      %parallel_loop3A_151 = arith.constant 3072 : i32
      %parallel_loop3A_152 = arith.addi %parallel_loop3A_151, %parallel_loop3A_150 : i32
      %parallel_loop3A_153 = arith.index_cast %parallel_loop3A_152 : i32 to index
      %parallel_loop3A_154 = tpu.vector_load %arg7[%parallel_loop3A_153] {strides = array<i32>} : memref<32768xf32, #tpu.memory_space<vmem>>, vector<16xf32>,
      tpu.vector_store %arg7[%parallel_loop3A_153], %parallel_loop3A_148 {strides = array<i32>} : memref<32768xf32, #tpu.memory_space<vmem>>, vector<16xf32>,
      %parallel_loop3A_155 = arith.constant 448 : i32
      %parallel_loop3A_156 = vector.broadcast %parallel_loop3A_155 : i32 to vector<16xi32>
      %parallel_loop3A_157 = arith.addi %parallel_loop3A_84, %parallel_loop3A_156 : vector<16xi32>
      %parallel_loop3A_158 = tpu.vector_load_idx %arg6[%parallel_loop3A_157] : memref<4096xf32, #tpu.memory_space<vmem>>[vector<16xi32>], vector<16xf32>,
      %parallel_loop3A_159 = arith.constant 16 : i32
      %parallel_loop3A_160 = arith.muli %parallel_loop3A_78, %parallel_loop3A_159 : i32
      %parallel_loop3A_161 = arith.constant 3584 : i32
      %parallel_loop3A_162 = arith.addi %parallel_loop3A_161, %parallel_loop3A_160 : i32
      %parallel_loop3A_163 = arith.index_cast %parallel_loop3A_162 : i32 to index
      %parallel_loop3A_164 = tpu.vector_load %arg7[%parallel_loop3A_163] {strides = array<i32>} : memref<32768xf32, #tpu.memory_space<vmem>>, vector<16xf32>,
      tpu.vector_store %arg7[%parallel_loop3A_163], %parallel_loop3A_158 {strides = array<i32>} : memref<32768xf32, #tpu.memory_space<vmem>>, vector<16xf32>,
      %parallel_loop3A_165 = arith.constant 512 : i32
      %parallel_loop3A_166 = vector.broadcast %parallel_loop3A_165 : i32 to vector<16xi32>
      %parallel_loop3A_167 = arith.addi %parallel_loop3A_84, %parallel_loop3A_166 : vector<16xi32>
      %parallel_loop3A_168 = tpu.vector_load_idx %arg6[%parallel_loop3A_167] : memref<4096xf32, #tpu.memory_space<vmem>>[vector<16xi32>], vector<16xf32>,
      %parallel_loop3A_169 = arith.constant 16 : i32
      %parallel_loop3A_170 = arith.muli %parallel_loop3A_78, %parallel_loop3A_169 : i32
      %parallel_loop3A_171 = arith.constant 4096 : i32
      %parallel_loop3A_172 = arith.addi %parallel_loop3A_171, %parallel_loop3A_170 : i32
      %parallel_loop3A_173 = arith.index_cast %parallel_loop3A_172 : i32 to index
      %parallel_loop3A_174 = tpu.vector_load %arg7[%parallel_loop3A_173] {strides = array<i32>} : memref<32768xf32, #tpu.memory_space<vmem>>, vector<16xf32>,
      tpu.vector_store %arg7[%parallel_loop3A_173], %parallel_loop3A_168 {strides = array<i32>} : memref<32768xf32, #tpu.memory_space<vmem>>, vector<16xf32>,
      %parallel_loop3A_175 = arith.constant 576 : i32
      %parallel_loop3A_176 = vector.broadcast %parallel_loop3A_175 : i32 to vector<16xi32>
      %parallel_loop3A_177 = arith.addi %parallel_loop3A_84, %parallel_loop3A_176 : vector<16xi32>
      %parallel_loop3A_178 = tpu.vector_load_idx %arg6[%parallel_loop3A_177] : memref<4096xf32, #tpu.memory_space<vmem>>[vector<16xi32>], vector<16xf32>,
      %parallel_loop3A_179 = arith.constant 16 : i32
      %parallel_loop3A_180 = arith.muli %parallel_loop3A_78, %parallel_loop3A_179 : i32
      %parallel_loop3A_181 = arith.constant 4608 : i32
      %parallel_loop3A_182 = arith.addi %parallel_loop3A_181, %parallel_loop3A_180 : i32
      %parallel_loop3A_183 = arith.index_cast %parallel_loop3A_182 : i32 to index
      %parallel_loop3A_184 = tpu.vector_load %arg7[%parallel_loop3A_183] {strides = array<i32>} : memref<32768xf32, #tpu.memory_space<vmem>>, vector<16xf32>,
      tpu.vector_store %arg7[%parallel_loop3A_183], %parallel_loop3A_178 {strides = array<i32>} : memref<32768xf32, #tpu.memory_space<vmem>>, vector<16xf32>,
      %parallel_loop3A_185 = arith.constant 640 : i32
      %parallel_loop3A_186 = vector.broadcast %parallel_loop3A_185 : i32 to vector<16xi32>
      %parallel_loop3A_187 = arith.addi %parallel_loop3A_84, %parallel_loop3A_186 : vector<16xi32>
      %parallel_loop3A_188 = tpu.vector_load_idx %arg6[%parallel_loop3A_187] : memref<4096xf32, #tpu.memory_space<vmem>>[vector<16xi32>], vector<16xf32>,
      %parallel_loop3A_189 = arith.constant 16 : i32
      %parallel_loop3A_190 = arith.muli %parallel_loop3A_78, %parallel_loop3A_189 : i32
      %parallel_loop3A_191 = arith.constant 5120 : i32
      %parallel_loop3A_192 = arith.addi %parallel_loop3A_191, %parallel_loop3A_190 : i32
      %parallel_loop3A_193 = arith.index_cast %parallel_loop3A_192 : i32 to index
      %parallel_loop3A_194 = tpu.vector_load %arg7[%parallel_loop3A_193] {strides = array<i32>} : memref<32768xf32, #tpu.memory_space<vmem>>, vector<16xf32>,
      tpu.vector_store %arg7[%parallel_loop3A_193], %parallel_loop3A_188 {strides = array<i32>} : memref<32768xf32, #tpu.memory_space<vmem>>, vector<16xf32>,
      %parallel_loop3A_195 = arith.constant 704 : i32
      %parallel_loop3A_196 = vector.broadcast %parallel_loop3A_195 : i32 to vector<16xi32>
      %parallel_loop3A_197 = arith.addi %parallel_loop3A_84, %parallel_loop3A_196 : vector<16xi32>
      %parallel_loop3A_198 = tpu.vector_load_idx %arg6[%parallel_loop3A_197] : memref<4096xf32, #tpu.memory_space<vmem>>[vector<16xi32>], vector<16xf32>,
      %parallel_loop3A_199 = arith.constant 16 : i32
      %parallel_loop3A_200 = arith.muli %parallel_loop3A_78, %parallel_loop3A_199 : i32
      %parallel_loop3A_201 = arith.constant 5632 : i32
      %parallel_loop3A_202 = arith.addi %parallel_loop3A_201, %parallel_loop3A_200 : i32
      %parallel_loop3A_203 = arith.index_cast %parallel_loop3A_202 : i32 to index
      %parallel_loop3A_204 = tpu.vector_load %arg7[%parallel_loop3A_203] {strides = array<i32>} : memref<32768xf32, #tpu.memory_space<vmem>>, vector<16xf32>,
      tpu.vector_store %arg7[%parallel_loop3A_203], %parallel_loop3A_198 {strides = array<i32>} : memref<32768xf32, #tpu.memory_space<vmem>>, vector<16xf32>,
      %parallel_loop3A_205 = arith.constant 768 : i32
      %parallel_loop3A_206 = vector.broadcast %parallel_loop3A_205 : i32 to vector<16xi32>
      %parallel_loop3A_207 = arith.addi %parallel_loop3A_84, %parallel_loop3A_206 : vector<16xi32>
      %parallel_loop3A_208 = tpu.vector_load_idx %arg6[%parallel_loop3A_207] : memref<4096xf32, #tpu.memory_space<vmem>>[vector<16xi32>], vector<16xf32>,
      %parallel_loop3A_209 = arith.constant 16 : i32
      %parallel_loop3A_210 = arith.muli %parallel_loop3A_78, %parallel_loop3A_209 : i32
      %parallel_loop3A_211 = arith.constant 6144 : i32
      %parallel_loop3A_212 = arith.addi %parallel_loop3A_211, %parallel_loop3A_210 : i32
      %parallel_loop3A_213 = arith.index_cast %parallel_loop3A_212 : i32 to index
      %parallel_loop3A_214 = tpu.vector_load %arg7[%parallel_loop3A_213] {strides = array<i32>} : memref<32768xf32, #tpu.memory_space<vmem>>, vector<16xf32>,
      tpu.vector_store %arg7[%parallel_loop3A_213], %parallel_loop3A_208 {strides = array<i32>} : memref<32768xf32, #tpu.memory_space<vmem>>, vector<16xf32>,
      %parallel_loop3A_215 = arith.constant 832 : i32
      %parallel_loop3A_216 = vector.broadcast %parallel_loop3A_215 : i32 to vector<16xi32>
      %parallel_loop3A_217 = arith.addi %parallel_loop3A_84, %parallel_loop3A_216 : vector<16xi32>
      %parallel_loop3A_218 = tpu.vector_load_idx %arg6[%parallel_loop3A_217] : memref<4096xf32, #tpu.memory_space<vmem>>[vector<16xi32>], vector<16xf32>,
      %parallel_loop3A_219 = arith.constant 16 : i32
      %parallel_loop3A_220 = arith.muli %parallel_loop3A_78, %parallel_loop3A_219 : i32
      %parallel_loop3A_221 = arith.constant 6656 : i32
      %parallel_loop3A_222 = arith.addi %parallel_loop3A_221, %parallel_loop3A_220 : i32
      %parallel_loop3A_223 = arith.index_cast %parallel_loop3A_222 : i32 to index
      %parallel_loop3A_224 = tpu.vector_load %arg7[%parallel_loop3A_223] {strides = array<i32>} : memref<32768xf32, #tpu.memory_space<vmem>>, vector<16xf32>,
      tpu.vector_store %arg7[%parallel_loop3A_223], %parallel_loop3A_218 {strides = array<i32>} : memref<32768xf32, #tpu.memory_space<vmem>>, vector<16xf32>,
      %parallel_loop3A_225 = arith.constant 896 : i32
      %parallel_loop3A_226 = vector.broadcast %parallel_loop3A_225 : i32 to vector<16xi32>
      %parallel_loop3A_227 = arith.addi %parallel_loop3A_84, %parallel_loop3A_226 : vector<16xi32>
      %parallel_loop3A_228 = tpu.vector_load_idx %arg6[%parallel_loop3A_227] : memref<4096xf32, #tpu.memory_space<vmem>>[vector<16xi32>], vector<16xf32>,
      %parallel_loop3A_229 = arith.constant 16 : i32
      %parallel_loop3A_230 = arith.muli %parallel_loop3A_78, %parallel_loop3A_229 : i32
      %parallel_loop3A_231 = arith.constant 7168 : i32
      %parallel_loop3A_232 = arith.addi %parallel_loop3A_231, %parallel_loop3A_230 : i32
      %parallel_loop3A_233 = arith.index_cast %parallel_loop3A_232 : i32 to index
      %parallel_loop3A_234 = tpu.vector_load %arg7[%parallel_loop3A_233] {strides = array<i32>} : memref<32768xf32, #tpu.memory_space<vmem>>, vector<16xf32>,
      tpu.vector_store %arg7[%parallel_loop3A_233], %parallel_loop3A_228 {strides = array<i32>} : memref<32768xf32, #tpu.memory_space<vmem>>, vector<16xf32>,
      %parallel_loop3A_235 = arith.constant 960 : i32
      %parallel_loop3A_236 = vector.broadcast %parallel_loop3A_235 : i32 to vector<16xi32>
      %parallel_loop3A_237 = arith.addi %parallel_loop3A_84, %parallel_loop3A_236 : vector<16xi32>
      %parallel_loop3A_238 = tpu.vector_load_idx %arg6[%parallel_loop3A_237] : memref<4096xf32, #tpu.memory_space<vmem>>[vector<16xi32>], vector<16xf32>,
      %parallel_loop3A_239 = arith.constant 16 : i32
      %parallel_loop3A_240 = arith.muli %parallel_loop3A_78, %parallel_loop3A_239 : i32
      %parallel_loop3A_241 = arith.constant 7680 : i32
      %parallel_loop3A_242 = arith.addi %parallel_loop3A_241, %parallel_loop3A_240 : i32
      %parallel_loop3A_243 = arith.index_cast %parallel_loop3A_242 : i32 to index
      %parallel_loop3A_244 = tpu.vector_load %arg7[%parallel_loop3A_243] {strides = array<i32>} : memref<32768xf32, #tpu.memory_space<vmem>>, vector<16xf32>,
      tpu.vector_store %arg7[%parallel_loop3A_243], %parallel_loop3A_238 {strides = array<i32>} : memref<32768xf32, #tpu.memory_space<vmem>>, vector<16xf32>,
    } {sc.loop_unroll_factor = 4 : i64, sc.parallel_access}
    %mul3A_7 = arith.constant 32768 : i32
    %mul3A_8 = arith.muli %add3A, %mul3A_7 : i32
    %add3A_9 = arith.constant 0 : i32
    %add3A_10 = arith.addi %mul3A_8, %add3A_9 : i32
    %dma_start3A = arith.constant 0 : i32
    %dma_start3A_11 = tpu.memref_slice %arg7[%dma_start3A] : memref<32768xf32, #tpu.memory_space<vmem>> -> memref<8192xf32, #tpu.memory_space<vmem>>
    %dma_start3A_12 = tpu.memref_slice %arg4[%add3A_10] : memref<1048576xf32, #tpu.memory_space<hbm>> -> memref<8192xf32, #tpu.memory_space<hbm>>
    %dma_start3A_13 = tpu.memref_slice %arg4[%add3A_10] : memref<1048576xf32, #tpu.memory_space<hbm>> -> memref<8192xf32, #tpu.memory_space<hbm>>
    %dma_start3A_14 = arith.constant 0 : i32
    %dma_start3A_15 = tpu.memref_slice %arg7[%dma_start3A_14] : memref<32768xf32, #tpu.memory_space<vmem>> -> memref<8192xf32, #tpu.memory_space<vmem>>
    tpu.enqueue_dma source(%dma_start3A_15 : memref<8192xf32, #tpu.memory_space<vmem>>) target(%dma_start3A_13 : memref<8192xf32, #tpu.memory_space<hbm>>) target_semaphore(%arg8 : memref<!tpu.dma_semaphore, #tpu.memory_space<semaphore_mem>>)
    %parallel_loop3A_16 = arith.constant 0 : i32
    %parallel_loop3A_17 = arith.constant 32 : i32
    %parallel_loop3A_18 = arith.constant 1 : i32
    scf.for %parallel_loop3A_78 = %parallel_loop3A_16 to %parallel_loop3A_17 step %parallel_loop3A_18  : i32 {
      %parallel_loop3A_79 = arith.constant 16 : i32
      %parallel_loop3A_80 = arith.muli %parallel_loop3A_78, %parallel_loop3A_79 : i32
      %parallel_loop3A_81 = arith.constant 512 : i32
      %parallel_loop3A_82 = arith.addi %parallel_loop3A_81, %parallel_loop3A_80 : i32
      %parallel_loop3A_83 = arith.index_cast %parallel_loop3A_82 : i32 to index
      %parallel_loop3A_84 = tpu.vector_load %arg5[%parallel_loop3A_83] {strides = array<i32>} : memref<2048xi32, #tpu.memory_space<vmem>>, vector<16xi32>,
      %parallel_loop3A_85 = arith.constant 1024 : i32
      %parallel_loop3A_86 = vector.broadcast %parallel_loop3A_85 : i32 to vector<16xi32>
      %parallel_loop3A_87 = arith.addi %parallel_loop3A_84, %parallel_loop3A_86 : vector<16xi32>
      %parallel_loop3A_88 = tpu.vector_load_idx %arg6[%parallel_loop3A_87] : memref<4096xf32, #tpu.memory_space<vmem>>[vector<16xi32>], vector<16xf32>,
      %parallel_loop3A_89 = arith.constant 16 : i32
      %parallel_loop3A_90 = arith.muli %parallel_loop3A_78, %parallel_loop3A_89 : i32
      %parallel_loop3A_91 = arith.constant 8192 : i32
      %parallel_loop3A_92 = arith.addi %parallel_loop3A_91, %parallel_loop3A_90 : i32
      %parallel_loop3A_93 = arith.index_cast %parallel_loop3A_92 : i32 to index
      %parallel_loop3A_94 = tpu.vector_load %arg7[%parallel_loop3A_93] {strides = array<i32>} : memref<32768xf32, #tpu.memory_space<vmem>>, vector<16xf32>,
      tpu.vector_store %arg7[%parallel_loop3A_93], %parallel_loop3A_88 {strides = array<i32>} : memref<32768xf32, #tpu.memory_space<vmem>>, vector<16xf32>,
      %parallel_loop3A_95 = arith.constant 1088 : i32
      %parallel_loop3A_96 = vector.broadcast %parallel_loop3A_95 : i32 to vector<16xi32>
      %parallel_loop3A_97 = arith.addi %parallel_loop3A_84, %parallel_loop3A_96 : vector<16xi32>
      %parallel_loop3A_98 = tpu.vector_load_idx %arg6[%parallel_loop3A_97] : memref<4096xf32, #tpu.memory_space<vmem>>[vector<16xi32>], vector<16xf32>,
      %parallel_loop3A_99 = arith.constant 16 : i32
      %parallel_loop3A_100 = arith.muli %parallel_loop3A_78, %parallel_loop3A_99 : i32
      %parallel_loop3A_101 = arith.constant 8704 : i32
      %parallel_loop3A_102 = arith.addi %parallel_loop3A_101, %parallel_loop3A_100 : i32
      %parallel_loop3A_103 = arith.index_cast %parallel_loop3A_102 : i32 to index
      %parallel_loop3A_104 = tpu.vector_load %arg7[%parallel_loop3A_103] {strides = array<i32>} : memref<32768xf32, #tpu.memory_space<vmem>>, vector<16xf32>,
      tpu.vector_store %arg7[%parallel_loop3A_103], %parallel_loop3A_98 {strides = array<i32>} : memref<32768xf32, #tpu.memory_space<vmem>>, vector<16xf32>,
      %parallel_loop3A_105 = arith.constant 1152 : i32
      %parallel_loop3A_106 = vector.broadcast %parallel_loop3A_105 : i32 to vector<16xi32>
      %parallel_loop3A_107 = arith.addi %parallel_loop3A_84, %parallel_loop3A_106 : vector<16xi32>
      %parallel_loop3A_108 = tpu.vector_load_idx %arg6[%parallel_loop3A_107] : memref<4096xf32, #tpu.memory_space<vmem>>[vector<16xi32>], vector<16xf32>,
      %parallel_loop3A_109 = arith.constant 16 : i32
      %parallel_loop3A_110 = arith.muli %parallel_loop3A_78, %parallel_loop3A_109 : i32
      %parallel_loop3A_111 = arith.constant 9216 : i32
      %parallel_loop3A_112 = arith.addi %parallel_loop3A_111, %parallel_loop3A_110 : i32
      %parallel_loop3A_113 = arith.index_cast %parallel_loop3A_112 : i32 to index
      %parallel_loop3A_114 = tpu.vector_load %arg7[%parallel_loop3A_113] {strides = array<i32>} : memref<32768xf32, #tpu.memory_space<vmem>>, vector<16xf32>,
      tpu.vector_store %arg7[%parallel_loop3A_113], %parallel_loop3A_108 {strides = array<i32>} : memref<32768xf32, #tpu.memory_space<vmem>>, vector<16xf32>,
      %parallel_loop3A_115 = arith.constant 1216 : i32
      %parallel_loop3A_116 = vector.broadcast %parallel_loop3A_115 : i32 to vector<16xi32>
      %parallel_loop3A_117 = arith.addi %parallel_loop3A_84, %parallel_loop3A_116 : vector<16xi32>
      %parallel_loop3A_118 = tpu.vector_load_idx %arg6[%parallel_loop3A_117] : memref<4096xf32, #tpu.memory_space<vmem>>[vector<16xi32>], vector<16xf32>,
      %parallel_loop3A_119 = arith.constant 16 : i32
      %parallel_loop3A_120 = arith.muli %parallel_loop3A_78, %parallel_loop3A_119 : i32
      %parallel_loop3A_121 = arith.constant 9728 : i32
      %parallel_loop3A_122 = arith.addi %parallel_loop3A_121, %parallel_loop3A_120 : i32
      %parallel_loop3A_123 = arith.index_cast %parallel_loop3A_122 : i32 to index
      %parallel_loop3A_124 = tpu.vector_load %arg7[%parallel_loop3A_123] {strides = array<i32>} : memref<32768xf32, #tpu.memory_space<vmem>>, vector<16xf32>,
      tpu.vector_store %arg7[%parallel_loop3A_123], %parallel_loop3A_118 {strides = array<i32>} : memref<32768xf32, #tpu.memory_space<vmem>>, vector<16xf32>,
      %parallel_loop3A_125 = arith.constant 1280 : i32
      %parallel_loop3A_126 = vector.broadcast %parallel_loop3A_125 : i32 to vector<16xi32>
      %parallel_loop3A_127 = arith.addi %parallel_loop3A_84, %parallel_loop3A_126 : vector<16xi32>
      %parallel_loop3A_128 = tpu.vector_load_idx %arg6[%parallel_loop3A_127] : memref<4096xf32, #tpu.memory_space<vmem>>[vector<16xi32>], vector<16xf32>,
      %parallel_loop3A_129 = arith.constant 16 : i32
      %parallel_loop3A_130 = arith.muli %parallel_loop3A_78, %parallel_loop3A_129 : i32
      %parallel_loop3A_131 = arith.constant 10240 : i32
      %parallel_loop3A_132 = arith.addi %parallel_loop3A_131, %parallel_loop3A_130 : i32
      %parallel_loop3A_133 = arith.index_cast %parallel_loop3A_132 : i32 to index
      %parallel_loop3A_134 = tpu.vector_load %arg7[%parallel_loop3A_133] {strides = array<i32>} : memref<32768xf32, #tpu.memory_space<vmem>>, vector<16xf32>,
      tpu.vector_store %arg7[%parallel_loop3A_133], %parallel_loop3A_128 {strides = array<i32>} : memref<32768xf32, #tpu.memory_space<vmem>>, vector<16xf32>,
      %parallel_loop3A_135 = arith.constant 1344 : i32
      %parallel_loop3A_136 = vector.broadcast %parallel_loop3A_135 : i32 to vector<16xi32>
      %parallel_loop3A_137 = arith.addi %parallel_loop3A_84, %parallel_loop3A_136 : vector<16xi32>
      %parallel_loop3A_138 = tpu.vector_load_idx %arg6[%parallel_loop3A_137] : memref<4096xf32, #tpu.memory_space<vmem>>[vector<16xi32>], vector<16xf32>,
      %parallel_loop3A_139 = arith.constant 16 : i32
      %parallel_loop3A_140 = arith.muli %parallel_loop3A_78, %parallel_loop3A_139 : i32
      %parallel_loop3A_141 = arith.constant 10752 : i32
      %parallel_loop3A_142 = arith.addi %parallel_loop3A_141, %parallel_loop3A_140 : i32
      %parallel_loop3A_143 = arith.index_cast %parallel_loop3A_142 : i32 to index
      %parallel_loop3A_144 = tpu.vector_load %arg7[%parallel_loop3A_143] {strides = array<i32>} : memref<32768xf32, #tpu.memory_space<vmem>>, vector<16xf32>,
      tpu.vector_store %arg7[%parallel_loop3A_143], %parallel_loop3A_138 {strides = array<i32>} : memref<32768xf32, #tpu.memory_space<vmem>>, vector<16xf32>,
      %parallel_loop3A_145 = arith.constant 1408 : i32
      %parallel_loop3A_146 = vector.broadcast %parallel_loop3A_145 : i32 to vector<16xi32>
      %parallel_loop3A_147 = arith.addi %parallel_loop3A_84, %parallel_loop3A_146 : vector<16xi32>
      %parallel_loop3A_148 = tpu.vector_load_idx %arg6[%parallel_loop3A_147] : memref<4096xf32, #tpu.memory_space<vmem>>[vector<16xi32>], vector<16xf32>,
      %parallel_loop3A_149 = arith.constant 16 : i32
      %parallel_loop3A_150 = arith.muli %parallel_loop3A_78, %parallel_loop3A_149 : i32
      %parallel_loop3A_151 = arith.constant 11264 : i32
      %parallel_loop3A_152 = arith.addi %parallel_loop3A_151, %parallel_loop3A_150 : i32
      %parallel_loop3A_153 = arith.index_cast %parallel_loop3A_152 : i32 to index
      %parallel_loop3A_154 = tpu.vector_load %arg7[%parallel_loop3A_153] {strides = array<i32>} : memref<32768xf32, #tpu.memory_space<vmem>>, vector<16xf32>,
      tpu.vector_store %arg7[%parallel_loop3A_153], %parallel_loop3A_148 {strides = array<i32>} : memref<32768xf32, #tpu.memory_space<vmem>>, vector<16xf32>,
      %parallel_loop3A_155 = arith.constant 1472 : i32
      %parallel_loop3A_156 = vector.broadcast %parallel_loop3A_155 : i32 to vector<16xi32>
      %parallel_loop3A_157 = arith.addi %parallel_loop3A_84, %parallel_loop3A_156 : vector<16xi32>
      %parallel_loop3A_158 = tpu.vector_load_idx %arg6[%parallel_loop3A_157] : memref<4096xf32, #tpu.memory_space<vmem>>[vector<16xi32>], vector<16xf32>,
      %parallel_loop3A_159 = arith.constant 16 : i32
      %parallel_loop3A_160 = arith.muli %parallel_loop3A_78, %parallel_loop3A_159 : i32
      %parallel_loop3A_161 = arith.constant 11776 : i32
      %parallel_loop3A_162 = arith.addi %parallel_loop3A_161, %parallel_loop3A_160 : i32
      %parallel_loop3A_163 = arith.index_cast %parallel_loop3A_162 : i32 to index
      %parallel_loop3A_164 = tpu.vector_load %arg7[%parallel_loop3A_163] {strides = array<i32>} : memref<32768xf32, #tpu.memory_space<vmem>>, vector<16xf32>,
      tpu.vector_store %arg7[%parallel_loop3A_163], %parallel_loop3A_158 {strides = array<i32>} : memref<32768xf32, #tpu.memory_space<vmem>>, vector<16xf32>,
      %parallel_loop3A_165 = arith.constant 1536 : i32
      %parallel_loop3A_166 = vector.broadcast %parallel_loop3A_165 : i32 to vector<16xi32>
      %parallel_loop3A_167 = arith.addi %parallel_loop3A_84, %parallel_loop3A_166 : vector<16xi32>
      %parallel_loop3A_168 = tpu.vector_load_idx %arg6[%parallel_loop3A_167] : memref<4096xf32, #tpu.memory_space<vmem>>[vector<16xi32>], vector<16xf32>,
      %parallel_loop3A_169 = arith.constant 16 : i32
      %parallel_loop3A_170 = arith.muli %parallel_loop3A_78, %parallel_loop3A_169 : i32
      %parallel_loop3A_171 = arith.constant 12288 : i32
      %parallel_loop3A_172 = arith.addi %parallel_loop3A_171, %parallel_loop3A_170 : i32
      %parallel_loop3A_173 = arith.index_cast %parallel_loop3A_172 : i32 to index
      %parallel_loop3A_174 = tpu.vector_load %arg7[%parallel_loop3A_173] {strides = array<i32>} : memref<32768xf32, #tpu.memory_space<vmem>>, vector<16xf32>,
      tpu.vector_store %arg7[%parallel_loop3A_173], %parallel_loop3A_168 {strides = array<i32>} : memref<32768xf32, #tpu.memory_space<vmem>>, vector<16xf32>,
      %parallel_loop3A_175 = arith.constant 1600 : i32
      %parallel_loop3A_176 = vector.broadcast %parallel_loop3A_175 : i32 to vector<16xi32>
      %parallel_loop3A_177 = arith.addi %parallel_loop3A_84, %parallel_loop3A_176 : vector<16xi32>
      %parallel_loop3A_178 = tpu.vector_load_idx %arg6[%parallel_loop3A_177] : memref<4096xf32, #tpu.memory_space<vmem>>[vector<16xi32>], vector<16xf32>,
      %parallel_loop3A_179 = arith.constant 16 : i32
      %parallel_loop3A_180 = arith.muli %parallel_loop3A_78, %parallel_loop3A_179 : i32
      %parallel_loop3A_181 = arith.constant 12800 : i32
      %parallel_loop3A_182 = arith.addi %parallel_loop3A_181, %parallel_loop3A_180 : i32
      %parallel_loop3A_183 = arith.index_cast %parallel_loop3A_182 : i32 to index
      %parallel_loop3A_184 = tpu.vector_load %arg7[%parallel_loop3A_183] {strides = array<i32>} : memref<32768xf32, #tpu.memory_space<vmem>>, vector<16xf32>,
      tpu.vector_store %arg7[%parallel_loop3A_183], %parallel_loop3A_178 {strides = array<i32>} : memref<32768xf32, #tpu.memory_space<vmem>>, vector<16xf32>,
      %parallel_loop3A_185 = arith.constant 1664 : i32
      %parallel_loop3A_186 = vector.broadcast %parallel_loop3A_185 : i32 to vector<16xi32>
      %parallel_loop3A_187 = arith.addi %parallel_loop3A_84, %parallel_loop3A_186 : vector<16xi32>
      %parallel_loop3A_188 = tpu.vector_load_idx %arg6[%parallel_loop3A_187] : memref<4096xf32, #tpu.memory_space<vmem>>[vector<16xi32>], vector<16xf32>,
      %parallel_loop3A_189 = arith.constant 16 : i32
      %parallel_loop3A_190 = arith.muli %parallel_loop3A_78, %parallel_loop3A_189 : i32
      %parallel_loop3A_191 = arith.constant 13312 : i32
      %parallel_loop3A_192 = arith.addi %parallel_loop3A_191, %parallel_loop3A_190 : i32
      %parallel_loop3A_193 = arith.index_cast %parallel_loop3A_192 : i32 to index
      %parallel_loop3A_194 = tpu.vector_load %arg7[%parallel_loop3A_193] {strides = array<i32>} : memref<32768xf32, #tpu.memory_space<vmem>>, vector<16xf32>,
      tpu.vector_store %arg7[%parallel_loop3A_193], %parallel_loop3A_188 {strides = array<i32>} : memref<32768xf32, #tpu.memory_space<vmem>>, vector<16xf32>,
      %parallel_loop3A_195 = arith.constant 1728 : i32
      %parallel_loop3A_196 = vector.broadcast %parallel_loop3A_195 : i32 to vector<16xi32>
      %parallel_loop3A_197 = arith.addi %parallel_loop3A_84, %parallel_loop3A_196 : vector<16xi32>
      %parallel_loop3A_198 = tpu.vector_load_idx %arg6[%parallel_loop3A_197] : memref<4096xf32, #tpu.memory_space<vmem>>[vector<16xi32>], vector<16xf32>,
      %parallel_loop3A_199 = arith.constant 16 : i32
      %parallel_loop3A_200 = arith.muli %parallel_loop3A_78, %parallel_loop3A_199 : i32
      %parallel_loop3A_201 = arith.constant 13824 : i32
      %parallel_loop3A_202 = arith.addi %parallel_loop3A_201, %parallel_loop3A_200 : i32
      %parallel_loop3A_203 = arith.index_cast %parallel_loop3A_202 : i32 to index
      %parallel_loop3A_204 = tpu.vector_load %arg7[%parallel_loop3A_203] {strides = array<i32>} : memref<32768xf32, #tpu.memory_space<vmem>>, vector<16xf32>,
      tpu.vector_store %arg7[%parallel_loop3A_203], %parallel_loop3A_198 {strides = array<i32>} : memref<32768xf32, #tpu.memory_space<vmem>>, vector<16xf32>,
      %parallel_loop3A_205 = arith.constant 1792 : i32
      %parallel_loop3A_206 = vector.broadcast %parallel_loop3A_205 : i32 to vector<16xi32>
      %parallel_loop3A_207 = arith.addi %parallel_loop3A_84, %parallel_loop3A_206 : vector<16xi32>
      %parallel_loop3A_208 = tpu.vector_load_idx %arg6[%parallel_loop3A_207] : memref<4096xf32, #tpu.memory_space<vmem>>[vector<16xi32>], vector<16xf32>,
      %parallel_loop3A_209 = arith.constant 16 : i32
      %parallel_loop3A_210 = arith.muli %parallel_loop3A_78, %parallel_loop3A_209 : i32
      %parallel_loop3A_211 = arith.constant 14336 : i32
      %parallel_loop3A_212 = arith.addi %parallel_loop3A_211, %parallel_loop3A_210 : i32
      %parallel_loop3A_213 = arith.index_cast %parallel_loop3A_212 : i32 to index
      %parallel_loop3A_214 = tpu.vector_load %arg7[%parallel_loop3A_213] {strides = array<i32>} : memref<32768xf32, #tpu.memory_space<vmem>>, vector<16xf32>,
      tpu.vector_store %arg7[%parallel_loop3A_213], %parallel_loop3A_208 {strides = array<i32>} : memref<32768xf32, #tpu.memory_space<vmem>>, vector<16xf32>,
      %parallel_loop3A_215 = arith.constant 1856 : i32
      %parallel_loop3A_216 = vector.broadcast %parallel_loop3A_215 : i32 to vector<16xi32>
      %parallel_loop3A_217 = arith.addi %parallel_loop3A_84, %parallel_loop3A_216 : vector<16xi32>
      %parallel_loop3A_218 = tpu.vector_load_idx %arg6[%parallel_loop3A_217] : memref<4096xf32, #tpu.memory_space<vmem>>[vector<16xi32>], vector<16xf32>,
      %parallel_loop3A_219 = arith.constant 16 : i32
      %parallel_loop3A_220 = arith.muli %parallel_loop3A_78, %parallel_loop3A_219 : i32
      %parallel_loop3A_221 = arith.constant 14848 : i32
      %parallel_loop3A_222 = arith.addi %parallel_loop3A_221, %parallel_loop3A_220 : i32
      %parallel_loop3A_223 = arith.index_cast %parallel_loop3A_222 : i32 to index
      %parallel_loop3A_224 = tpu.vector_load %arg7[%parallel_loop3A_223] {strides = array<i32>} : memref<32768xf32, #tpu.memory_space<vmem>>, vector<16xf32>,
      tpu.vector_store %arg7[%parallel_loop3A_223], %parallel_loop3A_218 {strides = array<i32>} : memref<32768xf32, #tpu.memory_space<vmem>>, vector<16xf32>,
      %parallel_loop3A_225 = arith.constant 1920 : i32
      %parallel_loop3A_226 = vector.broadcast %parallel_loop3A_225 : i32 to vector<16xi32>
      %parallel_loop3A_227 = arith.addi %parallel_loop3A_84, %parallel_loop3A_226 : vector<16xi32>
      %parallel_loop3A_228 = tpu.vector_load_idx %arg6[%parallel_loop3A_227] : memref<4096xf32, #tpu.memory_space<vmem>>[vector<16xi32>], vector<16xf32>,
      %parallel_loop3A_229 = arith.constant 16 : i32
      %parallel_loop3A_230 = arith.muli %parallel_loop3A_78, %parallel_loop3A_229 : i32
      %parallel_loop3A_231 = arith.constant 15360 : i32
      %parallel_loop3A_232 = arith.addi %parallel_loop3A_231, %parallel_loop3A_230 : i32
      %parallel_loop3A_233 = arith.index_cast %parallel_loop3A_232 : i32 to index
      %parallel_loop3A_234 = tpu.vector_load %arg7[%parallel_loop3A_233] {strides = array<i32>} : memref<32768xf32, #tpu.memory_space<vmem>>, vector<16xf32>,
      tpu.vector_store %arg7[%parallel_loop3A_233], %parallel_loop3A_228 {strides = array<i32>} : memref<32768xf32, #tpu.memory_space<vmem>>, vector<16xf32>,
      %parallel_loop3A_235 = arith.constant 1984 : i32
      %parallel_loop3A_236 = vector.broadcast %parallel_loop3A_235 : i32 to vector<16xi32>
      %parallel_loop3A_237 = arith.addi %parallel_loop3A_84, %parallel_loop3A_236 : vector<16xi32>
      %parallel_loop3A_238 = tpu.vector_load_idx %arg6[%parallel_loop3A_237] : memref<4096xf32, #tpu.memory_space<vmem>>[vector<16xi32>], vector<16xf32>,
      %parallel_loop3A_239 = arith.constant 16 : i32
      %parallel_loop3A_240 = arith.muli %parallel_loop3A_78, %parallel_loop3A_239 : i32
      %parallel_loop3A_241 = arith.constant 15872 : i32
      %parallel_loop3A_242 = arith.addi %parallel_loop3A_241, %parallel_loop3A_240 : i32
      %parallel_loop3A_243 = arith.index_cast %parallel_loop3A_242 : i32 to index
      %parallel_loop3A_244 = tpu.vector_load %arg7[%parallel_loop3A_243] {strides = array<i32>} : memref<32768xf32, #tpu.memory_space<vmem>>, vector<16xf32>,
      tpu.vector_store %arg7[%parallel_loop3A_243], %parallel_loop3A_238 {strides = array<i32>} : memref<32768xf32, #tpu.memory_space<vmem>>, vector<16xf32>,
    } {sc.loop_unroll_factor = 4 : i64, sc.parallel_access}
    %mul3A_19 = arith.constant 32768 : i32
    %mul3A_20 = arith.muli %add3A, %mul3A_19 : i32
    %add3A_21 = arith.constant 8192 : i32
    %add3A_22 = arith.addi %mul3A_20, %add3A_21 : i32
    %dma_start3A_23 = arith.constant 8192 : i32
    %dma_start3A_24 = tpu.memref_slice %arg7[%dma_start3A_23] : memref<32768xf32, #tpu.memory_space<vmem>> -> memref<8192xf32, #tpu.memory_space<vmem>>
    %dma_start3A_25 = tpu.memref_slice %arg4[%add3A_22] : memref<1048576xf32, #tpu.memory_space<hbm>> -> memref<8192xf32, #tpu.memory_space<hbm>>
    %dma_start3A_26 = tpu.memref_slice %arg4[%add3A_22] : memref<1048576xf32, #tpu.memory_space<hbm>> -> memref<8192xf32, #tpu.memory_space<hbm>>
    %dma_start3A_27 = arith.constant 8192 : i32
    %dma_start3A_28 = tpu.memref_slice %arg7[%dma_start3A_27] : memref<32768xf32, #tpu.memory_space<vmem>> -> memref<8192xf32, #tpu.memory_space<vmem>>
    tpu.enqueue_dma source(%dma_start3A_28 : memref<8192xf32, #tpu.memory_space<vmem>>) target(%dma_start3A_26 : memref<8192xf32, #tpu.memory_space<hbm>>) target_semaphore(%arg8 : memref<!tpu.dma_semaphore, #tpu.memory_space<semaphore_mem>>)
    %parallel_loop3A_29 = arith.constant 0 : i32
    %parallel_loop3A_30 = arith.constant 32 : i32
    %parallel_loop3A_31 = arith.constant 1 : i32
    scf.for %parallel_loop3A_78 = %parallel_loop3A_29 to %parallel_loop3A_30 step %parallel_loop3A_31  : i32 {
      %parallel_loop3A_79 = arith.constant 16 : i32
      %parallel_loop3A_80 = arith.muli %parallel_loop3A_78, %parallel_loop3A_79 : i32
      %parallel_loop3A_81 = arith.constant 1024 : i32
      %parallel_loop3A_82 = arith.addi %parallel_loop3A_81, %parallel_loop3A_80 : i32
      %parallel_loop3A_83 = arith.index_cast %parallel_loop3A_82 : i32 to index
      %parallel_loop3A_84 = tpu.vector_load %arg5[%parallel_loop3A_83] {strides = array<i32>} : memref<2048xi32, #tpu.memory_space<vmem>>, vector<16xi32>,
      %parallel_loop3A_85 = arith.constant 2048 : i32
      %parallel_loop3A_86 = vector.broadcast %parallel_loop3A_85 : i32 to vector<16xi32>
      %parallel_loop3A_87 = arith.addi %parallel_loop3A_84, %parallel_loop3A_86 : vector<16xi32>
      %parallel_loop3A_88 = tpu.vector_load_idx %arg6[%parallel_loop3A_87] : memref<4096xf32, #tpu.memory_space<vmem>>[vector<16xi32>], vector<16xf32>,
      %parallel_loop3A_89 = arith.constant 16 : i32
      %parallel_loop3A_90 = arith.muli %parallel_loop3A_78, %parallel_loop3A_89 : i32
      %parallel_loop3A_91 = arith.constant 16384 : i32
      %parallel_loop3A_92 = arith.addi %parallel_loop3A_91, %parallel_loop3A_90 : i32
      %parallel_loop3A_93 = arith.index_cast %parallel_loop3A_92 : i32 to index
      %parallel_loop3A_94 = tpu.vector_load %arg7[%parallel_loop3A_93] {strides = array<i32>} : memref<32768xf32, #tpu.memory_space<vmem>>, vector<16xf32>,
      tpu.vector_store %arg7[%parallel_loop3A_93], %parallel_loop3A_88 {strides = array<i32>} : memref<32768xf32, #tpu.memory_space<vmem>>, vector<16xf32>,
      %parallel_loop3A_95 = arith.constant 2112 : i32
      %parallel_loop3A_96 = vector.broadcast %parallel_loop3A_95 : i32 to vector<16xi32>
      %parallel_loop3A_97 = arith.addi %parallel_loop3A_84, %parallel_loop3A_96 : vector<16xi32>
      %parallel_loop3A_98 = tpu.vector_load_idx %arg6[%parallel_loop3A_97] : memref<4096xf32, #tpu.memory_space<vmem>>[vector<16xi32>], vector<16xf32>,
      %parallel_loop3A_99 = arith.constant 16 : i32
      %parallel_loop3A_100 = arith.muli %parallel_loop3A_78, %parallel_loop3A_99 : i32
      %parallel_loop3A_101 = arith.constant 16896 : i32
      %parallel_loop3A_102 = arith.addi %parallel_loop3A_101, %parallel_loop3A_100 : i32
      %parallel_loop3A_103 = arith.index_cast %parallel_loop3A_102 : i32 to index
      %parallel_loop3A_104 = tpu.vector_load %arg7[%parallel_loop3A_103] {strides = array<i32>} : memref<32768xf32, #tpu.memory_space<vmem>>, vector<16xf32>,
      tpu.vector_store %arg7[%parallel_loop3A_103], %parallel_loop3A_98 {strides = array<i32>} : memref<32768xf32, #tpu.memory_space<vmem>>, vector<16xf32>,
      %parallel_loop3A_105 = arith.constant 2176 : i32
      %parallel_loop3A_106 = vector.broadcast %parallel_loop3A_105 : i32 to vector<16xi32>
      %parallel_loop3A_107 = arith.addi %parallel_loop3A_84, %parallel_loop3A_106 : vector<16xi32>
      %parallel_loop3A_108 = tpu.vector_load_idx %arg6[%parallel_loop3A_107] : memref<4096xf32, #tpu.memory_space<vmem>>[vector<16xi32>], vector<16xf32>,
      %parallel_loop3A_109 = arith.constant 16 : i32
      %parallel_loop3A_110 = arith.muli %parallel_loop3A_78, %parallel_loop3A_109 : i32
      %parallel_loop3A_111 = arith.constant 17408 : i32
      %parallel_loop3A_112 = arith.addi %parallel_loop3A_111, %parallel_loop3A_110 : i32
      %parallel_loop3A_113 = arith.index_cast %parallel_loop3A_112 : i32 to index
      %parallel_loop3A_114 = tpu.vector_load %arg7[%parallel_loop3A_113] {strides = array<i32>} : memref<32768xf32, #tpu.memory_space<vmem>>, vector<16xf32>,
      tpu.vector_store %arg7[%parallel_loop3A_113], %parallel_loop3A_108 {strides = array<i32>} : memref<32768xf32, #tpu.memory_space<vmem>>, vector<16xf32>,
      %parallel_loop3A_115 = arith.constant 2240 : i32
      %parallel_loop3A_116 = vector.broadcast %parallel_loop3A_115 : i32 to vector<16xi32>
      %parallel_loop3A_117 = arith.addi %parallel_loop3A_84, %parallel_loop3A_116 : vector<16xi32>
      %parallel_loop3A_118 = tpu.vector_load_idx %arg6[%parallel_loop3A_117] : memref<4096xf32, #tpu.memory_space<vmem>>[vector<16xi32>], vector<16xf32>,
      %parallel_loop3A_119 = arith.constant 16 : i32
      %parallel_loop3A_120 = arith.muli %parallel_loop3A_78, %parallel_loop3A_119 : i32
      %parallel_loop3A_121 = arith.constant 17920 : i32
      %parallel_loop3A_122 = arith.addi %parallel_loop3A_121, %parallel_loop3A_120 : i32
      %parallel_loop3A_123 = arith.index_cast %parallel_loop3A_122 : i32 to index
      %parallel_loop3A_124 = tpu.vector_load %arg7[%parallel_loop3A_123] {strides = array<i32>} : memref<32768xf32, #tpu.memory_space<vmem>>, vector<16xf32>,
      tpu.vector_store %arg7[%parallel_loop3A_123], %parallel_loop3A_118 {strides = array<i32>} : memref<32768xf32, #tpu.memory_space<vmem>>, vector<16xf32>,
      %parallel_loop3A_125 = arith.constant 2304 : i32
      %parallel_loop3A_126 = vector.broadcast %parallel_loop3A_125 : i32 to vector<16xi32>
      %parallel_loop3A_127 = arith.addi %parallel_loop3A_84, %parallel_loop3A_126 : vector<16xi32>
      %parallel_loop3A_128 = tpu.vector_load_idx %arg6[%parallel_loop3A_127] : memref<4096xf32, #tpu.memory_space<vmem>>[vector<16xi32>], vector<16xf32>,
      %parallel_loop3A_129 = arith.constant 16 : i32
      %parallel_loop3A_130 = arith.muli %parallel_loop3A_78, %parallel_loop3A_129 : i32
      %parallel_loop3A_131 = arith.constant 18432 : i32
      %parallel_loop3A_132 = arith.addi %parallel_loop3A_131, %parallel_loop3A_130 : i32
      %parallel_loop3A_133 = arith.index_cast %parallel_loop3A_132 : i32 to index
      %parallel_loop3A_134 = tpu.vector_load %arg7[%parallel_loop3A_133] {strides = array<i32>} : memref<32768xf32, #tpu.memory_space<vmem>>, vector<16xf32>,
      tpu.vector_store %arg7[%parallel_loop3A_133], %parallel_loop3A_128 {strides = array<i32>} : memref<32768xf32, #tpu.memory_space<vmem>>, vector<16xf32>,
      %parallel_loop3A_135 = arith.constant 2368 : i32
      %parallel_loop3A_136 = vector.broadcast %parallel_loop3A_135 : i32 to vector<16xi32>
      %parallel_loop3A_137 = arith.addi %parallel_loop3A_84, %parallel_loop3A_136 : vector<16xi32>
      %parallel_loop3A_138 = tpu.vector_load_idx %arg6[%parallel_loop3A_137] : memref<4096xf32, #tpu.memory_space<vmem>>[vector<16xi32>], vector<16xf32>,
      %parallel_loop3A_139 = arith.constant 16 : i32
      %parallel_loop3A_140 = arith.muli %parallel_loop3A_78, %parallel_loop3A_139 : i32
      %parallel_loop3A_141 = arith.constant 18944 : i32
      %parallel_loop3A_142 = arith.addi %parallel_loop3A_141, %parallel_loop3A_140 : i32
      %parallel_loop3A_143 = arith.index_cast %parallel_loop3A_142 : i32 to index
      %parallel_loop3A_144 = tpu.vector_load %arg7[%parallel_loop3A_143] {strides = array<i32>} : memref<32768xf32, #tpu.memory_space<vmem>>, vector<16xf32>,
      tpu.vector_store %arg7[%parallel_loop3A_143], %parallel_loop3A_138 {strides = array<i32>} : memref<32768xf32, #tpu.memory_space<vmem>>, vector<16xf32>,
      %parallel_loop3A_145 = arith.constant 2432 : i32
      %parallel_loop3A_146 = vector.broadcast %parallel_loop3A_145 : i32 to vector<16xi32>
      %parallel_loop3A_147 = arith.addi %parallel_loop3A_84, %parallel_loop3A_146 : vector<16xi32>
      %parallel_loop3A_148 = tpu.vector_load_idx %arg6[%parallel_loop3A_147] : memref<4096xf32, #tpu.memory_space<vmem>>[vector<16xi32>], vector<16xf32>,
      %parallel_loop3A_149 = arith.constant 16 : i32
      %parallel_loop3A_150 = arith.muli %parallel_loop3A_78, %parallel_loop3A_149 : i32
      %parallel_loop3A_151 = arith.constant 19456 : i32
      %parallel_loop3A_152 = arith.addi %parallel_loop3A_151, %parallel_loop3A_150 : i32
      %parallel_loop3A_153 = arith.index_cast %parallel_loop3A_152 : i32 to index
      %parallel_loop3A_154 = tpu.vector_load %arg7[%parallel_loop3A_153] {strides = array<i32>} : memref<32768xf32, #tpu.memory_space<vmem>>, vector<16xf32>,
      tpu.vector_store %arg7[%parallel_loop3A_153], %parallel_loop3A_148 {strides = array<i32>} : memref<32768xf32, #tpu.memory_space<vmem>>, vector<16xf32>,
      %parallel_loop3A_155 = arith.constant 2496 : i32
      %parallel_loop3A_156 = vector.broadcast %parallel_loop3A_155 : i32 to vector<16xi32>
      %parallel_loop3A_157 = arith.addi %parallel_loop3A_84, %parallel_loop3A_156 : vector<16xi32>
      %parallel_loop3A_158 = tpu.vector_load_idx %arg6[%parallel_loop3A_157] : memref<4096xf32, #tpu.memory_space<vmem>>[vector<16xi32>], vector<16xf32>,
      %parallel_loop3A_159 = arith.constant 16 : i32
      %parallel_loop3A_160 = arith.muli %parallel_loop3A_78, %parallel_loop3A_159 : i32
      %parallel_loop3A_161 = arith.constant 19968 : i32
      %parallel_loop3A_162 = arith.addi %parallel_loop3A_161, %parallel_loop3A_160 : i32
      %parallel_loop3A_163 = arith.index_cast %parallel_loop3A_162 : i32 to index
      %parallel_loop3A_164 = tpu.vector_load %arg7[%parallel_loop3A_163] {strides = array<i32>} : memref<32768xf32, #tpu.memory_space<vmem>>, vector<16xf32>,
      tpu.vector_store %arg7[%parallel_loop3A_163], %parallel_loop3A_158 {strides = array<i32>} : memref<32768xf32, #tpu.memory_space<vmem>>, vector<16xf32>,
      %parallel_loop3A_165 = arith.constant 2560 : i32
      %parallel_loop3A_166 = vector.broadcast %parallel_loop3A_165 : i32 to vector<16xi32>
      %parallel_loop3A_167 = arith.addi %parallel_loop3A_84, %parallel_loop3A_166 : vector<16xi32>
      %parallel_loop3A_168 = tpu.vector_load_idx %arg6[%parallel_loop3A_167] : memref<4096xf32, #tpu.memory_space<vmem>>[vector<16xi32>], vector<16xf32>,
      %parallel_loop3A_169 = arith.constant 16 : i32
      %parallel_loop3A_170 = arith.muli %parallel_loop3A_78, %parallel_loop3A_169 : i32
      %parallel_loop3A_171 = arith.constant 20480 : i32
      %parallel_loop3A_172 = arith.addi %parallel_loop3A_171, %parallel_loop3A_170 : i32
      %parallel_loop3A_173 = arith.index_cast %parallel_loop3A_172 : i32 to index
      %parallel_loop3A_174 = tpu.vector_load %arg7[%parallel_loop3A_173] {strides = array<i32>} : memref<32768xf32, #tpu.memory_space<vmem>>, vector<16xf32>,
      tpu.vector_store %arg7[%parallel_loop3A_173], %parallel_loop3A_168 {strides = array<i32>} : memref<32768xf32, #tpu.memory_space<vmem>>, vector<16xf32>,
      %parallel_loop3A_175 = arith.constant 2624 : i32
      %parallel_loop3A_176 = vector.broadcast %parallel_loop3A_175 : i32 to vector<16xi32>
      %parallel_loop3A_177 = arith.addi %parallel_loop3A_84, %parallel_loop3A_176 : vector<16xi32>
      %parallel_loop3A_178 = tpu.vector_load_idx %arg6[%parallel_loop3A_177] : memref<4096xf32, #tpu.memory_space<vmem>>[vector<16xi32>], vector<16xf32>,
      %parallel_loop3A_179 = arith.constant 16 : i32
      %parallel_loop3A_180 = arith.muli %parallel_loop3A_78, %parallel_loop3A_179 : i32
      %parallel_loop3A_181 = arith.constant 20992 : i32
      %parallel_loop3A_182 = arith.addi %parallel_loop3A_181, %parallel_loop3A_180 : i32
      %parallel_loop3A_183 = arith.index_cast %parallel_loop3A_182 : i32 to index
      %parallel_loop3A_184 = tpu.vector_load %arg7[%parallel_loop3A_183] {strides = array<i32>} : memref<32768xf32, #tpu.memory_space<vmem>>, vector<16xf32>,
      tpu.vector_store %arg7[%parallel_loop3A_183], %parallel_loop3A_178 {strides = array<i32>} : memref<32768xf32, #tpu.memory_space<vmem>>, vector<16xf32>,
      %parallel_loop3A_185 = arith.constant 2688 : i32
      %parallel_loop3A_186 = vector.broadcast %parallel_loop3A_185 : i32 to vector<16xi32>
      %parallel_loop3A_187 = arith.addi %parallel_loop3A_84, %parallel_loop3A_186 : vector<16xi32>
      %parallel_loop3A_188 = tpu.vector_load_idx %arg6[%parallel_loop3A_187] : memref<4096xf32, #tpu.memory_space<vmem>>[vector<16xi32>], vector<16xf32>,
      %parallel_loop3A_189 = arith.constant 16 : i32
      %parallel_loop3A_190 = arith.muli %parallel_loop3A_78, %parallel_loop3A_189 : i32
      %parallel_loop3A_191 = arith.constant 21504 : i32
      %parallel_loop3A_192 = arith.addi %parallel_loop3A_191, %parallel_loop3A_190 : i32
      %parallel_loop3A_193 = arith.index_cast %parallel_loop3A_192 : i32 to index
      %parallel_loop3A_194 = tpu.vector_load %arg7[%parallel_loop3A_193] {strides = array<i32>} : memref<32768xf32, #tpu.memory_space<vmem>>, vector<16xf32>,
      tpu.vector_store %arg7[%parallel_loop3A_193], %parallel_loop3A_188 {strides = array<i32>} : memref<32768xf32, #tpu.memory_space<vmem>>, vector<16xf32>,
      %parallel_loop3A_195 = arith.constant 2752 : i32
      %parallel_loop3A_196 = vector.broadcast %parallel_loop3A_195 : i32 to vector<16xi32>
      %parallel_loop3A_197 = arith.addi %parallel_loop3A_84, %parallel_loop3A_196 : vector<16xi32>
      %parallel_loop3A_198 = tpu.vector_load_idx %arg6[%parallel_loop3A_197] : memref<4096xf32, #tpu.memory_space<vmem>>[vector<16xi32>], vector<16xf32>,
      %parallel_loop3A_199 = arith.constant 16 : i32
      %parallel_loop3A_200 = arith.muli %parallel_loop3A_78, %parallel_loop3A_199 : i32
      %parallel_loop3A_201 = arith.constant 22016 : i32
      %parallel_loop3A_202 = arith.addi %parallel_loop3A_201, %parallel_loop3A_200 : i32
      %parallel_loop3A_203 = arith.index_cast %parallel_loop3A_202 : i32 to index
      %parallel_loop3A_204 = tpu.vector_load %arg7[%parallel_loop3A_203] {strides = array<i32>} : memref<32768xf32, #tpu.memory_space<vmem>>, vector<16xf32>,
      tpu.vector_store %arg7[%parallel_loop3A_203], %parallel_loop3A_198 {strides = array<i32>} : memref<32768xf32, #tpu.memory_space<vmem>>, vector<16xf32>,
      %parallel_loop3A_205 = arith.constant 2816 : i32
      %parallel_loop3A_206 = vector.broadcast %parallel_loop3A_205 : i32 to vector<16xi32>
      %parallel_loop3A_207 = arith.addi %parallel_loop3A_84, %parallel_loop3A_206 : vector<16xi32>
      %parallel_loop3A_208 = tpu.vector_load_idx %arg6[%parallel_loop3A_207] : memref<4096xf32, #tpu.memory_space<vmem>>[vector<16xi32>], vector<16xf32>,
      %parallel_loop3A_209 = arith.constant 16 : i32
      %parallel_loop3A_210 = arith.muli %parallel_loop3A_78, %parallel_loop3A_209 : i32
      %parallel_loop3A_211 = arith.constant 22528 : i32
      %parallel_loop3A_212 = arith.addi %parallel_loop3A_211, %parallel_loop3A_210 : i32
      %parallel_loop3A_213 = arith.index_cast %parallel_loop3A_212 : i32 to index
      %parallel_loop3A_214 = tpu.vector_load %arg7[%parallel_loop3A_213] {strides = array<i32>} : memref<32768xf32, #tpu.memory_space<vmem>>, vector<16xf32>,
      tpu.vector_store %arg7[%parallel_loop3A_213], %parallel_loop3A_208 {strides = array<i32>} : memref<32768xf32, #tpu.memory_space<vmem>>, vector<16xf32>,
      %parallel_loop3A_215 = arith.constant 2880 : i32
      %parallel_loop3A_216 = vector.broadcast %parallel_loop3A_215 : i32 to vector<16xi32>
      %parallel_loop3A_217 = arith.addi %parallel_loop3A_84, %parallel_loop3A_216 : vector<16xi32>
      %parallel_loop3A_218 = tpu.vector_load_idx %arg6[%parallel_loop3A_217] : memref<4096xf32, #tpu.memory_space<vmem>>[vector<16xi32>], vector<16xf32>,
      %parallel_loop3A_219 = arith.constant 16 : i32
      %parallel_loop3A_220 = arith.muli %parallel_loop3A_78, %parallel_loop3A_219 : i32
      %parallel_loop3A_221 = arith.constant 23040 : i32
      %parallel_loop3A_222 = arith.addi %parallel_loop3A_221, %parallel_loop3A_220 : i32
      %parallel_loop3A_223 = arith.index_cast %parallel_loop3A_222 : i32 to index
      %parallel_loop3A_224 = tpu.vector_load %arg7[%parallel_loop3A_223] {strides = array<i32>} : memref<32768xf32, #tpu.memory_space<vmem>>, vector<16xf32>,
      tpu.vector_store %arg7[%parallel_loop3A_223], %parallel_loop3A_218 {strides = array<i32>} : memref<32768xf32, #tpu.memory_space<vmem>>, vector<16xf32>,
      %parallel_loop3A_225 = arith.constant 2944 : i32
      %parallel_loop3A_226 = vector.broadcast %parallel_loop3A_225 : i32 to vector<16xi32>
      %parallel_loop3A_227 = arith.addi %parallel_loop3A_84, %parallel_loop3A_226 : vector<16xi32>
      %parallel_loop3A_228 = tpu.vector_load_idx %arg6[%parallel_loop3A_227] : memref<4096xf32, #tpu.memory_space<vmem>>[vector<16xi32>], vector<16xf32>,
      %parallel_loop3A_229 = arith.constant 16 : i32
      %parallel_loop3A_230 = arith.muli %parallel_loop3A_78, %parallel_loop3A_229 : i32
      %parallel_loop3A_231 = arith.constant 23552 : i32
      %parallel_loop3A_232 = arith.addi %parallel_loop3A_231, %parallel_loop3A_230 : i32
      %parallel_loop3A_233 = arith.index_cast %parallel_loop3A_232 : i32 to index
      %parallel_loop3A_234 = tpu.vector_load %arg7[%parallel_loop3A_233] {strides = array<i32>} : memref<32768xf32, #tpu.memory_space<vmem>>, vector<16xf32>,
      tpu.vector_store %arg7[%parallel_loop3A_233], %parallel_loop3A_228 {strides = array<i32>} : memref<32768xf32, #tpu.memory_space<vmem>>, vector<16xf32>,
      %parallel_loop3A_235 = arith.constant 3008 : i32
      %parallel_loop3A_236 = vector.broadcast %parallel_loop3A_235 : i32 to vector<16xi32>
      %parallel_loop3A_237 = arith.addi %parallel_loop3A_84, %parallel_loop3A_236 : vector<16xi32>
      %parallel_loop3A_238 = tpu.vector_load_idx %arg6[%parallel_loop3A_237] : memref<4096xf32, #tpu.memory_space<vmem>>[vector<16xi32>], vector<16xf32>,
      %parallel_loop3A_239 = arith.constant 16 : i32
      %parallel_loop3A_240 = arith.muli %parallel_loop3A_78, %parallel_loop3A_239 : i32
      %parallel_loop3A_241 = arith.constant 24064 : i32
      %parallel_loop3A_242 = arith.addi %parallel_loop3A_241, %parallel_loop3A_240 : i32
      %parallel_loop3A_243 = arith.index_cast %parallel_loop3A_242 : i32 to index
      %parallel_loop3A_244 = tpu.vector_load %arg7[%parallel_loop3A_243] {strides = array<i32>} : memref<32768xf32, #tpu.memory_space<vmem>>, vector<16xf32>,
      tpu.vector_store %arg7[%parallel_loop3A_243], %parallel_loop3A_238 {strides = array<i32>} : memref<32768xf32, #tpu.memory_space<vmem>>, vector<16xf32>,
    } {sc.loop_unroll_factor = 4 : i64, sc.parallel_access}
    %mul3A_32 = arith.constant 32768 : i32
    %mul3A_33 = arith.muli %add3A, %mul3A_32 : i32
    %add3A_34 = arith.constant 16384 : i32
    %add3A_35 = arith.addi %mul3A_33, %add3A_34 : i32
    %dma_start3A_36 = arith.constant 16384 : i32
    %dma_start3A_37 = tpu.memref_slice %arg7[%dma_start3A_36] : memref<32768xf32, #tpu.memory_space<vmem>> -> memref<8192xf32, #tpu.memory_space<vmem>>
    %dma_start3A_38 = tpu.memref_slice %arg4[%add3A_35] : memref<1048576xf32, #tpu.memory_space<hbm>> -> memref<8192xf32, #tpu.memory_space<hbm>>
    %dma_start3A_39 = tpu.memref_slice %arg4[%add3A_35] : memref<1048576xf32, #tpu.memory_space<hbm>> -> memref<8192xf32, #tpu.memory_space<hbm>>
    %dma_start3A_40 = arith.constant 16384 : i32
    %dma_start3A_41 = tpu.memref_slice %arg7[%dma_start3A_40] : memref<32768xf32, #tpu.memory_space<vmem>> -> memref<8192xf32, #tpu.memory_space<vmem>>
    tpu.enqueue_dma source(%dma_start3A_41 : memref<8192xf32, #tpu.memory_space<vmem>>) target(%dma_start3A_39 : memref<8192xf32, #tpu.memory_space<hbm>>) target_semaphore(%arg8 : memref<!tpu.dma_semaphore, #tpu.memory_space<semaphore_mem>>)
    %parallel_loop3A_42 = arith.constant 0 : i32
    %parallel_loop3A_43 = arith.constant 32 : i32
    %parallel_loop3A_44 = arith.constant 1 : i32
    scf.for %parallel_loop3A_78 = %parallel_loop3A_42 to %parallel_loop3A_43 step %parallel_loop3A_44  : i32 {
      %parallel_loop3A_79 = arith.constant 16 : i32
      %parallel_loop3A_80 = arith.muli %parallel_loop3A_78, %parallel_loop3A_79 : i32
      %parallel_loop3A_81 = arith.constant 1536 : i32
      %parallel_loop3A_82 = arith.addi %parallel_loop3A_81, %parallel_loop3A_80 : i32
      %parallel_loop3A_83 = arith.index_cast %parallel_loop3A_82 : i32 to index
      %parallel_loop3A_84 = tpu.vector_load %arg5[%parallel_loop3A_83] {strides = array<i32>} : memref<2048xi32, #tpu.memory_space<vmem>>, vector<16xi32>,
      %parallel_loop3A_85 = arith.constant 3072 : i32
      %parallel_loop3A_86 = vector.broadcast %parallel_loop3A_85 : i32 to vector<16xi32>
      %parallel_loop3A_87 = arith.addi %parallel_loop3A_84, %parallel_loop3A_86 : vector<16xi32>
      %parallel_loop3A_88 = tpu.vector_load_idx %arg6[%parallel_loop3A_87] : memref<4096xf32, #tpu.memory_space<vmem>>[vector<16xi32>], vector<16xf32>,
      %parallel_loop3A_89 = arith.constant 16 : i32
      %parallel_loop3A_90 = arith.muli %parallel_loop3A_78, %parallel_loop3A_89 : i32
      %parallel_loop3A_91 = arith.constant 24576 : i32
      %parallel_loop3A_92 = arith.addi %parallel_loop3A_91, %parallel_loop3A_90 : i32
      %parallel_loop3A_93 = arith.index_cast %parallel_loop3A_92 : i32 to index
      %parallel_loop3A_94 = tpu.vector_load %arg7[%parallel_loop3A_93] {strides = array<i32>} : memref<32768xf32, #tpu.memory_space<vmem>>, vector<16xf32>,
      tpu.vector_store %arg7[%parallel_loop3A_93], %parallel_loop3A_88 {strides = array<i32>} : memref<32768xf32, #tpu.memory_space<vmem>>, vector<16xf32>,
      %parallel_loop3A_95 = arith.constant 3136 : i32
      %parallel_loop3A_96 = vector.broadcast %parallel_loop3A_95 : i32 to vector<16xi32>
      %parallel_loop3A_97 = arith.addi %parallel_loop3A_84, %parallel_loop3A_96 : vector<16xi32>
      %parallel_loop3A_98 = tpu.vector_load_idx %arg6[%parallel_loop3A_97] : memref<4096xf32, #tpu.memory_space<vmem>>[vector<16xi32>], vector<16xf32>,
      %parallel_loop3A_99 = arith.constant 16 : i32
      %parallel_loop3A_100 = arith.muli %parallel_loop3A_78, %parallel_loop3A_99 : i32
      %parallel_loop3A_101 = arith.constant 25088 : i32
      %parallel_loop3A_102 = arith.addi %parallel_loop3A_101, %parallel_loop3A_100 : i32
      %parallel_loop3A_103 = arith.index_cast %parallel_loop3A_102 : i32 to index
      %parallel_loop3A_104 = tpu.vector_load %arg7[%parallel_loop3A_103] {strides = array<i32>} : memref<32768xf32, #tpu.memory_space<vmem>>, vector<16xf32>,
      tpu.vector_store %arg7[%parallel_loop3A_103], %parallel_loop3A_98 {strides = array<i32>} : memref<32768xf32, #tpu.memory_space<vmem>>, vector<16xf32>,
      %parallel_loop3A_105 = arith.constant 3200 : i32
      %parallel_loop3A_106 = vector.broadcast %parallel_loop3A_105 : i32 to vector<16xi32>
      %parallel_loop3A_107 = arith.addi %parallel_loop3A_84, %parallel_loop3A_106 : vector<16xi32>
      %parallel_loop3A_108 = tpu.vector_load_idx %arg6[%parallel_loop3A_107] : memref<4096xf32, #tpu.memory_space<vmem>>[vector<16xi32>], vector<16xf32>,
      %parallel_loop3A_109 = arith.constant 16 : i32
      %parallel_loop3A_110 = arith.muli %parallel_loop3A_78, %parallel_loop3A_109 : i32
      %parallel_loop3A_111 = arith.constant 25600 : i32
      %parallel_loop3A_112 = arith.addi %parallel_loop3A_111, %parallel_loop3A_110 : i32
      %parallel_loop3A_113 = arith.index_cast %parallel_loop3A_112 : i32 to index
      %parallel_loop3A_114 = tpu.vector_load %arg7[%parallel_loop3A_113] {strides = array<i32>} : memref<32768xf32, #tpu.memory_space<vmem>>, vector<16xf32>,
      tpu.vector_store %arg7[%parallel_loop3A_113], %parallel_loop3A_108 {strides = array<i32>} : memref<32768xf32, #tpu.memory_space<vmem>>, vector<16xf32>,
      %parallel_loop3A_115 = arith.constant 3264 : i32
      %parallel_loop3A_116 = vector.broadcast %parallel_loop3A_115 : i32 to vector<16xi32>
      %parallel_loop3A_117 = arith.addi %parallel_loop3A_84, %parallel_loop3A_116 : vector<16xi32>
      %parallel_loop3A_118 = tpu.vector_load_idx %arg6[%parallel_loop3A_117] : memref<4096xf32, #tpu.memory_space<vmem>>[vector<16xi32>], vector<16xf32>,
      %parallel_loop3A_119 = arith.constant 16 : i32
      %parallel_loop3A_120 = arith.muli %parallel_loop3A_78, %parallel_loop3A_119 : i32
      %parallel_loop3A_121 = arith.constant 26112 : i32
      %parallel_loop3A_122 = arith.addi %parallel_loop3A_121, %parallel_loop3A_120 : i32
      %parallel_loop3A_123 = arith.index_cast %parallel_loop3A_122 : i32 to index
      %parallel_loop3A_124 = tpu.vector_load %arg7[%parallel_loop3A_123] {strides = array<i32>} : memref<32768xf32, #tpu.memory_space<vmem>>, vector<16xf32>,
      tpu.vector_store %arg7[%parallel_loop3A_123], %parallel_loop3A_118 {strides = array<i32>} : memref<32768xf32, #tpu.memory_space<vmem>>, vector<16xf32>,
      %parallel_loop3A_125 = arith.constant 3328 : i32
      %parallel_loop3A_126 = vector.broadcast %parallel_loop3A_125 : i32 to vector<16xi32>
      %parallel_loop3A_127 = arith.addi %parallel_loop3A_84, %parallel_loop3A_126 : vector<16xi32>
      %parallel_loop3A_128 = tpu.vector_load_idx %arg6[%parallel_loop3A_127] : memref<4096xf32, #tpu.memory_space<vmem>>[vector<16xi32>], vector<16xf32>,
      %parallel_loop3A_129 = arith.constant 16 : i32
      %parallel_loop3A_130 = arith.muli %parallel_loop3A_78, %parallel_loop3A_129 : i32
      %parallel_loop3A_131 = arith.constant 26624 : i32
      %parallel_loop3A_132 = arith.addi %parallel_loop3A_131, %parallel_loop3A_130 : i32
      %parallel_loop3A_133 = arith.index_cast %parallel_loop3A_132 : i32 to index
      %parallel_loop3A_134 = tpu.vector_load %arg7[%parallel_loop3A_133] {strides = array<i32>} : memref<32768xf32, #tpu.memory_space<vmem>>, vector<16xf32>,
      tpu.vector_store %arg7[%parallel_loop3A_133], %parallel_loop3A_128 {strides = array<i32>} : memref<32768xf32, #tpu.memory_space<vmem>>, vector<16xf32>,
      %parallel_loop3A_135 = arith.constant 3392 : i32
      %parallel_loop3A_136 = vector.broadcast %parallel_loop3A_135 : i32 to vector<16xi32>
      %parallel_loop3A_137 = arith.addi %parallel_loop3A_84, %parallel_loop3A_136 : vector<16xi32>
      %parallel_loop3A_138 = tpu.vector_load_idx %arg6[%parallel_loop3A_137] : memref<4096xf32, #tpu.memory_space<vmem>>[vector<16xi32>], vector<16xf32>,
      %parallel_loop3A_139 = arith.constant 16 : i32
      %parallel_loop3A_140 = arith.muli %parallel_loop3A_78, %parallel_loop3A_139 : i32
      %parallel_loop3A_141 = arith.constant 27136 : i32
      %parallel_loop3A_142 = arith.addi %parallel_loop3A_141, %parallel_loop3A_140 : i32
      %parallel_loop3A_143 = arith.index_cast %parallel_loop3A_142 : i32 to index
      %parallel_loop3A_144 = tpu.vector_load %arg7[%parallel_loop3A_143] {strides = array<i32>} : memref<32768xf32, #tpu.memory_space<vmem>>, vector<16xf32>,
      tpu.vector_store %arg7[%parallel_loop3A_143], %parallel_loop3A_138 {strides = array<i32>} : memref<32768xf32, #tpu.memory_space<vmem>>, vector<16xf32>,
      %parallel_loop3A_145 = arith.constant 3456 : i32
      %parallel_loop3A_146 = vector.broadcast %parallel_loop3A_145 : i32 to vector<16xi32>
      %parallel_loop3A_147 = arith.addi %parallel_loop3A_84, %parallel_loop3A_146 : vector<16xi32>
      %parallel_loop3A_148 = tpu.vector_load_idx %arg6[%parallel_loop3A_147] : memref<4096xf32, #tpu.memory_space<vmem>>[vector<16xi32>], vector<16xf32>,
      %parallel_loop3A_149 = arith.constant 16 : i32
      %parallel_loop3A_150 = arith.muli %parallel_loop3A_78, %parallel_loop3A_149 : i32
      %parallel_loop3A_151 = arith.constant 27648 : i32
      %parallel_loop3A_152 = arith.addi %parallel_loop3A_151, %parallel_loop3A_150 : i32
      %parallel_loop3A_153 = arith.index_cast %parallel_loop3A_152 : i32 to index
      %parallel_loop3A_154 = tpu.vector_load %arg7[%parallel_loop3A_153] {strides = array<i32>} : memref<32768xf32, #tpu.memory_space<vmem>>, vector<16xf32>,
      tpu.vector_store %arg7[%parallel_loop3A_153], %parallel_loop3A_148 {strides = array<i32>} : memref<32768xf32, #tpu.memory_space<vmem>>, vector<16xf32>,
      %parallel_loop3A_155 = arith.constant 3520 : i32
      %parallel_loop3A_156 = vector.broadcast %parallel_loop3A_155 : i32 to vector<16xi32>
      %parallel_loop3A_157 = arith.addi %parallel_loop3A_84, %parallel_loop3A_156 : vector<16xi32>
      %parallel_loop3A_158 = tpu.vector_load_idx %arg6[%parallel_loop3A_157] : memref<4096xf32, #tpu.memory_space<vmem>>[vector<16xi32>], vector<16xf32>,
      %parallel_loop3A_159 = arith.constant 16 : i32
      %parallel_loop3A_160 = arith.muli %parallel_loop3A_78, %parallel_loop3A_159 : i32
      %parallel_loop3A_161 = arith.constant 28160 : i32
      %parallel_loop3A_162 = arith.addi %parallel_loop3A_161, %parallel_loop3A_160 : i32
      %parallel_loop3A_163 = arith.index_cast %parallel_loop3A_162 : i32 to index
      %parallel_loop3A_164 = tpu.vector_load %arg7[%parallel_loop3A_163] {strides = array<i32>} : memref<32768xf32, #tpu.memory_space<vmem>>, vector<16xf32>,
      tpu.vector_store %arg7[%parallel_loop3A_163], %parallel_loop3A_158 {strides = array<i32>} : memref<32768xf32, #tpu.memory_space<vmem>>, vector<16xf32>,
      %parallel_loop3A_165 = arith.constant 3584 : i32
      %parallel_loop3A_166 = vector.broadcast %parallel_loop3A_165 : i32 to vector<16xi32>
      %parallel_loop3A_167 = arith.addi %parallel_loop3A_84, %parallel_loop3A_166 : vector<16xi32>
      %parallel_loop3A_168 = tpu.vector_load_idx %arg6[%parallel_loop3A_167] : memref<4096xf32, #tpu.memory_space<vmem>>[vector<16xi32>], vector<16xf32>,
      %parallel_loop3A_169 = arith.constant 16 : i32
      %parallel_loop3A_170 = arith.muli %parallel_loop3A_78, %parallel_loop3A_169 : i32
      %parallel_loop3A_171 = arith.constant 28672 : i32
      %parallel_loop3A_172 = arith.addi %parallel_loop3A_171, %parallel_loop3A_170 : i32
      %parallel_loop3A_173 = arith.index_cast %parallel_loop3A_172 : i32 to index
      %parallel_loop3A_174 = tpu.vector_load %arg7[%parallel_loop3A_173] {strides = array<i32>} : memref<32768xf32, #tpu.memory_space<vmem>>, vector<16xf32>,
      tpu.vector_store %arg7[%parallel_loop3A_173], %parallel_loop3A_168 {strides = array<i32>} : memref<32768xf32, #tpu.memory_space<vmem>>, vector<16xf32>,
      %parallel_loop3A_175 = arith.constant 3648 : i32
      %parallel_loop3A_176 = vector.broadcast %parallel_loop3A_175 : i32 to vector<16xi32>
      %parallel_loop3A_177 = arith.addi %parallel_loop3A_84, %parallel_loop3A_176 : vector<16xi32>
      %parallel_loop3A_178 = tpu.vector_load_idx %arg6[%parallel_loop3A_177] : memref<4096xf32, #tpu.memory_space<vmem>>[vector<16xi32>], vector<16xf32>,
      %parallel_loop3A_179 = arith.constant 16 : i32
      %parallel_loop3A_180 = arith.muli %parallel_loop3A_78, %parallel_loop3A_179 : i32
      %parallel_loop3A_181 = arith.constant 29184 : i32
      %parallel_loop3A_182 = arith.addi %parallel_loop3A_181, %parallel_loop3A_180 : i32
      %parallel_loop3A_183 = arith.index_cast %parallel_loop3A_182 : i32 to index
      %parallel_loop3A_184 = tpu.vector_load %arg7[%parallel_loop3A_183] {strides = array<i32>} : memref<32768xf32, #tpu.memory_space<vmem>>, vector<16xf32>,
      tpu.vector_store %arg7[%parallel_loop3A_183], %parallel_loop3A_178 {strides = array<i32>} : memref<32768xf32, #tpu.memory_space<vmem>>, vector<16xf32>,
      %parallel_loop3A_185 = arith.constant 3712 : i32
      %parallel_loop3A_186 = vector.broadcast %parallel_loop3A_185 : i32 to vector<16xi32>
      %parallel_loop3A_187 = arith.addi %parallel_loop3A_84, %parallel_loop3A_186 : vector<16xi32>
      %parallel_loop3A_188 = tpu.vector_load_idx %arg6[%parallel_loop3A_187] : memref<4096xf32, #tpu.memory_space<vmem>>[vector<16xi32>], vector<16xf32>,
      %parallel_loop3A_189 = arith.constant 16 : i32
      %parallel_loop3A_190 = arith.muli %parallel_loop3A_78, %parallel_loop3A_189 : i32
      %parallel_loop3A_191 = arith.constant 29696 : i32
      %parallel_loop3A_192 = arith.addi %parallel_loop3A_191, %parallel_loop3A_190 : i32
      %parallel_loop3A_193 = arith.index_cast %parallel_loop3A_192 : i32 to index
      %parallel_loop3A_194 = tpu.vector_load %arg7[%parallel_loop3A_193] {strides = array<i32>} : memref<32768xf32, #tpu.memory_space<vmem>>, vector<16xf32>,
      tpu.vector_store %arg7[%parallel_loop3A_193], %parallel_loop3A_188 {strides = array<i32>} : memref<32768xf32, #tpu.memory_space<vmem>>, vector<16xf32>,
      %parallel_loop3A_195 = arith.constant 3776 : i32
      %parallel_loop3A_196 = vector.broadcast %parallel_loop3A_195 : i32 to vector<16xi32>
      %parallel_loop3A_197 = arith.addi %parallel_loop3A_84, %parallel_loop3A_196 : vector<16xi32>
      %parallel_loop3A_198 = tpu.vector_load_idx %arg6[%parallel_loop3A_197] : memref<4096xf32, #tpu.memory_space<vmem>>[vector<16xi32>], vector<16xf32>,
      %parallel_loop3A_199 = arith.constant 16 : i32
      %parallel_loop3A_200 = arith.muli %parallel_loop3A_78, %parallel_loop3A_199 : i32
      %parallel_loop3A_201 = arith.constant 30208 : i32
      %parallel_loop3A_202 = arith.addi %parallel_loop3A_201, %parallel_loop3A_200 : i32
      %parallel_loop3A_203 = arith.index_cast %parallel_loop3A_202 : i32 to index
      %parallel_loop3A_204 = tpu.vector_load %arg7[%parallel_loop3A_203] {strides = array<i32>} : memref<32768xf32, #tpu.memory_space<vmem>>, vector<16xf32>,
      tpu.vector_store %arg7[%parallel_loop3A_203], %parallel_loop3A_198 {strides = array<i32>} : memref<32768xf32, #tpu.memory_space<vmem>>, vector<16xf32>,
      %parallel_loop3A_205 = arith.constant 3840 : i32
      %parallel_loop3A_206 = vector.broadcast %parallel_loop3A_205 : i32 to vector<16xi32>
      %parallel_loop3A_207 = arith.addi %parallel_loop3A_84, %parallel_loop3A_206 : vector<16xi32>
      %parallel_loop3A_208 = tpu.vector_load_idx %arg6[%parallel_loop3A_207] : memref<4096xf32, #tpu.memory_space<vmem>>[vector<16xi32>], vector<16xf32>,
      %parallel_loop3A_209 = arith.constant 16 : i32
      %parallel_loop3A_210 = arith.muli %parallel_loop3A_78, %parallel_loop3A_209 : i32
      %parallel_loop3A_211 = arith.constant 30720 : i32
      %parallel_loop3A_212 = arith.addi %parallel_loop3A_211, %parallel_loop3A_210 : i32
      %parallel_loop3A_213 = arith.index_cast %parallel_loop3A_212 : i32 to index
      %parallel_loop3A_214 = tpu.vector_load %arg7[%parallel_loop3A_213] {strides = array<i32>} : memref<32768xf32, #tpu.memory_space<vmem>>, vector<16xf32>,
      tpu.vector_store %arg7[%parallel_loop3A_213], %parallel_loop3A_208 {strides = array<i32>} : memref<32768xf32, #tpu.memory_space<vmem>>, vector<16xf32>,
      %parallel_loop3A_215 = arith.constant 3904 : i32
      %parallel_loop3A_216 = vector.broadcast %parallel_loop3A_215 : i32 to vector<16xi32>
      %parallel_loop3A_217 = arith.addi %parallel_loop3A_84, %parallel_loop3A_216 : vector<16xi32>
      %parallel_loop3A_218 = tpu.vector_load_idx %arg6[%parallel_loop3A_217] : memref<4096xf32, #tpu.memory_space<vmem>>[vector<16xi32>], vector<16xf32>,
      %parallel_loop3A_219 = arith.constant 16 : i32
      %parallel_loop3A_220 = arith.muli %parallel_loop3A_78, %parallel_loop3A_219 : i32
      %parallel_loop3A_221 = arith.constant 31232 : i32
      %parallel_loop3A_222 = arith.addi %parallel_loop3A_221, %parallel_loop3A_220 : i32
      %parallel_loop3A_223 = arith.index_cast %parallel_loop3A_222 : i32 to index
      %parallel_loop3A_224 = tpu.vector_load %arg7[%parallel_loop3A_223] {strides = array<i32>} : memref<32768xf32, #tpu.memory_space<vmem>>, vector<16xf32>,
      tpu.vector_store %arg7[%parallel_loop3A_223], %parallel_loop3A_218 {strides = array<i32>} : memref<32768xf32, #tpu.memory_space<vmem>>, vector<16xf32>,
      %parallel_loop3A_225 = arith.constant 3968 : i32
      %parallel_loop3A_226 = vector.broadcast %parallel_loop3A_225 : i32 to vector<16xi32>
      %parallel_loop3A_227 = arith.addi %parallel_loop3A_84, %parallel_loop3A_226 : vector<16xi32>
      %parallel_loop3A_228 = tpu.vector_load_idx %arg6[%parallel_loop3A_227] : memref<4096xf32, #tpu.memory_space<vmem>>[vector<16xi32>], vector<16xf32>,
      %parallel_loop3A_229 = arith.constant 16 : i32
      %parallel_loop3A_230 = arith.muli %parallel_loop3A_78, %parallel_loop3A_229 : i32
      %parallel_loop3A_231 = arith.constant 31744 : i32
      %parallel_loop3A_232 = arith.addi %parallel_loop3A_231, %parallel_loop3A_230 : i32
      %parallel_loop3A_233 = arith.index_cast %parallel_loop3A_232 : i32 to index
      %parallel_loop3A_234 = tpu.vector_load %arg7[%parallel_loop3A_233] {strides = array<i32>} : memref<32768xf32, #tpu.memory_space<vmem>>, vector<16xf32>,
      tpu.vector_store %arg7[%parallel_loop3A_233], %parallel_loop3A_228 {strides = array<i32>} : memref<32768xf32, #tpu.memory_space<vmem>>, vector<16xf32>,
      %parallel_loop3A_235 = arith.constant 4032 : i32
      %parallel_loop3A_236 = vector.broadcast %parallel_loop3A_235 : i32 to vector<16xi32>
      %parallel_loop3A_237 = arith.addi %parallel_loop3A_84, %parallel_loop3A_236 : vector<16xi32>
      %parallel_loop3A_238 = tpu.vector_load_idx %arg6[%parallel_loop3A_237] : memref<4096xf32, #tpu.memory_space<vmem>>[vector<16xi32>], vector<16xf32>,
      %parallel_loop3A_239 = arith.constant 16 : i32
      %parallel_loop3A_240 = arith.muli %parallel_loop3A_78, %parallel_loop3A_239 : i32
      %parallel_loop3A_241 = arith.constant 32256 : i32
      %parallel_loop3A_242 = arith.addi %parallel_loop3A_241, %parallel_loop3A_240 : i32
      %parallel_loop3A_243 = arith.index_cast %parallel_loop3A_242 : i32 to index
      %parallel_loop3A_244 = tpu.vector_load %arg7[%parallel_loop3A_243] {strides = array<i32>} : memref<32768xf32, #tpu.memory_space<vmem>>, vector<16xf32>,
      tpu.vector_store %arg7[%parallel_loop3A_243], %parallel_loop3A_238 {strides = array<i32>} : memref<32768xf32, #tpu.memory_space<vmem>>, vector<16xf32>,
    } {sc.loop_unroll_factor = 4 : i64, sc.parallel_access}
    %mul3A_45 = arith.constant 32768 : i32
    %mul3A_46 = arith.muli %add3A, %mul3A_45 : i32
    %add3A_47 = arith.constant 24576 : i32
    %add3A_48 = arith.addi %mul3A_46, %add3A_47 : i32
    %dma_start3A_49 = arith.constant 24576 : i32
    %dma_start3A_50 = tpu.memref_slice %arg7[%dma_start3A_49] : memref<32768xf32, #tpu.memory_space<vmem>> -> memref<8192xf32, #tpu.memory_space<vmem>>
    %dma_start3A_51 = tpu.memref_slice %arg4[%add3A_48] : memref<1048576xf32, #tpu.memory_space<hbm>> -> memref<8192xf32, #tpu.memory_space<hbm>>
    %dma_start3A_52 = tpu.memref_slice %arg4[%add3A_48] : memref<1048576xf32, #tpu.memory_space<hbm>> -> memref<8192xf32, #tpu.memory_space<hbm>>
    %dma_start3A_53 = arith.constant 24576 : i32
    %dma_start3A_54 = tpu.memref_slice %arg7[%dma_start3A_53] : memref<32768xf32, #tpu.memory_space<vmem>> -> memref<8192xf32, #tpu.memory_space<vmem>>
    tpu.enqueue_dma source(%dma_start3A_54 : memref<8192xf32, #tpu.memory_space<vmem>>) target(%dma_start3A_52 : memref<8192xf32, #tpu.memory_space<hbm>>) target_semaphore(%arg8 : memref<!tpu.dma_semaphore, #tpu.memory_space<semaphore_mem>>)
    %dma_wait3A = arith.constant 0 : i32
    %dma_wait3A_55 = tpu.memref_slice %arg7[%dma_wait3A] : memref<32768xf32, #tpu.memory_space<vmem>> -> memref<8192xf32, #tpu.memory_space<vmem>>
    %dma_wait3A_56 = tpu.memref_slice %arg4[%add3A_10] : memref<1048576xf32, #tpu.memory_space<hbm>> -> memref<8192xf32, #tpu.memory_space<hbm>>
    %dma_wait3A_57 = tpu.memref_slice %arg4[%add3A_10] : memref<1048576xf32, #tpu.memory_space<hbm>> -> memref<8192xf32, #tpu.memory_space<hbm>>
    %dma_wait3A_58 = arith.constant 0 : i32
    %dma_wait3A_59 = tpu.memref_slice %arg7[%dma_wait3A_58] : memref<32768xf32, #tpu.memory_space<vmem>> -> memref<8192xf32, #tpu.memory_space<vmem>>
    tpu.wait_dma2 semaphore(%arg8 : memref<!tpu.dma_semaphore, #tpu.memory_space<semaphore_mem>>) src(%dma_wait3A_59 : memref<8192xf32, #tpu.memory_space<vmem>>) dst(%dma_wait3A_57 : memref<8192xf32, #tpu.memory_space<hbm>>)
    %dma_wait3A_60 = arith.constant 8192 : i32
    %dma_wait3A_61 = tpu.memref_slice %arg7[%dma_wait3A_60] : memref<32768xf32, #tpu.memory_space<vmem>> -> memref<8192xf32, #tpu.memory_space<vmem>>
    %dma_wait3A_62 = tpu.memref_slice %arg4[%add3A_22] : memref<1048576xf32, #tpu.memory_space<hbm>> -> memref<8192xf32, #tpu.memory_space<hbm>>
    %dma_wait3A_63 = tpu.memref_slice %arg4[%add3A_22] : memref<1048576xf32, #tpu.memory_space<hbm>> -> memref<8192xf32, #tpu.memory_space<hbm>>
    %dma_wait3A_64 = arith.constant 8192 : i32
    %dma_wait3A_65 = tpu.memref_slice %arg7[%dma_wait3A_64] : memref<32768xf32, #tpu.memory_space<vmem>> -> memref<8192xf32, #tpu.memory_space<vmem>>
    tpu.wait_dma2 semaphore(%arg8 : memref<!tpu.dma_semaphore, #tpu.memory_space<semaphore_mem>>) src(%dma_wait3A_65 : memref<8192xf32, #tpu.memory_space<vmem>>) dst(%dma_wait3A_63 : memref<8192xf32, #tpu.memory_space<hbm>>)
    %dma_wait3A_66 = arith.constant 16384 : i32
    %dma_wait3A_67 = tpu.memref_slice %arg7[%dma_wait3A_66] : memref<32768xf32, #tpu.memory_space<vmem>> -> memref<8192xf32, #tpu.memory_space<vmem>>
    %dma_wait3A_68 = tpu.memref_slice %arg4[%add3A_35] : memref<1048576xf32, #tpu.memory_space<hbm>> -> memref<8192xf32, #tpu.memory_space<hbm>>
    %dma_wait3A_69 = tpu.memref_slice %arg4[%add3A_35] : memref<1048576xf32, #tpu.memory_space<hbm>> -> memref<8192xf32, #tpu.memory_space<hbm>>
    %dma_wait3A_70 = arith.constant 16384 : i32
    %dma_wait3A_71 = tpu.memref_slice %arg7[%dma_wait3A_70] : memref<32768xf32, #tpu.memory_space<vmem>> -> memref<8192xf32, #tpu.memory_space<vmem>>
    tpu.wait_dma2 semaphore(%arg8 : memref<!tpu.dma_semaphore, #tpu.memory_space<semaphore_mem>>) src(%dma_wait3A_71 : memref<8192xf32, #tpu.memory_space<vmem>>) dst(%dma_wait3A_69 : memref<8192xf32, #tpu.memory_space<hbm>>)
    %dma_wait3A_72 = arith.constant 24576 : i32
    %dma_wait3A_73 = tpu.memref_slice %arg7[%dma_wait3A_72] : memref<32768xf32, #tpu.memory_space<vmem>> -> memref<8192xf32, #tpu.memory_space<vmem>>
    %dma_wait3A_74 = tpu.memref_slice %arg4[%add3A_48] : memref<1048576xf32, #tpu.memory_space<hbm>> -> memref<8192xf32, #tpu.memory_space<hbm>>
    %dma_wait3A_75 = tpu.memref_slice %arg4[%add3A_48] : memref<1048576xf32, #tpu.memory_space<hbm>> -> memref<8192xf32, #tpu.memory_space<hbm>>
    %dma_wait3A_76 = arith.constant 24576 : i32
    %dma_wait3A_77 = tpu.memref_slice %arg7[%dma_wait3A_76] : memref<32768xf32, #tpu.memory_space<vmem>> -> memref<8192xf32, #tpu.memory_space<vmem>>
    tpu.wait_dma2 semaphore(%arg8 : memref<!tpu.dma_semaphore, #tpu.memory_space<semaphore_mem>>) src(%dma_wait3A_77 : memref<8192xf32, #tpu.memory_space<vmem>>) dst(%dma_wait3A_75 : memref<8192xf32, #tpu.memory_space<hbm>>)
    return
  }
}

module attributes {stable_mosaic.version = 14 : i64} {
  func.func @_levels_kernel(%arg0: memref<128x16x512xf32, #tpu.memory_space<vmem>>, %arg1: memref<128x16xf32, #tpu.memory_space<vmem>>, %arg2: memref<127x16x256xf32, #tpu.memory_space<vmem>>, %arg3: memref<1x16xf32, #tpu.memory_space<vmem>>, %arg4: memref<1x512xf32, #tpu.memory_space<vmem>>) attributes {dimension_semantics = [], scalar_prefetch = 0 : i64, scratch_operands = 0 : i64, tpu.core_type = #tpu.core_type<tc>} {
    %get3A = arith.constant 0 : index
    %get3A_0 = arith.constant 0 : index
    %get3A_1 = arith.constant 0 : index
    %get3A_2 = vector.load %arg0[%get3A, %get3A_0, %get3A_1] : memref<128x16x512xf32, #tpu.memory_space<vmem>>, vector<128x16x512xf32>
    %get3A_3 = arith.constant 0 : index
    %get3A_4 = arith.constant 0 : index
    %get3A_5 = vector.load %arg1[%get3A_3, %get3A_4] : memref<128x16xf32, #tpu.memory_space<vmem>>, vector<128x16xf32>
    %broadcast_in_dim3A = vector.shape_cast %get3A_5 : vector<128x16xf32> to vector<128x16x1xf32>
    %sub3A = vector.broadcast %broadcast_in_dim3A : vector<128x16x1xf32> to vector<128x16x512xf32>
    %sub3A_6 = arith.subf %get3A_2, %sub3A : vector<128x16x512xf32>
    %reshape3A = vector.shape_cast %sub3A_6 : vector<128x16x512xf32> to vector<64x2x16x512xf32>
    %slice3A = vector.extract_strided_slice %reshape3A {offsets = [0, 0, 0, 0], sizes = [64, 1, 16, 512], strides = [1, 1, 1, 1]} : vector<64x2x16x512xf32> to vector<64x1x16x512xf32>
    %squeeze3A = vector.shape_cast %slice3A : vector<64x1x16x512xf32> to vector<64x16x512xf32>
    %slice3A_7 = vector.extract_strided_slice %reshape3A {offsets = [0, 1, 0, 0], sizes = [64, 1, 16, 512], strides = [1, 1, 1, 1]} : vector<64x2x16x512xf32> to vector<64x1x16x512xf32>
    %squeeze3A_8 = vector.shape_cast %slice3A_7 : vector<64x1x16x512xf32> to vector<64x16x512xf32>
    %reduce_max3A = arith.constant dense<0xFF800000> : vector<64x512xf32>
    %reduce_max3A_9 = vector.multi_reduction <maximumf>, %squeeze3A, %reduce_max3A [1] : vector<64x16x512xf32> to vector<64x512xf32>
    %broadcast_in_dim3A_10 = vector.shape_cast %reduce_max3A_9 : vector<64x512xf32> to vector<64x1x512xf32>
    %reduce_max3A_11 = arith.constant dense<0xFF800000> : vector<64x512xf32>
    %reduce_max3A_12 = vector.multi_reduction <maximumf>, %squeeze3A_8, %reduce_max3A_11 [1] : vector<64x16x512xf32> to vector<64x512xf32>
    %broadcast_in_dim3A_13 = vector.shape_cast %reduce_max3A_12 : vector<64x512xf32> to vector<64x1x512xf32>
    %sub3A_14 = vector.broadcast %broadcast_in_dim3A_10 : vector<64x1x512xf32> to vector<64x16x512xf32>
    %sub3A_15 = arith.subf %squeeze3A, %sub3A_14 : vector<64x16x512xf32>
    %exp3A = math.exp %sub3A_15 : vector<64x16x512xf32>
    %sub3A_16 = vector.broadcast %broadcast_in_dim3A_13 : vector<64x1x512xf32> to vector<64x16x512xf32>
    %sub3A_17 = arith.subf %squeeze3A_8, %sub3A_16 : vector<64x16x512xf32>
    %exp3A_18 = math.exp %sub3A_17 : vector<64x16x512xf32>
    %broadcast_in_dim3A_19 = vector.shape_cast %exp3A : vector<64x16x512xf32> to vector<64x16x1x512xf32>
    %broadcast_in_dim3A_20 = vector.shape_cast %exp3A_18 : vector<64x16x512xf32> to vector<64x1x16x512xf32>
    %mul3A = vector.broadcast %broadcast_in_dim3A_19 : vector<64x16x1x512xf32> to vector<64x16x16x512xf32>
    %mul3A_21 = vector.broadcast %broadcast_in_dim3A_20 : vector<64x1x16x512xf32> to vector<64x16x16x512xf32>
    %mul3A_22 = arith.mulf %mul3A, %mul3A_21 : vector<64x16x16x512xf32>
    %reshape3A_23 = vector.shape_cast %mul3A_22 : vector<64x16x16x512xf32> to vector<64x256x512xf32>
    %get3A_24 = arith.constant 0 : index
    %get3A_25 = arith.constant 0 : index
    %get3A_26 = arith.constant 0 : index
    %get3A_27 = vector.load %arg2[%get3A_24, %get3A_25, %get3A_26] : memref<127x16x256xf32, #tpu.memory_space<vmem>>, vector<64x16x256xf32>
    %dot_general3A = arith.constant dense<0.000000e+00> : vector<64x16x512xf32>
    %dot_general3A_28 = tpu.matmul %get3A_27, %reshape3A_23, %dot_general3A {dimension_numbers = #tpu.dot_dimension_numbers<[2], [1], [1], [2], [0, 0, 0, 1, 1, 2], [0], [0]>, transpose_lhs_hint = false} : vector<64x16x256xf32>, vector<64x256x512xf32>, vector<64x16x512xf32> -> vector<64x16x512xf32>
    %log3A = math.log %dot_general3A_28 : vector<64x16x512xf32>
    %add3A = vector.broadcast %broadcast_in_dim3A_10 : vector<64x1x512xf32> to vector<64x16x512xf32>
    %add3A_29 = arith.addf %log3A, %add3A : vector<64x16x512xf32>
    %add3A_30 = vector.broadcast %broadcast_in_dim3A_13 : vector<64x1x512xf32> to vector<64x16x512xf32>
    %add3A_31 = arith.addf %add3A_29, %add3A_30 : vector<64x16x512xf32>
    %reshape3A_32 = vector.shape_cast %add3A_31 : vector<64x16x512xf32> to vector<32x2x16x512xf32>
    %slice3A_33 = vector.extract_strided_slice %reshape3A_32 {offsets = [0, 0, 0, 0], sizes = [32, 1, 16, 512], strides = [1, 1, 1, 1]} : vector<32x2x16x512xf32> to vector<32x1x16x512xf32>
    %squeeze3A_34 = vector.shape_cast %slice3A_33 : vector<32x1x16x512xf32> to vector<32x16x512xf32>
    %slice3A_35 = vector.extract_strided_slice %reshape3A_32 {offsets = [0, 1, 0, 0], sizes = [32, 1, 16, 512], strides = [1, 1, 1, 1]} : vector<32x2x16x512xf32> to vector<32x1x16x512xf32>
    %squeeze3A_36 = vector.shape_cast %slice3A_35 : vector<32x1x16x512xf32> to vector<32x16x512xf32>
    %reduce_max3A_37 = arith.constant dense<0xFF800000> : vector<32x512xf32>
    %reduce_max3A_38 = vector.multi_reduction <maximumf>, %squeeze3A_34, %reduce_max3A_37 [1] : vector<32x16x512xf32> to vector<32x512xf32>
    %broadcast_in_dim3A_39 = vector.shape_cast %reduce_max3A_38 : vector<32x512xf32> to vector<32x1x512xf32>
    %reduce_max3A_40 = arith.constant dense<0xFF800000> : vector<32x512xf32>
    %reduce_max3A_41 = vector.multi_reduction <maximumf>, %squeeze3A_36, %reduce_max3A_40 [1] : vector<32x16x512xf32> to vector<32x512xf32>
    %broadcast_in_dim3A_42 = vector.shape_cast %reduce_max3A_41 : vector<32x512xf32> to vector<32x1x512xf32>
    %sub3A_43 = vector.broadcast %broadcast_in_dim3A_39 : vector<32x1x512xf32> to vector<32x16x512xf32>
    %sub3A_44 = arith.subf %squeeze3A_34, %sub3A_43 : vector<32x16x512xf32>
    %exp3A_45 = math.exp %sub3A_44 : vector<32x16x512xf32>
    %sub3A_46 = vector.broadcast %broadcast_in_dim3A_42 : vector<32x1x512xf32> to vector<32x16x512xf32>
    %sub3A_47 = arith.subf %squeeze3A_36, %sub3A_46 : vector<32x16x512xf32>
    %exp3A_48 = math.exp %sub3A_47 : vector<32x16x512xf32>
    %broadcast_in_dim3A_49 = vector.shape_cast %exp3A_45 : vector<32x16x512xf32> to vector<32x16x1x512xf32>
    %broadcast_in_dim3A_50 = vector.shape_cast %exp3A_48 : vector<32x16x512xf32> to vector<32x1x16x512xf32>
    %mul3A_51 = vector.broadcast %broadcast_in_dim3A_49 : vector<32x16x1x512xf32> to vector<32x16x16x512xf32>
    %mul3A_52 = vector.broadcast %broadcast_in_dim3A_50 : vector<32x1x16x512xf32> to vector<32x16x16x512xf32>
    %mul3A_53 = arith.mulf %mul3A_51, %mul3A_52 : vector<32x16x16x512xf32>
    %reshape3A_54 = vector.shape_cast %mul3A_53 : vector<32x16x16x512xf32> to vector<32x256x512xf32>
    %get3A_55 = arith.constant 64 : index
    %get3A_56 = arith.constant 0 : index
    %get3A_57 = arith.constant 0 : index
    %get3A_58 = vector.load %arg2[%get3A_55, %get3A_56, %get3A_57] : memref<127x16x256xf32, #tpu.memory_space<vmem>>, vector<32x16x256xf32>
    %dot_general3A_59 = arith.constant dense<0.000000e+00> : vector<32x16x512xf32>
    %dot_general3A_60 = tpu.matmul %get3A_58, %reshape3A_54, %dot_general3A_59 {dimension_numbers = #tpu.dot_dimension_numbers<[2], [1], [1], [2], [0, 0, 0, 1, 1, 2], [0], [0]>, transpose_lhs_hint = false} : vector<32x16x256xf32>, vector<32x256x512xf32>, vector<32x16x512xf32> -> vector<32x16x512xf32>
    %log3A_61 = math.log %dot_general3A_60 : vector<32x16x512xf32>
    %add3A_62 = vector.broadcast %broadcast_in_dim3A_39 : vector<32x1x512xf32> to vector<32x16x512xf32>
    %add3A_63 = arith.addf %log3A_61, %add3A_62 : vector<32x16x512xf32>
    %add3A_64 = vector.broadcast %broadcast_in_dim3A_42 : vector<32x1x512xf32> to vector<32x16x512xf32>
    %add3A_65 = arith.addf %add3A_63, %add3A_64 : vector<32x16x512xf32>
    %reshape3A_66 = vector.shape_cast %add3A_65 : vector<32x16x512xf32> to vector<16x2x16x512xf32>
    %slice3A_67 = vector.extract_strided_slice %reshape3A_66 {offsets = [0, 0, 0, 0], sizes = [16, 1, 16, 512], strides = [1, 1, 1, 1]} : vector<16x2x16x512xf32> to vector<16x1x16x512xf32>
    %squeeze3A_68 = vector.shape_cast %slice3A_67 : vector<16x1x16x512xf32> to vector<16x16x512xf32>
    %slice3A_69 = vector.extract_strided_slice %reshape3A_66 {offsets = [0, 1, 0, 0], sizes = [16, 1, 16, 512], strides = [1, 1, 1, 1]} : vector<16x2x16x512xf32> to vector<16x1x16x512xf32>
    %squeeze3A_70 = vector.shape_cast %slice3A_69 : vector<16x1x16x512xf32> to vector<16x16x512xf32>
    %reduce_max3A_71 = arith.constant dense<0xFF800000> : vector<16x512xf32>
    %reduce_max3A_72 = vector.multi_reduction <maximumf>, %squeeze3A_68, %reduce_max3A_71 [1] : vector<16x16x512xf32> to vector<16x512xf32>
    %broadcast_in_dim3A_73 = vector.shape_cast %reduce_max3A_72 : vector<16x512xf32> to vector<16x1x512xf32>
    %reduce_max3A_74 = arith.constant dense<0xFF800000> : vector<16x512xf32>
    %reduce_max3A_75 = vector.multi_reduction <maximumf>, %squeeze3A_70, %reduce_max3A_74 [1] : vector<16x16x512xf32> to vector<16x512xf32>
    %broadcast_in_dim3A_76 = vector.shape_cast %reduce_max3A_75 : vector<16x512xf32> to vector<16x1x512xf32>
    %sub3A_77 = vector.broadcast %broadcast_in_dim3A_73 : vector<16x1x512xf32> to vector<16x16x512xf32>
    %sub3A_78 = arith.subf %squeeze3A_68, %sub3A_77 : vector<16x16x512xf32>
    %exp3A_79 = math.exp %sub3A_78 : vector<16x16x512xf32>
    %sub3A_80 = vector.broadcast %broadcast_in_dim3A_76 : vector<16x1x512xf32> to vector<16x16x512xf32>
    %sub3A_81 = arith.subf %squeeze3A_70, %sub3A_80 : vector<16x16x512xf32>
    %exp3A_82 = math.exp %sub3A_81 : vector<16x16x512xf32>
    %broadcast_in_dim3A_83 = vector.shape_cast %exp3A_79 : vector<16x16x512xf32> to vector<16x16x1x512xf32>
    %broadcast_in_dim3A_84 = vector.shape_cast %exp3A_82 : vector<16x16x512xf32> to vector<16x1x16x512xf32>
    %mul3A_85 = vector.broadcast %broadcast_in_dim3A_83 : vector<16x16x1x512xf32> to vector<16x16x16x512xf32>
    %mul3A_86 = vector.broadcast %broadcast_in_dim3A_84 : vector<16x1x16x512xf32> to vector<16x16x16x512xf32>
    %mul3A_87 = arith.mulf %mul3A_85, %mul3A_86 : vector<16x16x16x512xf32>
    %reshape3A_88 = vector.shape_cast %mul3A_87 : vector<16x16x16x512xf32> to vector<16x256x512xf32>
    %get3A_89 = arith.constant 96 : index
    %get3A_90 = arith.constant 0 : index
    %get3A_91 = arith.constant 0 : index
    %get3A_92 = vector.load %arg2[%get3A_89, %get3A_90, %get3A_91] : memref<127x16x256xf32, #tpu.memory_space<vmem>>, vector<16x16x256xf32>
    %dot_general3A_93 = arith.constant dense<0.000000e+00> : vector<16x16x512xf32>
    %dot_general3A_94 = tpu.matmul %get3A_92, %reshape3A_88, %dot_general3A_93 {dimension_numbers = #tpu.dot_dimension_numbers<[2], [1], [1], [2], [0, 0, 0, 1, 1, 2], [0], [0]>, transpose_lhs_hint = false} : vector<16x16x256xf32>, vector<16x256x512xf32>, vector<16x16x512xf32> -> vector<16x16x512xf32>
    %log3A_95 = math.log %dot_general3A_94 : vector<16x16x512xf32>
    %add3A_96 = vector.broadcast %broadcast_in_dim3A_73 : vector<16x1x512xf32> to vector<16x16x512xf32>
    %add3A_97 = arith.addf %log3A_95, %add3A_96 : vector<16x16x512xf32>
    %add3A_98 = vector.broadcast %broadcast_in_dim3A_76 : vector<16x1x512xf32> to vector<16x16x512xf32>
    %add3A_99 = arith.addf %add3A_97, %add3A_98 : vector<16x16x512xf32>
    %reshape3A_100 = vector.shape_cast %add3A_99 : vector<16x16x512xf32> to vector<8x2x16x512xf32>
    %slice3A_101 = vector.extract_strided_slice %reshape3A_100 {offsets = [0, 0, 0, 0], sizes = [8, 1, 16, 512], strides = [1, 1, 1, 1]} : vector<8x2x16x512xf32> to vector<8x1x16x512xf32>
    %squeeze3A_102 = vector.shape_cast %slice3A_101 : vector<8x1x16x512xf32> to vector<8x16x512xf32>
    %slice3A_103 = vector.extract_strided_slice %reshape3A_100 {offsets = [0, 1, 0, 0], sizes = [8, 1, 16, 512], strides = [1, 1, 1, 1]} : vector<8x2x16x512xf32> to vector<8x1x16x512xf32>
    %squeeze3A_104 = vector.shape_cast %slice3A_103 : vector<8x1x16x512xf32> to vector<8x16x512xf32>
    %reduce_max3A_105 = arith.constant dense<0xFF800000> : vector<8x512xf32>
    %reduce_max3A_106 = vector.multi_reduction <maximumf>, %squeeze3A_102, %reduce_max3A_105 [1] : vector<8x16x512xf32> to vector<8x512xf32>
    %broadcast_in_dim3A_107 = vector.shape_cast %reduce_max3A_106 : vector<8x512xf32> to vector<8x1x512xf32>
    %reduce_max3A_108 = arith.constant dense<0xFF800000> : vector<8x512xf32>
    %reduce_max3A_109 = vector.multi_reduction <maximumf>, %squeeze3A_104, %reduce_max3A_108 [1] : vector<8x16x512xf32> to vector<8x512xf32>
    %broadcast_in_dim3A_110 = vector.shape_cast %reduce_max3A_109 : vector<8x512xf32> to vector<8x1x512xf32>
    %sub3A_111 = vector.broadcast %broadcast_in_dim3A_107 : vector<8x1x512xf32> to vector<8x16x512xf32>
    %sub3A_112 = arith.subf %squeeze3A_102, %sub3A_111 : vector<8x16x512xf32>
    %exp3A_113 = math.exp %sub3A_112 : vector<8x16x512xf32>
    %sub3A_114 = vector.broadcast %broadcast_in_dim3A_110 : vector<8x1x512xf32> to vector<8x16x512xf32>
    %sub3A_115 = arith.subf %squeeze3A_104, %sub3A_114 : vector<8x16x512xf32>
    %exp3A_116 = math.exp %sub3A_115 : vector<8x16x512xf32>
    %broadcast_in_dim3A_117 = vector.shape_cast %exp3A_113 : vector<8x16x512xf32> to vector<8x16x1x512xf32>
    %broadcast_in_dim3A_118 = vector.shape_cast %exp3A_116 : vector<8x16x512xf32> to vector<8x1x16x512xf32>
    %mul3A_119 = vector.broadcast %broadcast_in_dim3A_117 : vector<8x16x1x512xf32> to vector<8x16x16x512xf32>
    %mul3A_120 = vector.broadcast %broadcast_in_dim3A_118 : vector<8x1x16x512xf32> to vector<8x16x16x512xf32>
    %mul3A_121 = arith.mulf %mul3A_119, %mul3A_120 : vector<8x16x16x512xf32>
    %reshape3A_122 = vector.shape_cast %mul3A_121 : vector<8x16x16x512xf32> to vector<8x256x512xf32>
    %get3A_123 = arith.constant 112 : index
    %get3A_124 = arith.constant 0 : index
    %get3A_125 = arith.constant 0 : index
    %get3A_126 = vector.load %arg2[%get3A_123, %get3A_124, %get3A_125] : memref<127x16x256xf32, #tpu.memory_space<vmem>>, vector<8x16x256xf32>
    %dot_general3A_127 = arith.constant dense<0.000000e+00> : vector<8x16x512xf32>
    %dot_general3A_128 = tpu.matmul %get3A_126, %reshape3A_122, %dot_general3A_127 {dimension_numbers = #tpu.dot_dimension_numbers<[2], [1], [1], [2], [0, 0, 0, 1, 1, 2], [0], [0]>, transpose_lhs_hint = false} : vector<8x16x256xf32>, vector<8x256x512xf32>, vector<8x16x512xf32> -> vector<8x16x512xf32>
    %log3A_129 = math.log %dot_general3A_128 : vector<8x16x512xf32>
    %add3A_130 = vector.broadcast %broadcast_in_dim3A_107 : vector<8x1x512xf32> to vector<8x16x512xf32>
    %add3A_131 = arith.addf %log3A_129, %add3A_130 : vector<8x16x512xf32>
    %add3A_132 = vector.broadcast %broadcast_in_dim3A_110 : vector<8x1x512xf32> to vector<8x16x512xf32>
    %add3A_133 = arith.addf %add3A_131, %add3A_132 : vector<8x16x512xf32>
    %reshape3A_134 = vector.shape_cast %add3A_133 : vector<8x16x512xf32> to vector<4x2x16x512xf32>
    %slice3A_135 = vector.extract_strided_slice %reshape3A_134 {offsets = [0, 0, 0, 0], sizes = [4, 1, 16, 512], strides = [1, 1, 1, 1]} : vector<4x2x16x512xf32> to vector<4x1x16x512xf32>
    %squeeze3A_136 = vector.shape_cast %slice3A_135 : vector<4x1x16x512xf32> to vector<4x16x512xf32>
    %slice3A_137 = vector.extract_strided_slice %reshape3A_134 {offsets = [0, 1, 0, 0], sizes = [4, 1, 16, 512], strides = [1, 1, 1, 1]} : vector<4x2x16x512xf32> to vector<4x1x16x512xf32>
    %squeeze3A_138 = vector.shape_cast %slice3A_137 : vector<4x1x16x512xf32> to vector<4x16x512xf32>
    %reduce_max3A_139 = arith.constant dense<0xFF800000> : vector<4x512xf32>
    %reduce_max3A_140 = vector.multi_reduction <maximumf>, %squeeze3A_136, %reduce_max3A_139 [1] : vector<4x16x512xf32> to vector<4x512xf32>
    %broadcast_in_dim3A_141 = vector.shape_cast %reduce_max3A_140 : vector<4x512xf32> to vector<4x1x512xf32>
    %reduce_max3A_142 = arith.constant dense<0xFF800000> : vector<4x512xf32>
    %reduce_max3A_143 = vector.multi_reduction <maximumf>, %squeeze3A_138, %reduce_max3A_142 [1] : vector<4x16x512xf32> to vector<4x512xf32>
    %broadcast_in_dim3A_144 = vector.shape_cast %reduce_max3A_143 : vector<4x512xf32> to vector<4x1x512xf32>
    %sub3A_145 = vector.broadcast %broadcast_in_dim3A_141 : vector<4x1x512xf32> to vector<4x16x512xf32>
    %sub3A_146 = arith.subf %squeeze3A_136, %sub3A_145 : vector<4x16x512xf32>
    %exp3A_147 = math.exp %sub3A_146 : vector<4x16x512xf32>
    %sub3A_148 = vector.broadcast %broadcast_in_dim3A_144 : vector<4x1x512xf32> to vector<4x16x512xf32>
    %sub3A_149 = arith.subf %squeeze3A_138, %sub3A_148 : vector<4x16x512xf32>
    %exp3A_150 = math.exp %sub3A_149 : vector<4x16x512xf32>
    %broadcast_in_dim3A_151 = vector.shape_cast %exp3A_147 : vector<4x16x512xf32> to vector<4x16x1x512xf32>
    %broadcast_in_dim3A_152 = vector.shape_cast %exp3A_150 : vector<4x16x512xf32> to vector<4x1x16x512xf32>
    %mul3A_153 = vector.broadcast %broadcast_in_dim3A_151 : vector<4x16x1x512xf32> to vector<4x16x16x512xf32>
    %mul3A_154 = vector.broadcast %broadcast_in_dim3A_152 : vector<4x1x16x512xf32> to vector<4x16x16x512xf32>
    %mul3A_155 = arith.mulf %mul3A_153, %mul3A_154 : vector<4x16x16x512xf32>
    %reshape3A_156 = vector.shape_cast %mul3A_155 : vector<4x16x16x512xf32> to vector<4x256x512xf32>
    %get3A_157 = arith.constant 120 : index
    %get3A_158 = arith.constant 0 : index
    %get3A_159 = arith.constant 0 : index
    %get3A_160 = vector.load %arg2[%get3A_157, %get3A_158, %get3A_159] : memref<127x16x256xf32, #tpu.memory_space<vmem>>, vector<4x16x256xf32>
    %dot_general3A_161 = arith.constant dense<0.000000e+00> : vector<4x16x512xf32>
    %dot_general3A_162 = tpu.matmul %get3A_160, %reshape3A_156, %dot_general3A_161 {dimension_numbers = #tpu.dot_dimension_numbers<[2], [1], [1], [2], [0, 0, 0, 1, 1, 2], [0], [0]>, transpose_lhs_hint = false} : vector<4x16x256xf32>, vector<4x256x512xf32>, vector<4x16x512xf32> -> vector<4x16x512xf32>
    %log3A_163 = math.log %dot_general3A_162 : vector<4x16x512xf32>
    %add3A_164 = vector.broadcast %broadcast_in_dim3A_141 : vector<4x1x512xf32> to vector<4x16x512xf32>
    %add3A_165 = arith.addf %log3A_163, %add3A_164 : vector<4x16x512xf32>
    %add3A_166 = vector.broadcast %broadcast_in_dim3A_144 : vector<4x1x512xf32> to vector<4x16x512xf32>
    %add3A_167 = arith.addf %add3A_165, %add3A_166 : vector<4x16x512xf32>
    %reshape3A_168 = vector.shape_cast %add3A_167 : vector<4x16x512xf32> to vector<2x2x16x512xf32>
    %slice3A_169 = vector.extract_strided_slice %reshape3A_168 {offsets = [0, 0, 0, 0], sizes = [2, 1, 16, 512], strides = [1, 1, 1, 1]} : vector<2x2x16x512xf32> to vector<2x1x16x512xf32>
    %squeeze3A_170 = vector.shape_cast %slice3A_169 : vector<2x1x16x512xf32> to vector<2x16x512xf32>
    %slice3A_171 = vector.extract_strided_slice %reshape3A_168 {offsets = [0, 1, 0, 0], sizes = [2, 1, 16, 512], strides = [1, 1, 1, 1]} : vector<2x2x16x512xf32> to vector<2x1x16x512xf32>
    %squeeze3A_172 = vector.shape_cast %slice3A_171 : vector<2x1x16x512xf32> to vector<2x16x512xf32>
    %reduce_max3A_173 = arith.constant dense<0xFF800000> : vector<2x512xf32>
    %reduce_max3A_174 = vector.multi_reduction <maximumf>, %squeeze3A_170, %reduce_max3A_173 [1] : vector<2x16x512xf32> to vector<2x512xf32>
    %broadcast_in_dim3A_175 = vector.shape_cast %reduce_max3A_174 : vector<2x512xf32> to vector<2x1x512xf32>
    %reduce_max3A_176 = arith.constant dense<0xFF800000> : vector<2x512xf32>
    %reduce_max3A_177 = vector.multi_reduction <maximumf>, %squeeze3A_172, %reduce_max3A_176 [1] : vector<2x16x512xf32> to vector<2x512xf32>
    %broadcast_in_dim3A_178 = vector.shape_cast %reduce_max3A_177 : vector<2x512xf32> to vector<2x1x512xf32>
    %sub3A_179 = vector.broadcast %broadcast_in_dim3A_175 : vector<2x1x512xf32> to vector<2x16x512xf32>
    %sub3A_180 = arith.subf %squeeze3A_170, %sub3A_179 : vector<2x16x512xf32>
    %exp3A_181 = math.exp %sub3A_180 : vector<2x16x512xf32>
    %sub3A_182 = vector.broadcast %broadcast_in_dim3A_178 : vector<2x1x512xf32> to vector<2x16x512xf32>
    %sub3A_183 = arith.subf %squeeze3A_172, %sub3A_182 : vector<2x16x512xf32>
    %exp3A_184 = math.exp %sub3A_183 : vector<2x16x512xf32>
    %broadcast_in_dim3A_185 = vector.shape_cast %exp3A_181 : vector<2x16x512xf32> to vector<2x16x1x512xf32>
    %broadcast_in_dim3A_186 = vector.shape_cast %exp3A_184 : vector<2x16x512xf32> to vector<2x1x16x512xf32>
    %mul3A_187 = vector.broadcast %broadcast_in_dim3A_185 : vector<2x16x1x512xf32> to vector<2x16x16x512xf32>
    %mul3A_188 = vector.broadcast %broadcast_in_dim3A_186 : vector<2x1x16x512xf32> to vector<2x16x16x512xf32>
    %mul3A_189 = arith.mulf %mul3A_187, %mul3A_188 : vector<2x16x16x512xf32>
    %reshape3A_190 = vector.shape_cast %mul3A_189 : vector<2x16x16x512xf32> to vector<2x256x512xf32>
    %get3A_191 = arith.constant 124 : index
    %get3A_192 = arith.constant 0 : index
    %get3A_193 = arith.constant 0 : index
    %get3A_194 = vector.load %arg2[%get3A_191, %get3A_192, %get3A_193] : memref<127x16x256xf32, #tpu.memory_space<vmem>>, vector<2x16x256xf32>
    %dot_general3A_195 = arith.constant dense<0.000000e+00> : vector<2x16x512xf32>
    %dot_general3A_196 = tpu.matmul %get3A_194, %reshape3A_190, %dot_general3A_195 {dimension_numbers = #tpu.dot_dimension_numbers<[2], [1], [1], [2], [0, 0, 0, 1, 1, 2], [0], [0]>, transpose_lhs_hint = false} : vector<2x16x256xf32>, vector<2x256x512xf32>, vector<2x16x512xf32> -> vector<2x16x512xf32>
    %log3A_197 = math.log %dot_general3A_196 : vector<2x16x512xf32>
    %add3A_198 = vector.broadcast %broadcast_in_dim3A_175 : vector<2x1x512xf32> to vector<2x16x512xf32>
    %add3A_199 = arith.addf %log3A_197, %add3A_198 : vector<2x16x512xf32>
    %add3A_200 = vector.broadcast %broadcast_in_dim3A_178 : vector<2x1x512xf32> to vector<2x16x512xf32>
    %add3A_201 = arith.addf %add3A_199, %add3A_200 : vector<2x16x512xf32>
    %reshape3A_202 = vector.shape_cast %add3A_201 : vector<2x16x512xf32> to vector<1x2x16x512xf32>
    %slice3A_203 = vector.extract_strided_slice %reshape3A_202 {offsets = [0, 0, 0, 0], sizes = [1, 1, 16, 512], strides = [1, 1, 1, 1]} : vector<1x2x16x512xf32> to vector<1x1x16x512xf32>
    %squeeze3A_204 = vector.shape_cast %slice3A_203 : vector<1x1x16x512xf32> to vector<1x16x512xf32>
    %slice3A_205 = vector.extract_strided_slice %reshape3A_202 {offsets = [0, 1, 0, 0], sizes = [1, 1, 16, 512], strides = [1, 1, 1, 1]} : vector<1x2x16x512xf32> to vector<1x1x16x512xf32>
    %squeeze3A_206 = vector.shape_cast %slice3A_205 : vector<1x1x16x512xf32> to vector<1x16x512xf32>
    %reduce_max3A_207 = arith.constant dense<0xFF800000> : vector<1x512xf32>
    %reduce_max3A_208 = vector.multi_reduction <maximumf>, %squeeze3A_204, %reduce_max3A_207 [1] : vector<1x16x512xf32> to vector<1x512xf32>
    %broadcast_in_dim3A_209 = vector.shape_cast %reduce_max3A_208 : vector<1x512xf32> to vector<1x1x512xf32>
    %reduce_max3A_210 = arith.constant dense<0xFF800000> : vector<1x512xf32>
    %reduce_max3A_211 = vector.multi_reduction <maximumf>, %squeeze3A_206, %reduce_max3A_210 [1] : vector<1x16x512xf32> to vector<1x512xf32>
    %broadcast_in_dim3A_212 = vector.shape_cast %reduce_max3A_211 : vector<1x512xf32> to vector<1x1x512xf32>
    %sub3A_213 = vector.broadcast %broadcast_in_dim3A_209 : vector<1x1x512xf32> to vector<1x16x512xf32>
    %sub3A_214 = arith.subf %squeeze3A_204, %sub3A_213 : vector<1x16x512xf32>
    %exp3A_215 = math.exp %sub3A_214 : vector<1x16x512xf32>
    %sub3A_216 = vector.broadcast %broadcast_in_dim3A_212 : vector<1x1x512xf32> to vector<1x16x512xf32>
    %sub3A_217 = arith.subf %squeeze3A_206, %sub3A_216 : vector<1x16x512xf32>
    %exp3A_218 = math.exp %sub3A_217 : vector<1x16x512xf32>
    %broadcast_in_dim3A_219 = vector.shape_cast %exp3A_215 : vector<1x16x512xf32> to vector<1x16x1x512xf32>
    %broadcast_in_dim3A_220 = vector.shape_cast %exp3A_218 : vector<1x16x512xf32> to vector<1x1x16x512xf32>
    %mul3A_221 = vector.broadcast %broadcast_in_dim3A_219 : vector<1x16x1x512xf32> to vector<1x16x16x512xf32>
    %mul3A_222 = vector.broadcast %broadcast_in_dim3A_220 : vector<1x1x16x512xf32> to vector<1x16x16x512xf32>
    %mul3A_223 = arith.mulf %mul3A_221, %mul3A_222 : vector<1x16x16x512xf32>
    %reshape3A_224 = vector.shape_cast %mul3A_223 : vector<1x16x16x512xf32> to vector<1x256x512xf32>
    %get3A_225 = arith.constant 126 : index
    %get3A_226 = arith.constant 0 : index
    %get3A_227 = arith.constant 0 : index
    %get3A_228 = vector.load %arg2[%get3A_225, %get3A_226, %get3A_227] : memref<127x16x256xf32, #tpu.memory_space<vmem>>, vector<1x16x256xf32>
    %dot_general3A_229 = arith.constant dense<0.000000e+00> : vector<1x16x512xf32>
    %dot_general3A_230 = tpu.matmul %get3A_228, %reshape3A_224, %dot_general3A_229 {dimension_numbers = #tpu.dot_dimension_numbers<[2], [1], [1], [2], [0, 0, 0, 1, 1, 2], [0], [0]>, transpose_lhs_hint = false} : vector<1x16x256xf32>, vector<1x256x512xf32>, vector<1x16x512xf32> -> vector<1x16x512xf32>
    %log3A_231 = math.log %dot_general3A_230 : vector<1x16x512xf32>
    %add3A_232 = vector.broadcast %broadcast_in_dim3A_209 : vector<1x1x512xf32> to vector<1x16x512xf32>
    %add3A_233 = arith.addf %log3A_231, %add3A_232 : vector<1x16x512xf32>
    %add3A_234 = vector.broadcast %broadcast_in_dim3A_212 : vector<1x1x512xf32> to vector<1x16x512xf32>
    %add3A_235 = arith.addf %add3A_233, %add3A_234 : vector<1x16x512xf32>
    %squeeze3A_236 = vector.shape_cast %add3A_235 : vector<1x16x512xf32> to vector<16x512xf32>
    %reduce_max3A_237 = arith.constant dense<0xFF800000> : vector<512xf32>
    %reduce_max3A_238 = vector.multi_reduction <maximumf>, %squeeze3A_236, %reduce_max3A_237 [0] : vector<16x512xf32> to vector<512xf32>
    %broadcast_in_dim3A_239 = vector.shape_cast %reduce_max3A_238 : vector<512xf32> to vector<1x512xf32>
    %sub3A_240 = vector.broadcast %broadcast_in_dim3A_239 : vector<1x512xf32> to vector<16x512xf32>
    %sub3A_241 = arith.subf %squeeze3A_236, %sub3A_240 : vector<16x512xf32>
    %exp3A_242 = math.exp %sub3A_241 : vector<16x512xf32>
    %get3A_243 = arith.constant 0 : index
    %get3A_244 = arith.constant 0 : index
    %get3A_245 = vector.load %arg3[%get3A_243, %get3A_244] : memref<1x16xf32, #tpu.memory_space<vmem>>, vector<1x16xf32>
    %dot_general3A_246 = arith.constant dense<0.000000e+00> : vector<1x512xf32>
    %dot_general3A_247 = tpu.matmul %get3A_245, %exp3A_242, %dot_general3A_246 {dimension_numbers = #tpu.dot_dimension_numbers<[1], [0], [0], [1], [0, 0, 1, 1], [], []>, transpose_lhs_hint = false} : vector<1x16xf32>, vector<16x512xf32>, vector<1x512xf32> -> vector<1x512xf32>
    %log3A_248 = math.log %dot_general3A_247 : vector<1x512xf32>
    %add3A_249 = arith.addf %log3A_248, %broadcast_in_dim3A_239 : vector<1x512xf32>
    %swap3A = arith.constant 0 : index
    %swap3A_250 = arith.constant 0 : index
    %swap3A_251 = vector.load %arg4[%swap3A, %swap3A_250] : memref<1x512xf32, #tpu.memory_space<vmem>>, vector<1x512xf32>
    tpu.vector_store %arg4[%swap3A, %swap3A_250], %add3A_249 {strides = array<i32>} : memref<1x512xf32, #tpu.memory_space<vmem>>, vector<1x512xf32>,
    return
  }
}

module attributes {stable_mosaic.version = 14 : i64} {
  func.func @_prep_kernel(%arg0: memref<128x16x64xf32, #tpu.memory_space<vmem>>, %arg1: memref<64x16x256xf32, #tpu.memory_space<vmem>>, %arg2: memref<32x16x256xf32, #tpu.memory_space<vmem>>, %arg3: memref<16x16x256xf32, #tpu.memory_space<vmem>>, %arg4: memref<8x16x256xf32, #tpu.memory_space<vmem>>, %arg5: memref<4x16x256xf32, #tpu.memory_space<vmem>>, %arg6: memref<2x16x256xf32, #tpu.memory_space<vmem>>, %arg7: memref<1x16x256xf32, #tpu.memory_space<vmem>>, %arg8: memref<1x16xf32, #tpu.memory_space<vmem>>, %arg9: memref<128x16xf32, #tpu.memory_space<vmem>>, %arg10: memref<127x16x256xf32, #tpu.memory_space<vmem>>, %arg11: memref<1x16xf32, #tpu.memory_space<vmem>>) attributes {dimension_semantics = [], scalar_prefetch = 0 : i64, scratch_operands = 0 : i64, tpu.core_type = #tpu.core_type<tc>} {
    %get3A = arith.constant 0 : index
    %get3A_0 = arith.constant 0 : index
    %get3A_1 = arith.constant 0 : index
    %get3A_2 = vector.load %arg0[%get3A, %get3A_0, %get3A_1] : memref<128x16x64xf32, #tpu.memory_space<vmem>>, vector<128x16x64xf32>
    %reduce_max3A = arith.constant dense<0xFF800000> : vector<128x16xf32>
    %reduce_max3A_3 = vector.multi_reduction <maximumf>, %get3A_2, %reduce_max3A [2] : vector<128x16x64xf32> to vector<128x16xf32>
    %broadcast_in_dim3A = vector.shape_cast %reduce_max3A_3 : vector<128x16xf32> to vector<128x16x1xf32>
    %sub3A = vector.broadcast %broadcast_in_dim3A : vector<128x16x1xf32> to vector<128x16x64xf32>
    %sub3A_4 = arith.subf %get3A_2, %sub3A : vector<128x16x64xf32>
    %exp3A = math.exp %sub3A_4 : vector<128x16x64xf32>
    %reduce_sum3A = arith.constant dense<0.000000e+00> : vector<128x16xf32>
    %reduce_sum3A_5 = vector.multi_reduction <add>, %exp3A, %reduce_sum3A [2] : vector<128x16x64xf32> to vector<128x16xf32>
    %broadcast_in_dim3A_6 = vector.shape_cast %reduce_sum3A_5 : vector<128x16xf32> to vector<128x16x1xf32>
    %log3A = math.log %broadcast_in_dim3A_6 : vector<128x16x1xf32>
    %add3A = arith.addf %log3A, %broadcast_in_dim3A : vector<128x16x1xf32>
    %squeeze3A = vector.shape_cast %add3A : vector<128x16x1xf32> to vector<128x16xf32>
    %swap3A = arith.constant 0 : index
    %swap3A_7 = arith.constant 0 : index
    %swap3A_8 = vector.load %arg9[%swap3A, %swap3A_7] : memref<128x16xf32, #tpu.memory_space<vmem>>, vector<128x16xf32>
    tpu.vector_store %arg9[%swap3A, %swap3A_7], %squeeze3A {strides = array<i32>} : memref<128x16xf32, #tpu.memory_space<vmem>>, vector<128x16xf32>,
    %get3A_9 = arith.constant 0 : index
    %get3A_10 = arith.constant 0 : index
    %get3A_11 = arith.constant 0 : index
    %get3A_12 = vector.load %arg1[%get3A_9, %get3A_10, %get3A_11] : memref<64x16x256xf32, #tpu.memory_space<vmem>>, vector<64x16x256xf32>
    %reduce_max3A_13 = arith.constant dense<0xFF800000> : vector<64x16xf32>
    %reduce_max3A_14 = vector.multi_reduction <maximumf>, %get3A_12, %reduce_max3A_13 [2] : vector<64x16x256xf32> to vector<64x16xf32>
    %broadcast_in_dim3A_15 = vector.shape_cast %reduce_max3A_14 : vector<64x16xf32> to vector<64x16x1xf32>
    %sub3A_16 = vector.broadcast %broadcast_in_dim3A_15 : vector<64x16x1xf32> to vector<64x16x256xf32>
    %sub3A_17 = arith.subf %get3A_12, %sub3A_16 : vector<64x16x256xf32>
    %exp3A_18 = math.exp %sub3A_17 : vector<64x16x256xf32>
    %reduce_sum3A_19 = arith.constant dense<0.000000e+00> : vector<64x16xf32>
    %reduce_sum3A_20 = vector.multi_reduction <add>, %exp3A_18, %reduce_sum3A_19 [2] : vector<64x16x256xf32> to vector<64x16xf32>
    %broadcast_in_dim3A_21 = vector.shape_cast %reduce_sum3A_20 : vector<64x16xf32> to vector<64x16x1xf32>
    %div3A = vector.broadcast %broadcast_in_dim3A_21 : vector<64x16x1xf32> to vector<64x16x256xf32>
    %div3A_22 = arith.divf %exp3A_18, %div3A : vector<64x16x256xf32>
    %swap3A_23 = arith.constant 0 : index
    %swap3A_24 = arith.constant 0 : index
    %swap3A_25 = arith.constant 0 : index
    %swap3A_26 = vector.load %arg10[%swap3A_23, %swap3A_24, %swap3A_25] : memref<127x16x256xf32, #tpu.memory_space<vmem>>, vector<64x16x256xf32>
    tpu.vector_store %arg10[%swap3A_23, %swap3A_24, %swap3A_25], %div3A_22 {strides = array<i32>} : memref<127x16x256xf32, #tpu.memory_space<vmem>>, vector<64x16x256xf32>,
    %get3A_27 = arith.constant 0 : index
    %get3A_28 = arith.constant 0 : index
    %get3A_29 = arith.constant 0 : index
    %get3A_30 = vector.load %arg2[%get3A_27, %get3A_28, %get3A_29] : memref<32x16x256xf32, #tpu.memory_space<vmem>>, vector<32x16x256xf32>
    %reduce_max3A_31 = arith.constant dense<0xFF800000> : vector<32x16xf32>
    %reduce_max3A_32 = vector.multi_reduction <maximumf>, %get3A_30, %reduce_max3A_31 [2] : vector<32x16x256xf32> to vector<32x16xf32>
    %broadcast_in_dim3A_33 = vector.shape_cast %reduce_max3A_32 : vector<32x16xf32> to vector<32x16x1xf32>
    %sub3A_34 = vector.broadcast %broadcast_in_dim3A_33 : vector<32x16x1xf32> to vector<32x16x256xf32>
    %sub3A_35 = arith.subf %get3A_30, %sub3A_34 : vector<32x16x256xf32>
    %exp3A_36 = math.exp %sub3A_35 : vector<32x16x256xf32>
    %reduce_sum3A_37 = arith.constant dense<0.000000e+00> : vector<32x16xf32>
    %reduce_sum3A_38 = vector.multi_reduction <add>, %exp3A_36, %reduce_sum3A_37 [2] : vector<32x16x256xf32> to vector<32x16xf32>
    %broadcast_in_dim3A_39 = vector.shape_cast %reduce_sum3A_38 : vector<32x16xf32> to vector<32x16x1xf32>
    %div3A_40 = vector.broadcast %broadcast_in_dim3A_39 : vector<32x16x1xf32> to vector<32x16x256xf32>
    %div3A_41 = arith.divf %exp3A_36, %div3A_40 : vector<32x16x256xf32>
    %swap3A_42 = arith.constant 64 : index
    %swap3A_43 = arith.constant 0 : index
    %swap3A_44 = arith.constant 0 : index
    %swap3A_45 = vector.load %arg10[%swap3A_42, %swap3A_43, %swap3A_44] : memref<127x16x256xf32, #tpu.memory_space<vmem>>, vector<32x16x256xf32>
    tpu.vector_store %arg10[%swap3A_42, %swap3A_43, %swap3A_44], %div3A_41 {strides = array<i32>} : memref<127x16x256xf32, #tpu.memory_space<vmem>>, vector<32x16x256xf32>,
    %get3A_46 = arith.constant 0 : index
    %get3A_47 = arith.constant 0 : index
    %get3A_48 = arith.constant 0 : index
    %get3A_49 = vector.load %arg3[%get3A_46, %get3A_47, %get3A_48] : memref<16x16x256xf32, #tpu.memory_space<vmem>>, vector<16x16x256xf32>
    %reduce_max3A_50 = arith.constant dense<0xFF800000> : vector<16x16xf32>
    %reduce_max3A_51 = vector.multi_reduction <maximumf>, %get3A_49, %reduce_max3A_50 [2] : vector<16x16x256xf32> to vector<16x16xf32>
    %broadcast_in_dim3A_52 = vector.shape_cast %reduce_max3A_51 : vector<16x16xf32> to vector<16x16x1xf32>
    %sub3A_53 = vector.broadcast %broadcast_in_dim3A_52 : vector<16x16x1xf32> to vector<16x16x256xf32>
    %sub3A_54 = arith.subf %get3A_49, %sub3A_53 : vector<16x16x256xf32>
    %exp3A_55 = math.exp %sub3A_54 : vector<16x16x256xf32>
    %reduce_sum3A_56 = arith.constant dense<0.000000e+00> : vector<16x16xf32>
    %reduce_sum3A_57 = vector.multi_reduction <add>, %exp3A_55, %reduce_sum3A_56 [2] : vector<16x16x256xf32> to vector<16x16xf32>
    %broadcast_in_dim3A_58 = vector.shape_cast %reduce_sum3A_57 : vector<16x16xf32> to vector<16x16x1xf32>
    %div3A_59 = vector.broadcast %broadcast_in_dim3A_58 : vector<16x16x1xf32> to vector<16x16x256xf32>
    %div3A_60 = arith.divf %exp3A_55, %div3A_59 : vector<16x16x256xf32>
    %swap3A_61 = arith.constant 96 : index
    %swap3A_62 = arith.constant 0 : index
    %swap3A_63 = arith.constant 0 : index
    %swap3A_64 = vector.load %arg10[%swap3A_61, %swap3A_62, %swap3A_63] : memref<127x16x256xf32, #tpu.memory_space<vmem>>, vector<16x16x256xf32>
    tpu.vector_store %arg10[%swap3A_61, %swap3A_62, %swap3A_63], %div3A_60 {strides = array<i32>} : memref<127x16x256xf32, #tpu.memory_space<vmem>>, vector<16x16x256xf32>,
    %get3A_65 = arith.constant 0 : index
    %get3A_66 = arith.constant 0 : index
    %get3A_67 = arith.constant 0 : index
    %get3A_68 = vector.load %arg4[%get3A_65, %get3A_66, %get3A_67] : memref<8x16x256xf32, #tpu.memory_space<vmem>>, vector<8x16x256xf32>
    %reduce_max3A_69 = arith.constant dense<0xFF800000> : vector<8x16xf32>
    %reduce_max3A_70 = vector.multi_reduction <maximumf>, %get3A_68, %reduce_max3A_69 [2] : vector<8x16x256xf32> to vector<8x16xf32>
    %broadcast_in_dim3A_71 = vector.shape_cast %reduce_max3A_70 : vector<8x16xf32> to vector<8x16x1xf32>
    %sub3A_72 = vector.broadcast %broadcast_in_dim3A_71 : vector<8x16x1xf32> to vector<8x16x256xf32>
    %sub3A_73 = arith.subf %get3A_68, %sub3A_72 : vector<8x16x256xf32>
    %exp3A_74 = math.exp %sub3A_73 : vector<8x16x256xf32>
    %reduce_sum3A_75 = arith.constant dense<0.000000e+00> : vector<8x16xf32>
    %reduce_sum3A_76 = vector.multi_reduction <add>, %exp3A_74, %reduce_sum3A_75 [2] : vector<8x16x256xf32> to vector<8x16xf32>
    %broadcast_in_dim3A_77 = vector.shape_cast %reduce_sum3A_76 : vector<8x16xf32> to vector<8x16x1xf32>
    %div3A_78 = vector.broadcast %broadcast_in_dim3A_77 : vector<8x16x1xf32> to vector<8x16x256xf32>
    %div3A_79 = arith.divf %exp3A_74, %div3A_78 : vector<8x16x256xf32>
    %swap3A_80 = arith.constant 112 : index
    %swap3A_81 = arith.constant 0 : index
    %swap3A_82 = arith.constant 0 : index
    %swap3A_83 = vector.load %arg10[%swap3A_80, %swap3A_81, %swap3A_82] : memref<127x16x256xf32, #tpu.memory_space<vmem>>, vector<8x16x256xf32>
    tpu.vector_store %arg10[%swap3A_80, %swap3A_81, %swap3A_82], %div3A_79 {strides = array<i32>} : memref<127x16x256xf32, #tpu.memory_space<vmem>>, vector<8x16x256xf32>,
    %get3A_84 = arith.constant 0 : index
    %get3A_85 = arith.constant 0 : index
    %get3A_86 = arith.constant 0 : index
    %get3A_87 = vector.load %arg5[%get3A_84, %get3A_85, %get3A_86] : memref<4x16x256xf32, #tpu.memory_space<vmem>>, vector<4x16x256xf32>
    %reduce_max3A_88 = arith.constant dense<0xFF800000> : vector<4x16xf32>
    %reduce_max3A_89 = vector.multi_reduction <maximumf>, %get3A_87, %reduce_max3A_88 [2] : vector<4x16x256xf32> to vector<4x16xf32>
    %broadcast_in_dim3A_90 = vector.shape_cast %reduce_max3A_89 : vector<4x16xf32> to vector<4x16x1xf32>
    %sub3A_91 = vector.broadcast %broadcast_in_dim3A_90 : vector<4x16x1xf32> to vector<4x16x256xf32>
    %sub3A_92 = arith.subf %get3A_87, %sub3A_91 : vector<4x16x256xf32>
    %exp3A_93 = math.exp %sub3A_92 : vector<4x16x256xf32>
    %reduce_sum3A_94 = arith.constant dense<0.000000e+00> : vector<4x16xf32>
    %reduce_sum3A_95 = vector.multi_reduction <add>, %exp3A_93, %reduce_sum3A_94 [2] : vector<4x16x256xf32> to vector<4x16xf32>
    %broadcast_in_dim3A_96 = vector.shape_cast %reduce_sum3A_95 : vector<4x16xf32> to vector<4x16x1xf32>
    %div3A_97 = vector.broadcast %broadcast_in_dim3A_96 : vector<4x16x1xf32> to vector<4x16x256xf32>
    %div3A_98 = arith.divf %exp3A_93, %div3A_97 : vector<4x16x256xf32>
    %swap3A_99 = arith.constant 120 : index
    %swap3A_100 = arith.constant 0 : index
    %swap3A_101 = arith.constant 0 : index
    %swap3A_102 = vector.load %arg10[%swap3A_99, %swap3A_100, %swap3A_101] : memref<127x16x256xf32, #tpu.memory_space<vmem>>, vector<4x16x256xf32>
    tpu.vector_store %arg10[%swap3A_99, %swap3A_100, %swap3A_101], %div3A_98 {strides = array<i32>} : memref<127x16x256xf32, #tpu.memory_space<vmem>>, vector<4x16x256xf32>,
    %get3A_103 = arith.constant 0 : index
    %get3A_104 = arith.constant 0 : index
    %get3A_105 = arith.constant 0 : index
    %get3A_106 = vector.load %arg6[%get3A_103, %get3A_104, %get3A_105] : memref<2x16x256xf32, #tpu.memory_space<vmem>>, vector<2x16x256xf32>
    %reduce_max3A_107 = arith.constant dense<0xFF800000> : vector<2x16xf32>
    %reduce_max3A_108 = vector.multi_reduction <maximumf>, %get3A_106, %reduce_max3A_107 [2] : vector<2x16x256xf32> to vector<2x16xf32>
    %broadcast_in_dim3A_109 = vector.shape_cast %reduce_max3A_108 : vector<2x16xf32> to vector<2x16x1xf32>
    %sub3A_110 = vector.broadcast %broadcast_in_dim3A_109 : vector<2x16x1xf32> to vector<2x16x256xf32>
    %sub3A_111 = arith.subf %get3A_106, %sub3A_110 : vector<2x16x256xf32>
    %exp3A_112 = math.exp %sub3A_111 : vector<2x16x256xf32>
    %reduce_sum3A_113 = arith.constant dense<0.000000e+00> : vector<2x16xf32>
    %reduce_sum3A_114 = vector.multi_reduction <add>, %exp3A_112, %reduce_sum3A_113 [2] : vector<2x16x256xf32> to vector<2x16xf32>
    %broadcast_in_dim3A_115 = vector.shape_cast %reduce_sum3A_114 : vector<2x16xf32> to vector<2x16x1xf32>
    %div3A_116 = vector.broadcast %broadcast_in_dim3A_115 : vector<2x16x1xf32> to vector<2x16x256xf32>
    %div3A_117 = arith.divf %exp3A_112, %div3A_116 : vector<2x16x256xf32>
    %swap3A_118 = arith.constant 124 : index
    %swap3A_119 = arith.constant 0 : index
    %swap3A_120 = arith.constant 0 : index
    %swap3A_121 = vector.load %arg10[%swap3A_118, %swap3A_119, %swap3A_120] : memref<127x16x256xf32, #tpu.memory_space<vmem>>, vector<2x16x256xf32>
    tpu.vector_store %arg10[%swap3A_118, %swap3A_119, %swap3A_120], %div3A_117 {strides = array<i32>} : memref<127x16x256xf32, #tpu.memory_space<vmem>>, vector<2x16x256xf32>,
    %get3A_122 = arith.constant 0 : index
    %get3A_123 = arith.constant 0 : index
    %get3A_124 = arith.constant 0 : index
    %get3A_125 = vector.load %arg7[%get3A_122, %get3A_123, %get3A_124] : memref<1x16x256xf32, #tpu.memory_space<vmem>>, vector<1x16x256xf32>
    %reduce_max3A_126 = arith.constant dense<0xFF800000> : vector<1x16xf32>
    %reduce_max3A_127 = vector.multi_reduction <maximumf>, %get3A_125, %reduce_max3A_126 [2] : vector<1x16x256xf32> to vector<1x16xf32>
    %broadcast_in_dim3A_128 = vector.shape_cast %reduce_max3A_127 : vector<1x16xf32> to vector<1x16x1xf32>
    %sub3A_129 = vector.broadcast %broadcast_in_dim3A_128 : vector<1x16x1xf32> to vector<1x16x256xf32>
    %sub3A_130 = arith.subf %get3A_125, %sub3A_129 : vector<1x16x256xf32>
    %exp3A_131 = math.exp %sub3A_130 : vector<1x16x256xf32>
    %reduce_sum3A_132 = arith.constant dense<0.000000e+00> : vector<1x16xf32>
    %reduce_sum3A_133 = vector.multi_reduction <add>, %exp3A_131, %reduce_sum3A_132 [2] : vector<1x16x256xf32> to vector<1x16xf32>
    %broadcast_in_dim3A_134 = vector.shape_cast %reduce_sum3A_133 : vector<1x16xf32> to vector<1x16x1xf32>
    %div3A_135 = vector.broadcast %broadcast_in_dim3A_134 : vector<1x16x1xf32> to vector<1x16x256xf32>
    %div3A_136 = arith.divf %exp3A_131, %div3A_135 : vector<1x16x256xf32>
    %swap3A_137 = arith.constant 126 : index
    %swap3A_138 = arith.constant 0 : index
    %swap3A_139 = arith.constant 0 : index
    %swap3A_140 = vector.load %arg10[%swap3A_137, %swap3A_138, %swap3A_139] : memref<127x16x256xf32, #tpu.memory_space<vmem>>, vector<1x16x256xf32>
    tpu.vector_store %arg10[%swap3A_137, %swap3A_138, %swap3A_139], %div3A_136 {strides = array<i32>} : memref<127x16x256xf32, #tpu.memory_space<vmem>>, vector<1x16x256xf32>,
    %get3A_141 = arith.constant 0 : index
    %get3A_142 = arith.constant 0 : index
    %get3A_143 = vector.load %arg8[%get3A_141, %get3A_142] : memref<1x16xf32, #tpu.memory_space<vmem>>, vector<1x16xf32>
    %reduce_max3A_144 = arith.constant dense<0xFF800000> : vector<1xf32>
    %reduce_max3A_145 = vector.multi_reduction <maximumf>, %get3A_143, %reduce_max3A_144 [1] : vector<1x16xf32> to vector<1xf32>
    %broadcast_in_dim3A_146 = vector.shape_cast %reduce_max3A_145 : vector<1xf32> to vector<1x1xf32>
    %sub3A_147 = vector.broadcast %broadcast_in_dim3A_146 : vector<1x1xf32> to vector<1x16xf32>
    %sub3A_148 = arith.subf %get3A_143, %sub3A_147 : vector<1x16xf32>
    %exp3A_149 = math.exp %sub3A_148 : vector<1x16xf32>
    %reduce_sum3A_150 = arith.constant dense<0.000000e+00> : vector<1xf32>
    %reduce_sum3A_151 = vector.multi_reduction <add>, %exp3A_149, %reduce_sum3A_150 [1] : vector<1x16xf32> to vector<1xf32>
    %broadcast_in_dim3A_152 = vector.shape_cast %reduce_sum3A_151 : vector<1xf32> to vector<1x1xf32>
    %div3A_153 = vector.broadcast %broadcast_in_dim3A_152 : vector<1x1xf32> to vector<1x16xf32>
    %div3A_154 = arith.divf %exp3A_149, %div3A_153 : vector<1x16xf32>
    %swap3A_155 = arith.constant 0 : index
    %swap3A_156 = arith.constant 0 : index
    %swap3A_157 = vector.load %arg11[%swap3A_155, %swap3A_156] : memref<1x16xf32, #tpu.memory_space<vmem>>, vector<1x16xf32>
    tpu.vector_store %arg11[%swap3A_155, %swap3A_156], %div3A_154 {strides = array<i32>} : memref<1x16xf32, #tpu.memory_space<vmem>>, vector<1x16xf32>,
    return
  }
}

</mosaic_0001>

<sc_bundles>
// kernel: kernel.5.cloned.1.call-start
scs
__scs_entry_jumppad:
0x0: {  	(pc) =	sbr.rel $0x88, $3  }
0x1: {  	(tag) =	ssettag $0x0;
	lr =	simm.s32 $0x1  }
0x2: {  	[smem:$0x3F97] =	sst lr;
	_ =	strace $0xD0000000  }
0x3: {  	_ = 	snop  }
0x4: {  	_ = 	snop  }
0x5: {  	_ = 	snop  }
0x6: {  	_ = 	snop  }
0x7: {  	_ = 	snop  }
__scs_overlays_trampoline_lowered:
0x8: {  	[smem:$0x3FA6] =	sst s0  }
0x9: {  	[smem:$0x3FA7] =	sst s1  }
0xa: {  	[smem:$0x3FA8] =	sst s2  }
0xb: {  	[smem:$0x3FA9] =	sst s3  }
0xc: {  	[smem:$0x3FAA] =	sst s4  }
0xd: {  	[smem:$0x3FAB] =	sst s5  }
0xe: {  	[smem:$0x3FAC] =	sst s6  }
0xf: {  	[smem:$0x3FAD] =	sst s7  }
0x10: {  	[smem:$0x3FAE] =	sst s8  }
0x11: {  	[smem:$0x3FAF] =	sst s9;
	s0 =	simm.s32 @!p0 $0x0  }
0x12: {  	s1 =	sld [smem:$0x3F95];
	s0 =	simm.s32 @p0 $0x1  }
0x13: {  	[smem:$0x3FB0] =	sst s0;
	s0 =	simm.s32 @!p1 $0x0  }
0x14: {  	s2 =	sld [smem:$0x3F94];
	s0 =	simm.s32 @p1 $0x1  }
0x15: {  	[smem:$0x3FB1] =	sst s0;
	s0 =	simm.s32 @!p2 $0x0  }
0x16: {  	s3 =	sld [smem:$0x3FDB];
	s0 =	simm.s32 @p2 $0x1  }
0x17: {  	s4 =	simm.s32 $0x1BF5;
	[smem:$0x3FB3] =	sst s0  }
0x18: {  	s0 =	sld [smem:$0x3F96];
	_ =	swait.ge [sflag:s4], $0x0  }
0x19: {  	s7 =	sld [smem:$0x3F97]  }
0x1a: {  	s8 =	sadd.s32 $0xFFFFE003, lr  }
0x1b: {  	s9 =	sadd.s32 $0xFFFFFEF7, lr;
	s5 =	simm.s32 $0xFFFFFFFF;
	p2 =	slt.u32 s8, $0xFFFFF086  }
0x1c: {  	p1 =	slt.u32 s9, $0xF7A;
	s5 =	simm.s32 @!p2 $0x0  }
0x1d: {  	s5 =	simm.s32 @p1 $0x1;
	p0 =	seq.s32 s7, s2  }
0x1e: {  	s7 =	smul.u32 @!p0 $0xF7A, s2;
	p2 =	seq.s32 @!p0 s5, $0x0  }
0x1f: {  	s9 =	smul.u32 $0xF7A, s1;
	s8 =	simm.s32 @!p0 $0x1BF5;
	p2 =	por !p2, p0  }
0x20: {  	[sflag:s8] =	ssyncset.s32 @!p0 $0xFFFFF086;
	s6 =	sadd.s32 @!p0 s3, s7;
	s7 =	simm.s32 @!p0 $0x108  }
0x21: {  	s3 =	sadd.s32 s3, s9;
	s6 =	sadd.s32 @!p0 $0x88, s6;
	s7 =	simm.s32 @p2 $0x1082  }
0x22: {  	[simem:s7], [sflag:s8] =	dma.local @!p0 [hbm:s6], $0xF7A  }
0x23: {  	s9 =	sor.u32 $0xD0000000, s2;
	s6 =	simm.s32 $0x108;
	_ =	swait.ge @!p0 [sflag:s8], $0x0  }
0x24: {  	s3 =	sadd.s32 $0x88, s3;
	s6 =	simm.s32 @!p1 $0x1082;
	[sflag:s4] =	ssyncset.s32 $0xFFFFF086  }
0x25: {  	[simem:s6], [sflag:s4] =	dma.local [hbm:s3], $0xF7A  }
0x26: {  	[smem:$0x3F97] =	sst s1;
	(tag) =	ssettag s2;
	_ =	strace s9  }
0x27: {  	s1 =	sld [smem:$0x3FA7]  }
0x28: {  	s2 =	sld [smem:$0x3FA8]  }
0x29: {  	s4 =	sld [smem:$0x3FAA]  }
0x2a: {  	p0 =	seq.s32 s5, $0x0;
	s5 =	sld [smem:$0x3FAB]  }
0x2b: {  	s6 =	sld [smem:$0x3FAC]  }
0x2c: {  	s7 =	sld [smem:$0x3FAD]  }
0x2d: {  	s3 =	simm.s32 $0x108;
	s8 =	sld [smem:$0x3FAE]  }
0x2e: {  	s3 =	simm.s32 @!p0 $0x1082;
	s9 =	sld [smem:$0x3FAF]  }
0x2f: {  	lr =	sadd.s32 s0, s3;
	s0 =	sld [smem:$0x3FA6]  }
0x30: {  	s3 =	sld [smem:$0x3FA9]  }
0x31: {  	[smem:$0x3FB2] =	sst s10  }
0x32: {  	s10 =	sld [smem:$0x3FB0];
	_ =	sdelay $0x3  }
0x33: {  	p0 =	seq.s32 s10, $0x1;
	s10 =	sld [smem:$0x3FB2];
	_ =	sdelay $0x3  }
0x34: {  	[smem:$0x3FB2] =	sst s10  }
0x35: {  	s10 =	sld [smem:$0x3FB1];
	_ =	sdelay $0x3  }
0x36: {  	p1 =	seq.s32 s10, $0x1;
	s10 =	sld [smem:$0x3FB2];
	_ =	sdelay $0x3  }
0x37: {  	[smem:$0x3FB2] =	sst s10  }
0x38: {  	s10 =	sld [smem:$0x3FB3]  }
0x39: {  	_ = 	snop;
	(pc) =	sbr.ind lr, $3  }
0x3a: {  	_ = 	snop  }
0x3b: {  	_ = 	snop  }
0x3c: {  	p2 =	seq.s32 s10, $0x1;
	s10 =	sld [smem:$0x3FB2]  }
0x3d: {  	_ =	shalt  }
0x3e: {  	_ =	shalt  }
0x3f: {  	_ =	shalt  }
0x40: {  	_ =	shalt  }
0x41: {  	_ =	shalt  }
0x42: {  	_ =	shalt  }
0x43: {  	_ =	shalt  }
0x44: {  	_ =	shalt  }
0x45: {  	_ =	shalt  }
0x46: {  	_ =	shalt  }
0x47: {  	_ =	shalt  }
0x48: {  	_ =	shalt  }
0x49: {  	_ =	shalt  }
0x4a: {  	_ =	shalt  }
0x4b: {  	_ =	shalt  }
0x4c: {  	_ =	shalt  }
0x4d: {  	_ =	shalt  }
0x4e: {  	_ =	shalt  }
0x4f: {  	_ =	shalt  }
0x50: {  	_ =	shalt  }
0x51: {  	_ =	shalt  }
0x52: {  	_ =	shalt  }
0x53: {  	_ =	shalt  }
0x54: {  	_ =	shalt  }
0x55: {  	_ =	shalt  }
0x56: {  	_ =	shalt  }
0x57: {  	_ =	shalt  }
0x58: {  	_ =	shalt  }
0x59: {  	_ =	shalt  }
0x5a: {  	_ =	shalt  }
0x5b: {  	_ =	shalt  }
0x5c: {  	_ =	shalt  }
0x5d: {  	_ =	shalt  }
0x5e: {  	_ =	shalt  }
0x5f: {  	_ =	shalt  }
0x60: {  	_ =	shalt  }
0x61: {  	_ =	shalt  }
0x62: {  	_ =	shalt  }
0x63: {  	_ =	shalt  }
0x64: {  	_ =	shalt  }
0x65: {  	_ =	shalt  }
0x66: {  	_ =	shalt  }
0x67: {  	_ =	shalt  }
0x68: {  	_ =	shalt  }
0x69: {  	_ =	shalt  }
0x6a: {  	_ =	shalt  }
0x6b: {  	_ =	shalt  }
0x6c: {  	_ =	shalt  }
0x6d: {  	_ =	shalt  }
0x6e: {  	_ =	shalt  }
0x6f: {  	_ =	shalt  }
0x70: {  	_ =	shalt  }
0x71: {  	_ =	shalt  }
0x72: {  	_ =	shalt  }
0x73: {  	_ =	shalt  }
0x74: {  	_ =	shalt  }
0x75: {  	_ =	shalt  }
0x76: {  	_ =	shalt  }
0x77: {  	_ =	shalt  }
0x78: {  	_ =	shalt  }
0x79: {  	_ =	shalt  }
0x7a: {  	_ =	shalt  }
0x7b: {  	_ =	shalt  }
0x7c: {  	_ =	shalt  }
0x7d: {  	_ =	shalt  }
0x7e: {  	_ =	shalt  }
0x7f: {  	_ =	shalt  }
0x80: {  	_ =	shalt  }
0x81: {  	_ =	shalt  }
0x82: {  	_ =	shalt  }
0x83: {  	_ =	shalt  }
0x84: {  	_ =	shalt  }
0x85: {  	_ =	shalt  }
0x86: {  	_ =	shalt  }
0x87: {  	_ =	shalt  }
.Lfunc_end0:
.L_simem_size_0:
called_computation_lowered:
.L_overlay_start_0:
0x88: {  	s2 =	sld [smem:$0x3FD9]  }
0x89: {  	s3 =	sld [smem:$0x3FFE];
	_ =	sdelay $0x1  }
0x8a: {  	s1 =	srdreg.scid  }
0x8b: {  	s0 =	sand.u32 $0x1, s1  }
0x8c: {  	s16 =	sshll.u32 s0, $0xA;
	s2 =	sadd.s32 s3, s2  }
0x8d: {  	s2 =	sadd.s32 s2, s16  }
0x8e: {  	[smem:$0x3FBE] =	sst s2  }
0x8f: {  	_ = 	snop  }
0x90: {  	(tm) =	ssettm $0x1  }
0x91: {  	s17 =	sld [smem:$0x3FFB];
	_ =	sdelay $0x3  }
0x92: {  	_ =	strace s17  }
0x93: {  	s2 =	sld [smem:$0x3FFC];
	_ =	sdelay $0x3  }
0x94: {  	_ =	strace s2  }
0x95: {  	s2 =	sld [smem:$0x3FFD];
	_ =	sdelay $0x3  }
0x96: {  	_ =	strace s2  }
0x97: {  	_ =	strace $0x8FFFFFFF  }
0x98: {  	s18 =	sld [smem:$0x3FDB];
	_ =	sdelay $0x1  }
0x99: {  	s19 =	simm.s32 $_scs_section_size  }
0x9a: {  	s4 =	simm.s32 $_size__tile_overlayer_lowered;
	s5 =	simm.s32 $_tile_overlayer_lowered  }
0x9b: {  	s22 =	simm.s32 $0x1BFF;
	s21 =	sshll.u32 s5, $0x1;
	s2 =	sadd.s32 s19, s18  }
0x9c: {  	s6 =	simm.s32 $0x0;
	s20 =	sshll.u32 s4, $0x1;
	s4 =	sadd.s32 s21, s2  }
0x9d: {  	[timem:s6], [sflag:s22] =	dma.local [hbm:s4], s20  }
0x9e: {  	_ =	swait.ge [sflag:s22], s20  }
0x9f: {  	s3 =	ssub.s32 $0x0, s20;
	[sflag:s22] =	ssyncset.done $0x0  }
0xa0: {  	[sflag:s22] =	ssyncadd.s32 s3;
	_ =	sdelay $0x1  }
0xa1: {  	s23 =	simm.s32 $0x1B8B  }
0xa2: {  	_ =	swait.ge [sflag:s23], $0x1  }
0xa3: {  	[sflag:s23] =	ssyncset.done $0x0  }
0xa4: {  	s25 =	simm.s32 $0x1B8E;
	s24 =	sld [smem:$0x3FFE];
	[sflag:s23] =	ssyncadd.s32 $0xFFFFFFFF  }
0xa5: {  	s26 =	simm.s32 $execute0_lowered;
	[smem:$0x3FD2] =	sst s25  }
0xa6: {  	s4 =	sshll.u32 s26, $0x1;
	_ =	strace $0x80000046;
	[dreg:$0x1] =	wrdreg $0xFFFFFFFF  }
0xa7: {  	s28 =	simm.s32 $_size_execute0_lowered;
	s2 =	sadd.s32 s2, s4;
	[dreg:$0x0] =	wrdreg $0x0  }
0xa8: {  	s4 =	sshll.u32 s28, $0x1;
	[dreg:$0x2] =	wrdreg s2  }
0xa9: {  	[dreg:$0x3] =	wrdreg s4  }
0xaa: {  	[dreg:$0x4] =	wrdreg $0xC0  }
0xab: {  	_ =	task [dreg:s6], $0x5FFFF  }
0xac: {  	[dreg:$0x1] =	wrdreg $0xFFFFFFFF  }
0xad: {  	[dreg:$0x0] =	wrdreg $0x60  }
0xae: {  	[dreg:$0x2] =	wrdreg s24  }
0xaf: {  	[dreg:$0x3] =	wrdreg $0x9  }
0xb0: {  	_ =	task.clear_ibuf [dreg:s6], $0x4FFFF;
	_ =	strace $0x90000046  }
0xb1: {  	s29 =	simm.s32 $0x9;
	_ =	strace $0x80000048  }
0xb2: {  	_ =	swait.ge [sflag:s29], $0x1  }
0xb3: {  	[sflag:s29] =	ssyncadd.s32 $0xFFFFFFFF  }
0xb4: {  	_ =	strace $0x90000048  }
0xb5: {  	_ =	sfence  }
0xb6: {  	s30 =	sld [smem:$0x0];
	_ =	sdelay $0x2  }
0xb7: {  	s31 =	sshll.u32 s1, $0xD;
	s1 =	sshrl.u32 s1, $0x2  }
0xb8: {  	s3 =	sand.u32 $0x4000, s31;
	s1 =	sadd.s32 s1, s30  }
0xb9: {  	s0 =	sor.u32 s3, s0;
	s1 =	sshll.u32 s1, $0x11  }
0xba: {  	s0 =	sor.u32 s1, s0  }
0xbb: {  	s0 =	sadd.s32 $0x8F2B, s0  }
0xbc: {  	[sflag:s0] =	ssyncadd.remote.s32 $0x1  }
0xbd: {  	_ =	sfence.sel $0xFFFF  }
0xbe: {  	[dreg:$0x0] =	wrdreg $0xFFFFFFFF;
	(pc) =	sbr.abs _section_cstart, $3  }
0xbf: {  	[dreg:$0x1] =	wrdreg $0xFFFFFFFF  }
0xc0: {  	_ =	task.clear_ibuf [dreg:s6], $0x2FFFF;
	_ =	strace $0x9FFFFFFF  }
0xc1: {  	(tm) =	ssettm $0x7FFFFFFF  }
tec
execute0_lowered:
.L_overlay_start_1:
0x0: {  	(tag) =	ssettag $0x1  }
0x1: {  	s1 =	srdreg.scid  }
0x2: {  	s0 =	stileid.u32;
	s3 =	rddreg [dreg:$0x0];
	s2 =	simm.s32 $0x0  }
0x3: {  	s11 =	simm.s32 $0x800;
	s12 =	simm.s32 $0x1800;
	s13 =	simm.s32 $0x3800  }
0x4: {  	s14 =	simm.s32 $0x5800;
	s15 =	simm.s32 $0x7800;
	s16 =	simm.s32 $0x1  }
0x5: {  	s4 =	sand.u32 $0x1, s1;
	s5 =	sshll.u32 s0, $0x1;
	s1 =	rddreg [dreg:$0x1]  }
0x6: {  	s17 =	simm.s32 $0x0;
	[smem:$0x7FF] =	sst s2;
	s5 =	sor.u32 s4, s5  }
0x7: {  	_ =	strace $0x80000047;
	s4 =	ssub.s32 $0x2, s4;
	s6 =	sshll.u32 s5, $0x8  }
0x8: {  	s7 =	sshll.u32 s5, $0x9;
	s5 =	sshll.u32 s5, $0xC;
	s8 =	sshrl.u32 s4, $0x1  }
0x9: {  	s6 =	sadd.s32 s6, s3;
	s7 =	sadd.s32 s7, s3;
	s9 =	sadd.s32 s5, s3  }
0xa: {  	s10 =	ssub.s32 s4, s8;
	s3 =	sadd.s32 $0x1600, s6;
	s4 =	sadd.s32 $0x3600, s7  }
0xb: {  	s5 =	sadd.s32 $0x7600, s9;
	s6 =	sadd.s32 $0x7A00, s9;
	s7 =	sadd.s32 $0x7E00, s9  }
0xc: {  	s8 =	sadd.s32 $0x8200, s9;
	s9 =	smax.u32 s10, $0x1;
	s10 =	simm.s32 $0x2  }
.LBB2_1:
0xd: {  	[tilespmem:s2], [sflag:$0x2] =	stream.linear.gather [hbm4b:s3+s2], $0x800, $0x38;
	[tilespmem:$0x9800] =	vst v63  }
0xe: {  	_ =	swait.ge [sflag:s10], $0x800  }
0xf: {  	[sflag:s10] =	ssyncset.done $0x0  }
0x10: {  	[sflag:s10] =	ssyncadd.s32 $0xFFFFF800  }
0x11: {  	[tilespmem:s11], [sflag:$0x2] =	stream.linear.gather [hbm4b:s4+s2], $0x1000, $0x38;
	[tilespmem:$0x9800] =	vst v63  }
0x12: {  	_ =	swait.ge [sflag:s10], $0x1000  }
0x13: {  	[sflag:s10] =	ssyncset.done $0x0  }
0x14: {  	s18 =	simm.s32 $0x20;
	[sflag:s10] =	ssyncadd.s32 $0xFFFFF000  }
0x15: {  	v4 =	vld [tilespmem:s18+$0x10]  }
0x16: {  	v2 =	vld [tilespmem:s18+$0xFFFFFFF0]  }
0x17: {  	v1 =	vld [tilespmem:s18+$0x0];
	_ =	sdelay $0x2  }
0x18: {  	v3 =	vld [tilespmem:s18+$0xFFFFFFE0];
	_ =	sdelay $0x2  }
0x19: {  	v0 =	vld.idx.msk [tilespmem:v4+s11+$0x0], $0xffff  }
0x1a: {  	v6 =	vadd.s32 $0x40, v4;
	v5 =	vld.idx.msk [tilespmem:v2+s11+$0x0], $0xffff  }
0x1b: {  	v7 =	vadd.s32 $0x40, v2;
	v8 =	vld.idx.msk [tilespmem:v1+s11+$0x0], $0xffff  }
0x1c: {  	v9 =	vadd.s32 $0x40, v1  }
0x1d: {  	s18 =	simm.s32 $0x2810  }
0x1e: {  	v10 =	vld.idx.msk [tilespmem:v3+s11+$0x0], $0xffff;
	[tilespmem:s18+$0xFFFFF020] =	vst v0  }
0x1f: {  	v0 =	vadd.s32 $0x40, v3;
	[tilespmem:s18+$0xFFFFF000] =	vst v5;
	v5 =	vld.idx.msk [tilespmem:v6+s11+$0x0], $0xffff  }
0x20: {  	[tilespmem:s18+$0xFFFFF010] =	vst v8;
	v6 =	vld.idx.msk [tilespmem:v7+s11+$0x0], $0xffff;
	v7 =	vadd.s32 $0x80, v4  }
0x21: {  	v8 =	vadd.s32 $0x80, v2;
	v9 =	vld.idx.msk [tilespmem:v9+s11+$0x0], $0xffff  }
0x22: {  	v11 =	vadd.s32 $0x80, v1  }
0x23: {  	[tilespmem:s18+$0xFFFFEFF0] =	vst v10  }
0x24: {  	v0 =	vld.idx.msk [tilespmem:v0+s11+$0x0], $0xffff;
	[tilespmem:s18+$0xFFFFF220] =	vst v5  }
0x25: {  	[tilespmem:s18+$0xFFFFF200] =	vst v6;
	v6 =	vld.idx.msk [tilespmem:v7+s11+$0x0], $0xffff  }
0x26: {  	v5 =	vadd.s32 $0x80, v3;
	[tilespmem:s18+$0xFFFFF210] =	vst v9;
	v7 =	vld.idx.msk [tilespmem:v8+s11+$0x0], $0xffff  }
0x27: {  	v8 =	vadd.s32 $0xC0, v4;
	v10 =	vld.idx.msk [tilespmem:v11+s11+$0x0], $0xffff  }
0x28: {  	v11 =	vadd.s32 $0xC0, v1  }
0x29: {  	s19 =	sand.u32 $0x1C0, s2;
	v9 =	vadd.s32 $0xC0, v2  }
0x2a: {  	[tilespmem:s19+$0x1A00] =	vst v0  }
0x2b: {  	v0 =	vld.idx.msk [tilespmem:v5+s11+$0x0], $0xffff;
	[tilespmem:s18+$0xFFFFF420] =	vst v6  }
0x2c: {  	v5 =	vadd.s32 $0xC0, v3;
	[tilespmem:s18+$0xFFFFF410] =	vst v10;
	v6 =	vld.idx.msk [tilespmem:v8+s11+$0x0], $0xffff  }
0x2d: {  	[tilespmem:s18+$0xFFFFF400] =	vst v7;
	v8 =	vadd.s32 $0x100, v4;
	v10 =	vld.idx.msk [tilespmem:v11+s11+$0x0], $0xffff  }
0x2e: {  	v7 =	vld.idx.msk [tilespmem:v9+s11+$0x0], $0xffff;
	v11 =	vadd.s32 $0x100, v1  }
0x2f: {  	v9 =	vadd.s32 $0x100, v2  }
0x30: {  	[tilespmem:s19+$0x1C00] =	vst v0  }
0x31: {  	v0 =	vld.idx.msk [tilespmem:v5+s11+$0x0], $0xffff;
	[tilespmem:s18+$0xFFFFF620] =	vst v6  }
0x32: {  	v5 =	vadd.s32 $0x100, v3;
	[tilespmem:s18+$0xFFFFF610] =	vst v10;
	v6 =	vld.idx.msk [tilespmem:v8+s11+$0x0], $0xffff  }
0x33: {  	[tilespmem:s18+$0xFFFFF600] =	vst v7;
	v8 =	vadd.s32 $0x140, v4;
	v10 =	vld.idx.msk [tilespmem:v11+s11+$0x0], $0xffff  }
0x34: {  	v7 =	vld.idx.msk [tilespmem:v9+s11+$0x0], $0xffff;
	v11 =	vadd.s32 $0x140, v1  }
0x35: {  	v9 =	vadd.s32 $0x140, v2  }
0x36: {  	[tilespmem:s19+$0x1E00] =	vst v0  }
0x37: {  	v0 =	vld.idx.msk [tilespmem:v5+s11+$0x0], $0xffff;
	[tilespmem:s18+$0xFFFFF820] =	vst v6  }
0x38: {  	v5 =	vadd.s32 $0x140, v3;
	[tilespmem:s18+$0xFFFFF810] =	vst v10;
	v6 =	vld.idx.msk [tilespmem:v8+s11+$0x0], $0xffff  }
0x39: {  	[tilespmem:s18+$0xFFFFF800] =	vst v7;
	v8 =	vadd.s32 $0x180, v4;
	v10 =	vld.idx.msk [tilespmem:v11+s11+$0x0], $0xffff  }
0x3a: {  	v7 =	vld.idx.msk [tilespmem:v9+s11+$0x0], $0xffff;
	v11 =	vadd.s32 $0x180, v1  }
0x3b: {  	v9 =	vadd.s32 $0x180, v2  }
0x3c: {  	[tilespmem:s19+$0x2000] =	vst v0  }
0x3d: {  	v0 =	vld.idx.msk [tilespmem:v5+s11+$0x0], $0xffff;
	[tilespmem:s18+$0xFFFFFA20] =	vst v6  }
0x3e: {  	v5 =	vadd.s32 $0x180, v3;
	[tilespmem:s18+$0xFFFFFA10] =	vst v10;
	v6 =	vld.idx.msk [tilespmem:v8+s11+$0x0], $0xffff  }
0x3f: {  	[tilespmem:s18+$0xFFFFFA00] =	vst v7;
	v8 =	vadd.s32 $0x1C0, v4;
	v10 =	vld.idx.msk [tilespmem:v11+s11+$0x0], $0xffff  }
0x40: {  	v7 =	vld.idx.msk [tilespmem:v9+s11+$0x0], $0xffff;
	v11 =	vadd.s32 $0x1C0, v1  }
0x41: {  	v9 =	vadd.s32 $0x1C0, v2  }
0x42: {  	[tilespmem:s19+$0x2200] =	vst v0  }
0x43: {  	v0 =	vld.idx.msk [tilespmem:v5+s11+$0x0], $0xffff;
	[tilespmem:s18+$0xFFFFFC20] =	vst v6  }
0x44: {  	v5 =	vadd.s32 $0x1C0, v3;
	[tilespmem:s18+$0xFFFFFC10] =	vst v10;
	v6 =	vld.idx.msk [tilespmem:v8+s11+$0x0], $0xffff  }
0x45: {  	[tilespmem:s18+$0xFFFFFC00] =	vst v7;
	v8 =	vadd.s32 $0x200, v4;
	v10 =	vld.idx.msk [tilespmem:v11+s11+$0x0], $0xffff  }
0x46: {  	s20 =	simm.s32 $0x60;
	v7 =	vld.idx.msk [tilespmem:v9+s11+$0x0], $0xffff;
	v11 =	vadd.s32 $0x200, v1  }
0x47: {  	v23 =	vld [tilespmem:s20+$0x0];
	v9 =	vadd.s32 $0x200, v2  }
0x48: {  	[tilespmem:s19+$0x2400] =	vst v0;
	v0 =	vld [tilespmem:s20+$0x10]  }
0x49: {  	v5 =	vld.idx.msk [tilespmem:v5+s11+$0x0], $0xffff;
	[tilespmem:s18+$0xFFFFFE20] =	vst v6  }
0x4a: {  	[tilespmem:s18+$0xFFFFFE10] =	vst v10;
	v6 =	vld.idx.msk [tilespmem:v8+s11+$0x0], $0xffff  }
0x4b: {  	[tilespmem:s18+$0xFFFFFE00] =	vst v7;
	v10 =	vld.idx.msk [tilespmem:v11+s11+$0x0], $0xffff;
	v11 =	vadd.s32 $0x200, v3  }
0x4c: {  	v7 =	vld.idx.msk [tilespmem:v9+s11+$0x0], $0xffff;
	v9 =	vadd.s32 $0x240, v4  }
0x4d: {  	v24 =	vld [tilespmem:s20+$0xFFFFFFE0];
	v13 =	vadd.s32 $0x240, v1  }
0x4e: {  	v12 =	vadd.s32 $0x240, v2;
	v8 =	vld [tilespmem:s20+$0xFFFFFFF0]  }
0x4f: {  	v16 =	vld.idx.msk [tilespmem:v23+s11+$0x0], $0xffff;
	[tilespmem:s19+$0x2600] =	vst v5  }
0x50: {  	[tilespmem:s18+$0x20] =	vst v6;
	v5 =	vld.idx.msk [tilespmem:v11+s11+$0x0], $0xffff  }
0x51: {  	[tilespmem:s18+$0x10] =	vst v10;
	v6 =	vld.idx.msk [tilespmem:v9+s11+$0x0], $0xffff  }
0x52: {  	[tilespmem:s18+$0x0] =	vst v7;
	v11 =	vadd.s32 $0x240, v3;
	v10 =	vld.idx.msk [tilespmem:v13+s11+$0x0], $0xffff  }
0x53: {  	s20 =	simm.s32 $0x2850;
	v7 =	vadd.s32 $0x280, v4;
	v9 =	vld.idx.msk [tilespmem:v12+s11+$0x0], $0xffff  }
0x54: {  	[tilespmem:s20+$0xFFFFF010] =	vst v16;
	v12 =	vld.idx.msk [tilespmem:v0+s11+$0x0], $0xffff;
	v13 =	vadd.s32 $0x280, v2  }
0x55: {  	v17 =	vadd.s32 $0x40, v23;
	[tilespmem:s19+$0x2800] =	vst v5;
	v5 =	vld.idx.msk [tilespmem:v24+s11+$0x0], $0xffff  }
0x56: {  	v14 =	vld.idx.msk [tilespmem:v8+s11+$0x0], $0xffff;
	[tilespmem:s18+$0x220] =	vst v6;
	v6 =	vadd.s32 $0x40, v0  }
0x57: {  	v11 =	vld.idx.msk [tilespmem:v11+s11+$0x0], $0xffff;
	[tilespmem:s18+$0x210] =	vst v10;
	v10 =	vadd.s32 $0x40, v24  }
0x58: {  	v15 =	vadd.s32 $0x40, v8;
	[tilespmem:s18+$0x200] =	vst v9;
	v7 =	vld.idx.msk [tilespmem:v7+s11+$0x0], $0xffff  }
0x59: {  	[tilespmem:s20+$0xFFFFF020] =	vst v12;
	v12 =	vld.idx.msk [tilespmem:v13+s11+$0x0], $0xffff;
	v13 =	vadd.s32 $0x280, v3  }
0x5a: {  	v9 =	vadd.s32 $0x2C0, v4;
	[tilespmem:s20+$0xFFFFEFF0] =	vst v5;
	v5 =	vld.idx.msk [tilespmem:v17+s11+$0x0], $0xffff  }
0x5b: {  	[tilespmem:s20+$0xFFFFF000] =	vst v14;
	v14 =	vadd.s32 $0x280, v1;
	v6 =	vld.idx.msk [tilespmem:v6+s11+$0x0], $0xffff  }
0x5c: {  	v17 =	vadd.s32 $0x80, v23;
	v10 =	vld.idx.msk [tilespmem:v10+s11+$0x0], $0xffff;
	[tilespmem:s19+$0x2A00] =	vst v11  }
0x5d: {  	v15 =	vld.idx.msk [tilespmem:v15+s11+$0x0], $0xffff;
	[tilespmem:s18+$0x420] =	vst v7;
	v7 =	vadd.s32 $0x80, v0  }
0x5e: {  	v13 =	vld.idx.msk [tilespmem:v13+s11+$0x0], $0xffff;
	[tilespmem:s18+$0x400] =	vst v12;
	v12 =	vadd.s32 $0x80, v24  }
0x5f: {  	s21 =	simm.s32 $0x40;
	v16 =	vadd.s32 $0x80, v8;
	v9 =	vld.idx.msk [tilespmem:v9+s11+$0x0], $0xffff;
	[tilespmem:s20+$0xFFFFF210] =	vst v5  }
0x60: {  	s22 =	sand.u32 $0x1C0, s21;
	v11 =	vadd.s32 $0x300, v4;
	[tilespmem:s20+$0xFFFFF220] =	vst v6;
	v6 =	vld.idx.msk [tilespmem:v14+s11+$0x0], $0xffff  }
0x61: {  	v14 =	vadd.s32 $0x2C0, v3;
	[tilespmem:s22+$0x1A00] =	vst v10;
	v10 =	vld.idx.msk [tilespmem:v17+s11+$0x0], $0xffff  }
0x62: {  	[tilespmem:s20+$0xFFFFF200] =	vst v15;
	v15 =	vadd.s32 $0x2C0, v2;
	v7 =	vld.idx.msk [tilespmem:v7+s11+$0x0], $0xffff  }
0x63: {  	v17 =	vadd.s32 $0xC0, v23;
	v12 =	vld.idx.msk [tilespmem:v12+s11+$0x0], $0xffff;
	[tilespmem:s19+$0x2C00] =	vst v13  }
0x64: {  	v16 =	vld.idx.msk [tilespmem:v16+s11+$0x0], $0xffff;
	v5 =	vadd.s32 $0xC0, v0;
	[tilespmem:s18+$0x620] =	vst v9  }
0x65: {  	v9 =	vld.idx.msk [tilespmem:v11+s11+$0x0], $0xffff;
	v11 =	vadd.s32 $0xC0, v8;
	[tilespmem:s18+$0x410] =	vst v6  }
0x66: {  	v13 =	vadd.s32 $0x340, v4;
	v14 =	vld.idx.msk [tilespmem:v14+s11+$0x0], $0xffff;
	[tilespmem:s20+$0xFFFFF410] =	vst v10  }
0x67: {  	v6 =	vadd.s32 $0xC0, v24;
	[tilespmem:s20+$0xFFFFF420] =	vst v7;
	v7 =	vld.idx.msk [tilespmem:v15+s11+$0x0], $0xffff  }
0x68: {  	v15 =	vadd.s32 $0x2C0, v1;
	[tilespmem:s22+$0x1C00] =	vst v12;
	v12 =	vld.idx.msk [tilespmem:v17+s11+$0x0], $0xffff  }
0x69: {  	[tilespmem:s20+$0xFFFFF400] =	vst v16;
	v16 =	vadd.s32 $0x300, v3;
	v5 =	vld.idx.msk [tilespmem:v5+s11+$0x0], $0xffff  }
0x6a: {  	v11 =	vld.idx.msk [tilespmem:v11+s11+$0x0], $0xffff;
	[tilespmem:s18+$0x820] =	vst v9;
	v9 =	vadd.s32 $0x100, v0  }
0x6b: {  	v10 =	vld.idx.msk [tilespmem:v13+s11+$0x0], $0xffff;
	v13 =	vadd.s32 $0x100, v8  }
0x6c: {  	v6 =	vld.idx.msk [tilespmem:v6+s11+$0x0], $0xffff;
	[tilespmem:s19+$0x2E00] =	vst v14;
	v14 =	vadd.s32 $0x380, v4  }
0x6d: {  	v17 =	vadd.s32 $0x100, v23;
	[tilespmem:s18+$0x600] =	vst v7;
	v7 =	vld.idx.msk [tilespmem:v15+s11+$0x0], $0xffff  }
0x6e: {  	v15 =	vadd.s32 $0x100, v24;
	[tilespmem:s20+$0xFFFFF620] =	vst v5;
	v5 =	vld.idx.msk [tilespmem:v16+s11+$0x0], $0xffff  }
0x6f: {  	v16 =	vadd.s32 $0x300, v2;
	[tilespmem:s20+$0xFFFFF600] =	vst v11;
	v9 =	vld.idx.msk [tilespmem:v9+s11+$0x0], $0xffff  }
0x70: {  	v11 =	vadd.s32 $0x300, v1;
	v13 =	vld.idx.msk [tilespmem:v13+s11+$0x0], $0xffff;
	[tilespmem:s18+$0xA20] =	vst v10  }
0x71: {  	[tilespmem:s20+$0xFFFFF610] =	vst v12;
	v10 =	vadd.s32 $0x140, v0;
	v12 =	vld.idx.msk [tilespmem:v14+s11+$0x0], $0xffff  }
0x72: {  	v14 =	vadd.s32 $0x140, v8;
	[tilespmem:s22+$0x1E00] =	vst v6;
	v6 =	vld.idx.msk [tilespmem:v17+s11+$0x0], $0xffff  }
0x73: {  	v4 =	vadd.s32 $0x3C0, v4;
	v15 =	vld.idx.msk [tilespmem:v15+s11+$0x0], $0xffff;
	[tilespmem:s18+$0x610] =	vst v7  }
0x74: {  	v7 =	vadd.s32 $0x140, v23;
	[tilespmem:s19+$0x3000] =	vst v5;
	v5 =	vld.idx.msk [tilespmem:v16+s11+$0x0], $0xffff  }
0x75: {  	v16 =	vadd.s32 $0x140, v24;
	[tilespmem:s20+$0xFFFFF820] =	vst v9;
	v9 =	vld.idx.msk [tilespmem:v11+s11+$0x0], $0xffff  }
0x76: {  	v11 =	vadd.s32 $0x340, v3;
	[tilespmem:s20+$0xFFFFF800] =	vst v13;
	v10 =	vld.idx.msk [tilespmem:v10+s11+$0x0], $0xffff  }
0x77: {  	v13 =	vadd.s32 $0x340, v2;
	v14 =	vld.idx.msk [tilespmem:v14+s11+$0x0], $0xffff;
	[tilespmem:s18+$0xC20] =	vst v12  }
0x78: {  	[tilespmem:s20+$0xFFFFF810] =	vst v6;
	v6 =	vadd.s32 $0x180, v0;
	v4 =	vld.idx.msk [tilespmem:v4+s11+$0x0], $0xffff  }
0x79: {  	v12 =	vadd.s32 $0x180, v8;
	[tilespmem:s22+$0x2000] =	vst v15;
	v7 =	vld.idx.msk [tilespmem:v7+s11+$0x0], $0xffff  }
0x7a: {  	v15 =	vadd.s32 $0x340, v1;
	v16 =	vld.idx.msk [tilespmem:v16+s11+$0x0], $0xffff;
	[tilespmem:s18+$0x800] =	vst v5  }
0x7b: {  	v5 =	vadd.s32 $0x180, v23;
	v11 =	vld.idx.msk [tilespmem:v11+s11+$0x0], $0xffff;
	[tilespmem:s18+$0x810] =	vst v9  }
0x7c: {  	v9 =	vadd.s32 $0x180, v24;
	[tilespmem:s20+$0xFFFFFA20] =	vst v10;
	v10 =	vld.idx.msk [tilespmem:v13+s11+$0x0], $0xffff  }
0x7d: {  	v13 =	vadd.s32 $0x380, v3;
	[tilespmem:s20+$0xFFFFFA00] =	vst v14;
	v6 =	vld.idx.msk [tilespmem:v6+s11+$0x0], $0xffff  }
0x7e: {  	v14 =	vadd.s32 $0x380, v2;
	v12 =	vld.idx.msk [tilespmem:v12+s11+$0x0], $0xffff;
	[tilespmem:s18+$0xE20] =	vst v4  }
0x7f: {  	[tilespmem:s20+$0xFFFFFA10] =	vst v7;
	v4 =	vadd.s32 $0x1C0, v0;
	v7 =	vld.idx.msk [tilespmem:v15+s11+$0x0], $0xffff  }
0x80: {  	v15 =	vadd.s32 $0x1C0, v8;
	[tilespmem:s22+$0x2200] =	vst v16;
	v5 =	vld.idx.msk [tilespmem:v5+s11+$0x0], $0xffff  }
0x81: {  	v16 =	vadd.s32 $0x380, v1;
	v9 =	vld.idx.msk [tilespmem:v9+s11+$0x0], $0xffff;
	[tilespmem:s19+$0x3200] =	vst v11  }
0x82: {  	v11 =	vadd.s32 $0x1C0, v23;
	v13 =	vld.idx.msk [tilespmem:v13+s11+$0x0], $0xffff;
	[tilespmem:s18+$0xA00] =	vst v10  }
0x83: {  	v10 =	vadd.s32 $0x1C0, v24;
	[tilespmem:s20+$0xFFFFFC20] =	vst v6;
	v6 =	vld.idx.msk [tilespmem:v14+s11+$0x0], $0xffff  }
0x84: {  	v3 =	vadd.s32 $0x3C0, v3;
	[tilespmem:s20+$0xFFFFFC00] =	vst v12;
	v4 =	vld.idx.msk [tilespmem:v4+s11+$0x0], $0xffff  }
0x85: {  	v2 =	vadd.s32 $0x3C0, v2;
	[tilespmem:s18+$0xA10] =	vst v7;
	v12 =	vld.idx.msk [tilespmem:v15+s11+$0x0], $0xffff  }
0x86: {  	v28 =	vadd.s32 $0x3C0, v1;
	v20 =	vadd.s32 $0x200, v24;
	v1 =	vadd.s32 $0x200, v0;
	[tilespmem:s20+$0xFFFFFC10] =	vst v5;
	v30 =	vld.idx.msk [tilespmem:v16+s11+$0x0], $0xffff  }
0x87: {  	v18 =	vadd.s32 $0x240, v24;
	v34 =	vadd.s32 $0x200, v23;
	v29 =	vadd.s32 $0x200, v8;
	[tilespmem:s22+$0x2400] =	vst v9;
	v31 =	vld.idx.msk [tilespmem:v11+s11+$0x0], $0xffff  }
0x88: {  	v21 =	vadd.s32 $0x240, v23;
	v40 =	vadd.s32 $0x380, v24;
	v36 =	vadd.s32 $0x3C0, v24;
	v5 =	vld.idx.msk [tilespmem:v10+s11+$0x0], $0xffff;
	[tilespmem:s19+$0x3400] =	vst v13  }
0x89: {  	v22 =	vadd.s32 $0x240, v8;
	v19 =	vadd.s32 $0x280, v8;
	v38 =	vadd.s32 $0x380, v8;
	v26 =	vld.idx.msk [tilespmem:v3+s11+$0x0], $0xffff;
	[tilespmem:s18+$0xC00] =	vst v6  }
0x8a: {  	v33 =	vadd.s32 $0x3C0, v8;
	v17 =	vadd.s32 $0x280, v23;
	v14 =	vadd.s32 $0x2C0, v8;
	[tilespmem:s20+$0xFFFFFE20] =	vst v4;
	v25 =	vld.idx.msk [tilespmem:v2+s11+$0x0], $0xffff  }
0x8b: {  	v7 =	vadd.s32 $0x340, v8;
	v16 =	vadd.s32 $0x280, v24;
	v15 =	vadd.s32 $0x2C0, v23;
	[tilespmem:s20+$0xFFFFFE00] =	vst v12;
	v27 =	vld.idx.msk [tilespmem:v1+s11+$0x0], $0xffff  }
0x8c: {  	v9 =	vadd.s32 $0x300, v24;
	v11 =	vadd.s32 $0x300, v23;
	v13 =	vadd.s32 $0x2C0, v24;
	[tilespmem:s18+$0xC10] =	vst v30;
	v29 =	vld.idx.msk [tilespmem:v29+s11+$0x0], $0xffff  }
0x8d: {  	v10 =	vadd.s32 $0x300, v8;
	v8 =	vadd.s32 $0x380, v23;
	v6 =	vadd.s32 $0x340, v24;
	[tilespmem:s20+$0xFFFFFE10] =	vst v31;
	v24 =	vld.idx.msk [tilespmem:v28+s11+$0x0], $0xffff  }
0x8e: {  	s23 =	simm.s32 $0x4;
	s24 =	simm.s32 $0xA0;
	v12 =	vadd.s32 $0x340, v23;
	v30 =	vadd.s32 $0x240, v0;
	v31 =	vadd.s32 $0x3C0, v23;
	[tilespmem:s22+$0x2600] =	vst v5;
	v23 =	vld.idx.msk [tilespmem:v34+s11+$0x0], $0xffff  }
.LBB2_2:
0x8f: {  	[tilespmem:$0x1FF90] =	vst v40  }
0x90: {  	[tilespmem:$0x1FFA0] =	vst v38;
	v28 =	vld [tilespmem:s24+$0x10]  }
0x91: {  	[tilespmem:s19+$0x3600] =	vst v26;
	v34 =	vld [tilespmem:s24+$0xFFFFFFF0]  }
0x92: {  	[tilespmem:$0x1FFC0] =	vst v36;
	v35 =	vld [tilespmem:s24+$0xFFFFFFE0]  }
0x93: {  	[tilespmem:s18+$0xE00] =	vst v25;
	v20 =	vld.idx.msk [tilespmem:v20+s11+$0x0], $0xffff  }
0x94: {  	v44 =	vld [tilespmem:s24+$0x0];
	[tilespmem:s20+$0x0] =	vst v29  }
0x95: {  	[tilespmem:s18+$0xE10] =	vst v24;
	v22 =	vld.idx.msk [tilespmem:v22+s11+$0x0], $0xffff  }
0x96: {  	[tilespmem:s20+$0x20] =	vst v27  }
0x97: {  	s19 =	smov.u32 s22;
	[tilespmem:s20+$0x10] =	vst v23;
	v25 =	vld.idx.msk [tilespmem:v30+s11+$0x0], $0xffff  }
0x98: {  	v21 =	vld.idx.msk [tilespmem:v21+s11+$0x0], $0xffff;
	[tilespmem:s19+$0x2800] =	vst v20;
	v1 =	vadd.s32 $0x1C0, v35  }
0x99: {  	[tilespmem:$0x1FFB0] =	vst v1;
	v42 =	vld.idx.msk [tilespmem:v28+s11+$0x0], $0xffff  }
0x9a: {  	v23 =	vadd.s32 $0x280, v0;
	v1 =	vadd.s32 $0x200, v34;
	v51 =	vld.idx.msk [tilespmem:v34+s11+$0x0], $0xffff;
	[tilespmem:s20+$0x200] =	vst v22  }
0x9b: {  	v52 =	vadd.s32 $0x40, v28;
	v57 =	vld.idx.msk [tilespmem:v18+s11+$0x0], $0xffff;
	[tilespmem:$0x1FFD0] =	vst v1;
	v1 =	vadd.s32 $0x200, v44  }
0x9c: {  	v37 =	vadd.s32 $0x40, v34;
	v54 =	vld.idx.msk [tilespmem:v44+s11+$0x0], $0xffff;
	[tilespmem:$0x1FFF0] =	vst v1  }
0x9d: {  	s18 =	smov.u32 s20;
	v39 =	vadd.s32 $0x40, v44;
	v55 =	vld.idx.msk [tilespmem:v35+s11+$0x0], $0xffff;
	[tilespmem:s20+$0x220] =	vst v25  }
0x9e: {  	v43 =	vadd.s32 $0x40, v35;
	v58 =	vld.idx.msk [tilespmem:v19+s11+$0x0], $0xffff;
	[tilespmem:s18+$0x210] =	vst v21;
	s20 =	sadd.s32 $0x40, s20  }
0x9f: {  	v53 =	vld.idx.msk [tilespmem:v23+s11+$0x0], $0xffff;
	[tilespmem:s20+$0xFFFFF020] =	vst v42  }
0xa0: {  	v56 =	vadd.s32 $0x2C0, v0;
	[tilespmem:s20+$0xFFFFF000] =	vst v51;
	v51 =	vld.idx.msk [tilespmem:v52+s11+$0x0], $0xffff  }
0xa1: {  	[tilespmem:s20+$0xFFFFF010] =	vst v54;
	v60 =	vld.idx.msk [tilespmem:v37+s11+$0x0], $0xffff  }
0xa2: {  	v62 =	vadd.s32 $0x80, v28;
	[tilespmem:s20+$0xFFFFEFF0] =	vst v55;
	v1 =	vld.idx.msk [tilespmem:v39+s11+$0x0], $0xffff  }
0xa3: {  	v45 =	vadd.s32 $0x80, v34;
	v2 =	vld.idx.msk [tilespmem:v43+s11+$0x0], $0xffff;
	[tilespmem:s19+$0x2A00] =	vst v57  }
0xa4: {  	v47 =	vadd.s32 $0x80, v44;
	[tilespmem:s18+$0x420] =	vst v53;
	v5 =	vld.idx.msk [tilespmem:v16+s11+$0x0], $0xffff  }
0xa5: {  	v49 =	vadd.s32 $0x80, v35;
	[tilespmem:s18+$0x400] =	vst v58;
	v56 =	vld.idx.msk [tilespmem:v56+s11+$0x0], $0xffff  }
0xa6: {  	[tilespmem:s20+$0xFFFFF220] =	vst v51;
	v51 =	vld.idx.msk [tilespmem:v17+s11+$0x0], $0xffff  }
0xa7: {  	s21 =	sadd.s32 $0x40, s21;
	v57 =	vadd.s32 $0x300, v0;
	[tilespmem:s20+$0xFFFFF200] =	vst v60;
	v60 =	vld.idx.msk [tilespmem:v62+s11+$0x0], $0xffff  }
0xa8: {  	s22 =	sand.u32 $0x1C0, s21;
	[tilespmem:s20+$0xFFFFF210] =	vst v1;
	v45 =	vld.idx.msk [tilespmem:v45+s11+$0x0], $0xffff  }
0xa9: {  	v61 =	vadd.s32 $0x280, v44;
	v1 =	vadd.s32 $0xC0, v28;
	[tilespmem:s22+$0x1A00] =	vst v2;
	v2 =	vld.idx.msk [tilespmem:v47+s11+$0x0], $0xffff  }
0xaa: {  	v46 =	vadd.s32 $0xC0, v34;
	v17 =	vmov v61;
	v61 =	vld.idx.msk [tilespmem:v49+s11+$0x0], $0xffff;
	[tilespmem:s19+$0x2C00] =	vst v5  }
0xab: {  	v48 =	vadd.s32 $0xC0, v44;
	[tilespmem:s18+$0x620] =	vst v56;
	v62 =	vld.idx.msk [tilespmem:v13+s11+$0x0], $0xffff  }
0xac: {  	v50 =	vadd.s32 $0xC0, v35;
	v56 =	vld.idx.msk [tilespmem:v57+s11+$0x0], $0xffff;
	[tilespmem:s18+$0x410] =	vst v51  }
0xad: {  	v57 =	vld.idx.msk [tilespmem:v14+s11+$0x0], $0xffff;
	[tilespmem:s20+$0xFFFFF420] =	vst v60  }
0xae: {  	[tilespmem:s20+$0xFFFFF400] =	vst v45;
	v1 =	vld.idx.msk [tilespmem:v1+s11+$0x0], $0xffff  }
0xaf: {  	v5 =	vadd.s32 $0x340, v0;
	[tilespmem:s20+$0xFFFFF410] =	vst v2;
	v45 =	vld.idx.msk [tilespmem:v46+s11+$0x0], $0xffff  }
0xb0: {  	[tilespmem:s22+$0x1C00] =	vst v61;
	v58 =	vld.idx.msk [tilespmem:v48+s11+$0x0], $0xffff  }
0xb1: {  	v2 =	vadd.s32 $0x100, v28;
	v47 =	vld.idx.msk [tilespmem:v50+s11+$0x0], $0xffff;
	[tilespmem:s19+$0x2E00] =	vst v62  }
0xb2: {  	v40 =	vadd.s32 $0x100, v34;
	[tilespmem:s18+$0x820] =	vst v56  }
0xb3: {  	v38 =	vadd.s32 $0x100, v44;
	v60 =	vld.idx.msk [tilespmem:v15+s11+$0x0], $0xffff;
	[tilespmem:s18+$0x600] =	vst v57  }
0xb4: {  	v41 =	vadd.s32 $0x100, v35;
	v59 =	vadd.s32 $0x280, v35;
	v5 =	vld.idx.msk [tilespmem:v5+s11+$0x0], $0xffff;
	[tilespmem:s20+$0xFFFFF620] =	vst v1  }
0xb5: {  	v16 =	vmov v59;
	v59 =	vadd.s32 $0x380, v0;
	v1 =	vld.idx.msk [tilespmem:v9+s11+$0x0], $0xffff;
	[tilespmem:s20+$0xFFFFF600] =	vst v45  }
0xb6: {  	[tilespmem:s20+$0xFFFFF610] =	vst v58;
	v2 =	vld.idx.msk [tilespmem:v2+s11+$0x0], $0xffff  }
0xb7: {  	v40 =	vld.idx.msk [tilespmem:v40+s11+$0x0], $0xffff;
	[tilespmem:s22+$0x1E00] =	vst v47  }
0xb8: {  	v26 =	vadd.s32 $0x140, v34;
	v38 =	vld.idx.msk [tilespmem:v38+s11+$0x0], $0xffff;
	[tilespmem:s18+$0x610] =	vst v60  }
0xb9: {  	v36 =	vadd.s32 $0x140, v44;
	v41 =	vld.idx.msk [tilespmem:v41+s11+$0x0], $0xffff;
	[tilespmem:s18+$0xA20] =	vst v5  }
0xba: {  	v61 =	vld.idx.msk [tilespmem:v59+s11+$0x0], $0xffff;
	[tilespmem:s19+$0x3000] =	vst v1  }
0xbb: {  	v24 =	vadd.s32 $0x140, v35;
	v1 =	vld.idx.msk [tilespmem:v10+s11+$0x0], $0xffff;
	[tilespmem:s20+$0xFFFFF820] =	vst v2  }
0xbc: {  	v2 =	vld.idx.msk [tilespmem:v11+s11+$0x0], $0xffff;
	[tilespmem:s20+$0xFFFFF800] =	vst v40  }
0xbd: {  	[tilespmem:s20+$0xFFFFF810] =	vst v38;
	v26 =	vld.idx.msk [tilespmem:v26+s11+$0x0], $0xffff  }
0xbe: {  	v23 =	vadd.s32 $0x180, v34;
	v36 =	vld.idx.msk [tilespmem:v36+s11+$0x0], $0xffff  }
0xbf: {  	[tilespmem:s22+$0x2000] =	vst v41  }
0xc0: {  	v30 =	vadd.s32 $0x180, v44;
	v24 =	vld.idx.msk [tilespmem:v24+s11+$0x0], $0xffff;
	[tilespmem:s18+$0x800] =	vst v1  }
0xc1: {  	v1 =	vld.idx.msk [tilespmem:v6+s11+$0x0], $0xffff;
	[tilespmem:s18+$0x810] =	vst v2  }
0xc2: {  	v4 =	vadd.s32 $0x340, v34;
	v29 =	vadd.s32 $0x180, v35;
	v2 =	vld.idx.msk [tilespmem:v7+s11+$0x0], $0xffff;
	[tilespmem:s20+$0xFFFFFA00] =	vst v26  }
0xc3: {  	v7 =	vmov v4;
	[tilespmem:s20+$0xFFFFFA10] =	vst v36;
	v4 =	vld.idx.msk [tilespmem:v23+s11+$0x0], $0xffff  }
0xc4: {  	v23 =	vld.idx.msk [tilespmem:v12+s11+$0x0], $0xffff  }
0xc5: {  	[tilespmem:s22+$0x2200] =	vst v24;
	v24 =	vld.idx.msk [tilespmem:v30+s11+$0x0], $0xffff  }
0xc6: {  	v25 =	vadd.s32 $0x1C0, v44  }
0xc7: {  	v26 =	vld.idx.msk [tilespmem:v29+s11+$0x0], $0xffff  }
0xc8: {  	v5 =	vadd.s32 $0x140, v28;
	[tilespmem:s19+$0x3200] =	vst v1;
	v1 =	vld [tilespmem:$0x1FF90]  }
0xc9: {  	[tilespmem:s18+$0xA10] =	vst v23  }
0xca: {  	[tilespmem:s20+$0xFFFFFC10] =	vst v24  }
0xcb: {  	v24 =	vld.idx.msk [tilespmem:v25+s11+$0x0], $0xffff  }
0xcc: {  	v25 =	vld [tilespmem:$0x1FFB0]  }
0xcd: {  	v62 =	vadd.s32 $0x3C0, v0;
	v0 =	vmov v28;
	v5 =	vld.idx.msk [tilespmem:v5+s11+$0x0], $0xffff  }
0xce: {  	v28 =	vadd.s32 $0x180, v0;
	_ =	sdelay $0x1  }
0xcf: {  	[tilespmem:$0x1FFE0] =	vst v31;
	v1 =	vld.idx.msk [tilespmem:v1+s11+$0x0], $0xffff  }
0xd0: {  	v31 =	vadd.s32 $0x300, v44;
	[tilespmem:s18+$0xC20] =	vst v61  }
0xd1: {  	v3 =	vadd.s32 $0x340, v35;
	v11 =	vmov v31;
	v31 =	vld.idx.msk [tilespmem:v62+s11+$0x0], $0xffff;
	[tilespmem:s20+$0xFFFFFA20] =	vst v5  }
0xd2: {  	v6 =	vmov v3;
	v3 =	vld.idx.msk [tilespmem:v28+s11+$0x0], $0xffff;
	[tilespmem:s22+$0x2400] =	vst v26  }
0xd3: {  	v28 =	vld.idx.msk [tilespmem:v25+s11+$0x0], $0xffff  }
0xd4: {  	[tilespmem:s19+$0x3400] =	vst v1;
	v1 =	vld [tilespmem:$0x1FFC0];
	_ =	sdelay $0x1  }
0xd5: {  	[tilespmem:s18+$0xA00] =	vst v2;
	v2 =	vld [tilespmem:$0x1FFA0];
	_ =	sdelay $0x3  }
0xd6: {  	v27 =	vadd.s32 $0x1C0, v34;
	_ =	sdelay $0x1  }
0xd7: {  	v26 =	vld.idx.msk [tilespmem:v1+s11+$0x0], $0xffff  }
0xd8: {  	v1 =	vld [tilespmem:$0x1FFD0]  }
0xd9: {  	v2 =	vld.idx.msk [tilespmem:v2+s11+$0x0], $0xffff;
	[tilespmem:s20+$0xFFFFFC00] =	vst v4  }
0xda: {  	v4 =	vld.idx.msk [tilespmem:v27+s11+$0x0], $0xffff;
	_ =	sdelay $0x3  }
0xdb: {  	[tilespmem:s18+$0xC00] =	vst v2  }
0xdc: {  	v25 =	vld.idx.msk [tilespmem:v33+s11+$0x0], $0xffff;
	[tilespmem:s20+$0xFFFFFE00] =	vst v4  }
0xdd: {  	v29 =	vld.idx.msk [tilespmem:v1+s11+$0x0], $0xffff  }
0xde: {  	v1 =	vld [tilespmem:$0x1FFE0]  }
0xdf: {  	v23 =	vld.idx.msk [tilespmem:v8+s11+$0x0], $0xffff;
	_ =	sdelay $0x3  }
0xe0: {  	v5 =	vadd.s32 $0x1C0, v0  }
0xe1: {  	[tilespmem:s18+$0xC10] =	vst v23  }
0xe2: {  	[tilespmem:s20+$0xFFFFFE10] =	vst v24  }
0xe3: {  	[tilespmem:s18+$0xE20] =	vst v31;
	v24 =	vld.idx.msk [tilespmem:v1+s11+$0x0], $0xffff  }
0xe4: {  	v63 =	vadd.s32 $0x300, v34;
	[tilespmem:s20+$0xFFFFFC20] =	vst v3;
	v1 =	vld [tilespmem:$0x1FFF0]  }
0xe5: {  	v32 =	vadd.s32 $0x340, v44;
	v20 =	vadd.s32 $0x200, v35;
	v18 =	vadd.s32 $0x240, v35;
	v3 =	vld.idx.msk [tilespmem:v5+s11+$0x0], $0xffff  }
0xe6: {  	s23 =	sadd.s32 $0x4, s23;
	v22 =	vadd.s32 $0x240, v34;
	v19 =	vadd.s32 $0x280, v34;
	v5 =	vadd.s32 $0x200, v0  }
0xe7: {  	p0 =	slt.u32 s23, $0x1C;
	v21 =	vadd.s32 $0x240, v44;
	v54 =	vadd.s32 $0x2C0, v44;
	v42 =	vadd.s32 $0x380, v34  }
.Ltmp0:
0xe8: {  	v52 =	vadd.s32 $0x2C0, v35;
	v55 =	vadd.s32 $0x300, v35;
	v37 =	vadd.s32 $0x3C0, v35;
	(pc) =	sbr.rel @p0 .LBB2_2-.Ltmp0, $4  }
0xe9: {  	v39 =	vadd.s32 $0x380, v44;
	v43 =	vadd.s32 $0x380, v35;
	v53 =	vadd.s32 $0x2C0, v34  }
0xea: {  	v35 =	vadd.s32 $0x3C0, v34;
	v34 =	vadd.s32 $0x3C0, v44;
	v13 =	vmovc v52;
	v14 =	vmovc v53;
	v15 =	vmov v54;
	[tilespmem:s20+$0xFFFFFE20] =	vst v3  }
0xeb: {  	v9 =	vmovc v55;
	v10 =	vmovc v63;
	v40 =	vmov v43;
	v38 =	vmov v42;
	v36 =	vmov v37;
	v27 =	vld.idx.msk [tilespmem:v5+s11+$0x0], $0xffff  }
0xec: {  	s24 =	sadd.s32 $0x40, s24;
	v12 =	vmovc v32;
	v30 =	vadd.s32 $0x240, v0;
	v31 =	vmovc v34;
	v8 =	vmov v39;
	v33 =	vmov v35;
	[tilespmem:s22+$0x2600] =	vst v28;
	v23 =	vld.idx.msk [tilespmem:v1+s11+$0x0], $0xffff  }
0xed: {  	_ =	sdelay $0x3  }
0xee: {  	v1 =	vld.idx.msk [tilespmem:v20+s11+$0x0], $0xffff;
	_ =	sdelay $0x1  }
0xef: {  	[tilespmem:s20+$0x0] =	vst v29  }
0xf0: {  	v4 =	vld.idx.msk [tilespmem:v22+s11+$0x0], $0xffff;
	[tilespmem:s20+$0x20] =	vst v27  }
0xf1: {  	v2 =	vld.idx.msk [tilespmem:v30+s11+$0x0], $0xffff;
	[tilespmem:s20+$0x10] =	vst v23  }
0xf2: {  	[tilespmem:s22+$0x2800] =	vst v1;
	v1 =	vadd.s32 $0x280, v0;
	v5 =	vld.idx.msk [tilespmem:v21+s11+$0x0], $0xffff  }
0xf3: {  	v3 =	vld.idx.msk [tilespmem:v18+s11+$0x0], $0xffff;
	_ =	sdelay $0x1  }
0xf4: {  	[tilespmem:s20+$0x200] =	vst v4  }
0xf5: {  	v4 =	vld.idx.msk [tilespmem:v19+s11+$0x0], $0xffff;
	[tilespmem:s20+$0x220] =	vst v2  }
0xf6: {  	v1 =	vld.idx.msk [tilespmem:v1+s11+$0x0], $0xffff;
	[tilespmem:s20+$0x210] =	vst v5  }
0xf7: {  	v2 =	vadd.s32 $0x2C0, v0;
	[tilespmem:s22+$0x2A00] =	vst v3;
	v5 =	vld.idx.msk [tilespmem:v17+s11+$0x0], $0xffff  }
0xf8: {  	v3 =	vld.idx.msk [tilespmem:v16+s11+$0x0], $0xffff;
	_ =	sdelay $0x1  }
0xf9: {  	[tilespmem:s20+$0x400] =	vst v4  }
0xfa: {  	v4 =	vld.idx.msk [tilespmem:v14+s11+$0x0], $0xffff;
	[tilespmem:s20+$0x420] =	vst v1  }
0xfb: {  	v1 =	vld.idx.msk [tilespmem:v2+s11+$0x0], $0xffff;
	[tilespmem:s20+$0x410] =	vst v5  }
0xfc: {  	v2 =	vadd.s32 $0x300, v0;
	[tilespmem:s22+$0x2C00] =	vst v3;
	v5 =	vld.idx.msk [tilespmem:v15+s11+$0x0], $0xffff  }
0xfd: {  	v3 =	vld.idx.msk [tilespmem:v13+s11+$0x0], $0xffff;
	_ =	sdelay $0x1  }
0xfe: {  	[tilespmem:s20+$0x600] =	vst v4  }
0xff: {  	v4 =	vld.idx.msk [tilespmem:v10+s11+$0x0], $0xffff;
	[tilespmem:s20+$0x620] =	vst v1  }
0x100: {  	v1 =	vld.idx.msk [tilespmem:v2+s11+$0x0], $0xffff;
	[tilespmem:s20+$0x610] =	vst v5  }
0x101: {  	v2 =	vadd.s32 $0x340, v0;
	[tilespmem:s22+$0x2E00] =	vst v3;
	v5 =	vld.idx.msk [tilespmem:v11+s11+$0x0], $0xffff  }
0x102: {  	v3 =	vld.idx.msk [tilespmem:v9+s11+$0x0], $0xffff;
	_ =	sdelay $0x1  }
0x103: {  	[tilespmem:s20+$0x800] =	vst v4  }
0x104: {  	v4 =	vld.idx.msk [tilespmem:v7+s11+$0x0], $0xffff;
	[tilespmem:s20+$0x820] =	vst v1  }
0x105: {  	v1 =	vld.idx.msk [tilespmem:v2+s11+$0x0], $0xffff;
	[tilespmem:s20+$0x810] =	vst v5  }
0x106: {  	v2 =	vadd.s32 $0x380, v0;
	[tilespmem:s22+$0x3000] =	vst v3;
	v5 =	vld.idx.msk [tilespmem:v12+s11+$0x0], $0xffff  }
0x107: {  	v3 =	vld.idx.msk [tilespmem:v6+s11+$0x0], $0xffff;
	_ =	sdelay $0x1  }
0x108: {  	[tilespmem:s20+$0xA00] =	vst v4  }
0x109: {  	[tilespmem:s20+$0xA20] =	vst v1  }
0x10a: {  	v1 =	vld.idx.msk [tilespmem:v2+s11+$0x0], $0xffff;
	[tilespmem:s20+$0xA10] =	vst v5  }
0x10b: {  	[tilespmem:s22+$0x3200] =	vst v3;
	v3 =	vld.idx.msk [tilespmem:v38+s11+$0x0], $0xffff  }
0x10c: {  	v0 =	vadd.s32 $0x3C0, v0;
	v4 =	vld.idx.msk [tilespmem:v8+s11+$0x0], $0xffff  }
0x10d: {  	v2 =	vld.idx.msk [tilespmem:v40+s11+$0x0], $0xffff;
	_ =	sdelay $0x1  }
0x10e: {  	[tilespmem:s20+$0xC20] =	vst v1  }
0x10f: {  	[tilespmem:s20+$0xC00] =	vst v3  }
0x110: {  	v0 =	vld.idx.msk [tilespmem:v0+s11+$0x0], $0xffff;
	[tilespmem:s20+$0xC10] =	vst v4  }
0x111: {  	[tilespmem:s22+$0x3400] =	vst v2;
	v2 =	vld.idx.msk [tilespmem:v33+s11+$0x0], $0xffff  }
0x112: {  	[tilespmem:s19+$0x3600] =	vst v26;
	v3 =	vld.idx.msk [tilespmem:v31+s11+$0x0], $0xffff  }
0x113: {  	[tilespmem:s18+$0xE00] =	vst v25;
	v1 =	vld.idx.msk [tilespmem:v36+s11+$0x0], $0xffff  }
0x114: {  	[tilespmem:s18+$0xE10] =	vst v24  }
0x115: {  	[tilespmem:s20+$0xE20] =	vst v0  }
0x116: {  	[tilespmem:s20+$0xE00] =	vst v2  }
0x117: {  	[tilespmem:s20+$0xE10] =	vst v3  }
0x118: {  	s25 =	simm.s32 $0x0;
	s26 =	simm.s32 $0x230;
	[tilespmem:s22+$0x3600] =	vst v1  }
0x119: {  	[hbm4b:s5+s25] =	stream.linear.scatter [tilespmem:s12], [sflag:$0x1], $0x2000, $0x38;
	[tilespmem:$0x9800] =	vst v63  }
0x11a: {  	s21 =	sand.u32 $0x1C0, s25;
	v1 =	vld [tilespmem:s26+$0x0]  }
0x11b: {  	v0 =	vld [tilespmem:s21+$0x200];
	_ =	sdelay $0x3  }
0x11c: {  	v4 =	vadd.s32 $0x400, v1  }
0x11d: {  	v5 =	vadd.s32 $0x400, v0;
	_ =	sdelay $0x1  }
0x11e: {  	v3 =	vld [tilespmem:s26+$0xFFFFFFE0]  }
0x11f: {  	v2 =	vld [tilespmem:s26+$0xFFFFFFF0]  }
0x120: {  	v4 =	vld.idx.msk [tilespmem:v4+s11+$0x0], $0xffff  }
0x121: {  	v6 =	vadd.s32 $0x440, v1;
	v5 =	vld.idx.msk [tilespmem:v5+s11+$0x0], $0xffff  }
0x122: {  	v7 =	vadd.s32 $0x440, v0;
	_ =	sdelay $0x1  }
0x123: {  	s18 =	simm.s32 $0x5630;
	v8 =	vadd.s32 $0x400, v3  }
0x124: {  	[tilespmem:s18+$0xFFFFE200] =	vst v4  }
0x125: {  	v4 =	vadd.s32 $0x400, v2;
	[tilespmem:s21+$0x3800] =	vst v5;
	v5 =	vld.idx.msk [tilespmem:v6+s11+$0x0], $0xffff  }
0x126: {  	v6 =	vld.idx.msk [tilespmem:v7+s11+$0x0], $0xffff;
	v7 =	vadd.s32 $0x480, v1  }
0x127: {  	v9 =	vadd.s32 $0x480, v0  }
0x128: {  	v8 =	vld.idx.msk [tilespmem:v8+s11+$0x0], $0xffff  }
0x129: {  	v10 =	vadd.s32 $0x440, v3  }
0x12a: {  	v4 =	vld.idx.msk [tilespmem:v4+s11+$0x0], $0xffff;
	[tilespmem:s18+$0xFFFFE400] =	vst v5  }
0x12b: {  	v5 =	vadd.s32 $0x440, v2;
	[tilespmem:s21+$0x3A00] =	vst v6;
	v6 =	vld.idx.msk [tilespmem:v7+s11+$0x0], $0xffff  }
0x12c: {  	v7 =	vld.idx.msk [tilespmem:v9+s11+$0x0], $0xffff;
	v9 =	vadd.s32 $0x4C0, v1  }
0x12d: {  	v11 =	vadd.s32 $0x4C0, v0;
	[tilespmem:s18+$0xFFFFE1E0] =	vst v8  }
0x12e: {  	v8 =	vld.idx.msk [tilespmem:v10+s11+$0x0], $0xffff  }
0x12f: {  	[tilespmem:s18+$0xFFFFE1F0] =	vst v4;
	v4 =	vadd.s32 $0x480, v3  }
0x130: {  	v5 =	vld.idx.msk [tilespmem:v5+s11+$0x0], $0xffff;
	[tilespmem:s18+$0xFFFFE600] =	vst v6  }
0x131: {  	v6 =	vadd.s32 $0x480, v2;
	[tilespmem:s21+$0x3C00] =	vst v7;
	v7 =	vld.idx.msk [tilespmem:v9+s11+$0x0], $0xffff  }
0x132: {  	v10 =	vadd.s32 $0x500, v1;
	v9 =	vld.idx.msk [tilespmem:v11+s11+$0x0], $0xffff  }
0x133: {  	[tilespmem:s18+$0xFFFFE3E0] =	vst v8;
	v11 =	vadd.s32 $0x500, v0  }
0x134: {  	v4 =	vld.idx.msk [tilespmem:v4+s11+$0x0], $0xffff  }
0x135: {  	[tilespmem:s18+$0xFFFFE3F0] =	vst v5;
	v5 =	vadd.s32 $0x4C0, v3  }
0x136: {  	v6 =	vld.idx.msk [tilespmem:v6+s11+$0x0], $0xffff;
	[tilespmem:s18+$0xFFFFE800] =	vst v7  }
0x137: {  	v7 =	vadd.s32 $0x4C0, v2;
	[tilespmem:s21+$0x3E00] =	vst v9;
	v8 =	vld.idx.msk [tilespmem:v10+s11+$0x0], $0xffff  }
0x138: {  	v9 =	vld.idx.msk [tilespmem:v11+s11+$0x0], $0xffff;
	v10 =	vadd.s32 $0x540, v1  }
0x139: {  	v11 =	vadd.s32 $0x540, v0;
	[tilespmem:s18+$0xFFFFE5E0] =	vst v4  }
0x13a: {  	v4 =	vld.idx.msk [tilespmem:v5+s11+$0x0], $0xffff  }
0x13b: {  	v5 =	vadd.s32 $0x500, v3;
	[tilespmem:s18+$0xFFFFE5F0] =	vst v6  }
0x13c: {  	v6 =	vld.idx.msk [tilespmem:v7+s11+$0x0], $0xffff;
	[tilespmem:s18+$0xFFFFEA00] =	vst v8  }
0x13d: {  	v7 =	vadd.s32 $0x500, v2;
	[tilespmem:s21+$0x4000] =	vst v9;
	v8 =	vld.idx.msk [tilespmem:v10+s11+$0x0], $0xffff  }
0x13e: {  	v9 =	vld.idx.msk [tilespmem:v11+s11+$0x0], $0xffff;
	v10 =	vadd.s32 $0x580, v1  }
0x13f: {  	v11 =	vadd.s32 $0x580, v0;
	[tilespmem:s18+$0xFFFFE7E0] =	vst v4  }
0x140: {  	v4 =	vld.idx.msk [tilespmem:v5+s11+$0x0], $0xffff  }
0x141: {  	v5 =	vadd.s32 $0x540, v3;
	[tilespmem:s18+$0xFFFFE7F0] =	vst v6  }
0x142: {  	v6 =	vld.idx.msk [tilespmem:v7+s11+$0x0], $0xffff;
	[tilespmem:s18+$0xFFFFEC00] =	vst v8  }
0x143: {  	v7 =	vadd.s32 $0x540, v2;
	[tilespmem:s21+$0x4200] =	vst v9;
	v8 =	vld.idx.msk [tilespmem:v10+s11+$0x0], $0xffff  }
0x144: {  	v9 =	vld.idx.msk [tilespmem:v11+s11+$0x0], $0xffff;
	v10 =	vadd.s32 $0x5C0, v1  }
0x145: {  	v11 =	vadd.s32 $0x5C0, v0;
	[tilespmem:s18+$0xFFFFE9E0] =	vst v4  }
0x146: {  	v4 =	vld.idx.msk [tilespmem:v5+s11+$0x0], $0xffff  }
0x147: {  	v5 =	vadd.s32 $0x580, v3;
	[tilespmem:s18+$0xFFFFE9F0] =	vst v6  }
0x148: {  	v6 =	vld.idx.msk [tilespmem:v7+s11+$0x0], $0xffff;
	[tilespmem:s18+$0xFFFFEE00] =	vst v8  }
0x149: {  	v7 =	vadd.s32 $0x580, v2;
	[tilespmem:s21+$0x4400] =	vst v9;
	v8 =	vld.idx.msk [tilespmem:v10+s11+$0x0], $0xffff  }
0x14a: {  	s23 =	simm.s32 $0x2B0;
	v9 =	vld.idx.msk [tilespmem:v11+s11+$0x0], $0xffff;
	v10 =	vadd.s32 $0x600, v1  }
0x14b: {  	v22 =	vld [tilespmem:s23+$0xFFFFFFE0];
	v11 =	vadd.s32 $0x600, v0;
	[tilespmem:s18+$0xFFFFEBE0] =	vst v4  }
0x14c: {  	s29 =	simm.s32 $0x270;
	v5 =	vld.idx.msk [tilespmem:v5+s11+$0x0], $0xffff  }
0x14d: {  	v4 =	vld [tilespmem:s29+$0x0];
	[tilespmem:s18+$0xFFFFEBF0] =	vst v6;
	v6 =	vadd.s32 $0x5C0, v3  }
0x14e: {  	v7 =	vld.idx.msk [tilespmem:v7+s11+$0x0], $0xffff;
	[tilespmem:s18+$0xFFFFF000] =	vst v8  }
0x14f: {  	s28 =	simm.s32 $0x40;
	v8 =	vadd.s32 $0x5C0, v2;
	[tilespmem:s21+$0x4600] =	vst v9;
	v9 =	vld.idx.msk [tilespmem:v10+s11+$0x0], $0xffff  }
0x150: {  	s30 =	sand.u32 $0x1C0, s28;
	v10 =	vld.idx.msk [tilespmem:v11+s11+$0x0], $0xffff  }
0x151: {  	[tilespmem:s18+$0xFFFFEDE0] =	vst v5;
	v5 =	vld [tilespmem:s30+$0x200]  }
0x152: {  	v11 =	vadd.s32 $0x640, v1;
	v12 =	vld.idx.msk [tilespmem:v6+s11+$0x0], $0xffff  }
0x153: {  	v13 =	vadd.s32 $0x640, v0;
	[tilespmem:s18+$0xFFFFEDF0] =	vst v7;
	v7 =	vld [tilespmem:s29+$0xFFFFFFE0]  }
0x154: {  	v14 =	vadd.s32 $0x600, v3;
	v8 =	vld.idx.msk [tilespmem:v8+s11+$0x0], $0xffff  }
0x155: {  	v23 =	vld [tilespmem:s23+$0xFFFFFFF0];
	v15 =	vadd.s32 $0x600, v2  }
0x156: {  	v6 =	vld [tilespmem:s29+$0xFFFFFFF0];
	[tilespmem:s18+$0xFFFFF200] =	vst v9;
	v9 =	vadd.s32 $0x400, v4  }
0x157: {  	[tilespmem:s21+$0x4800] =	vst v10;
	v10 =	vld.idx.msk [tilespmem:v11+s11+$0x0], $0xffff;
	v11 =	vadd.s32 $0x400, v5  }
0x158: {  	[tilespmem:s18+$0xFFFFEFE0] =	vst v12;
	v12 =	vld.idx.msk [tilespmem:v13+s11+$0x0], $0xffff;
	v13 =	vadd.s32 $0x680, v1  }
0x159: {  	v16 =	vadd.s32 $0x400, v7;
	[tilespmem:s18+$0xFFFFEFF0] =	vst v8;
	v8 =	vld.idx.msk [tilespmem:v14+s11+$0x0], $0xffff  }
0x15a: {  	v14 =	vadd.s32 $0x680, v0;
	v15 =	vld.idx.msk [tilespmem:v15+s11+$0x0], $0xffff  }
0x15b: {  	v17 =	vadd.s32 $0x400, v6;
	v9 =	vld.idx.msk [tilespmem:v9+s11+$0x0], $0xffff  }
0x15c: {  	v18 =	vadd.s32 $0x640, v3;
	v11 =	vld.idx.msk [tilespmem:v11+s11+$0x0], $0xffff;
	[tilespmem:s18+$0xFFFFF400] =	vst v10  }
0x15d: {  	v10 =	vadd.s32 $0x440, v4;
	[tilespmem:s21+$0x4A00] =	vst v12;
	v12 =	vld.idx.msk [tilespmem:v13+s11+$0x0], $0xffff  }
0x15e: {  	v13 =	vadd.s32 $0x440, v5;
	v16 =	vld.idx.msk [tilespmem:v16+s11+$0x0], $0xffff  }
0x15f: {  	v19 =	vadd.s32 $0x6C0, v1;
	v14 =	vld.idx.msk [tilespmem:v14+s11+$0x0], $0xffff  }
0x160: {  	s19 =	simm.s32 $0x5670;
	[tilespmem:s18+$0xFFFFF1E0] =	vst v8;
	v8 =	vld.idx.msk [tilespmem:v17+s11+$0x0], $0xffff;
	v17 =	vadd.s32 $0x6C0, v0  }
0x161: {  	v20 =	vadd.s32 $0x440, v7;
	[tilespmem:s19+$0xFFFFE200] =	vst v9;
	v9 =	vld.idx.msk [tilespmem:v18+s11+$0x0], $0xffff  }
0x162: {  	v18 =	vadd.s32 $0x440, v6;
	[tilespmem:s30+$0x3800] =	vst v11;
	v10 =	vld.idx.msk [tilespmem:v10+s11+$0x0], $0xffff  }
0x163: {  	v11 =	vadd.s32 $0x640, v2;
	v13 =	vld.idx.msk [tilespmem:v13+s11+$0x0], $0xffff;
	[tilespmem:s18+$0xFFFFF600] =	vst v12  }
0x164: {  	v12 =	vadd.s32 $0x480, v4;
	[tilespmem:s21+$0x4C00] =	vst v14;
	v14 =	vld.idx.msk [tilespmem:v19+s11+$0x0], $0xffff  }
0x165: {  	[tilespmem:s19+$0xFFFFE1E0] =	vst v16;
	v19 =	vadd.s32 $0x480, v5;
	v16 =	vld.idx.msk [tilespmem:v17+s11+$0x0], $0xffff  }
0x166: {  	[tilespmem:s19+$0xFFFFE1F0] =	vst v8;
	v8 =	vadd.s32 $0x700, v1;
	v17 =	vld.idx.msk [tilespmem:v20+s11+$0x0], $0xffff  }
0x167: {  	[tilespmem:s18+$0xFFFFF1F0] =	vst v15;
	v15 =	vld.idx.msk [tilespmem:v18+s11+$0x0], $0xffff;
	v18 =	vadd.s32 $0x700, v0  }
0x168: {  	v20 =	vadd.s32 $0x480, v7;
	[tilespmem:s19+$0xFFFFE400] =	vst v10;
	v10 =	vld.idx.msk [tilespmem:v11+s11+$0x0], $0xffff  }
0x169: {  	v11 =	vadd.s32 $0x480, v6;
	[tilespmem:s30+$0x3A00] =	vst v13;
	v12 =	vld.idx.msk [tilespmem:v12+s11+$0x0], $0xffff  }
0x16a: {  	v13 =	vadd.s32 $0x680, v3;
	v19 =	vld.idx.msk [tilespmem:v19+s11+$0x0], $0xffff;
	[tilespmem:s18+$0xFFFFF800] =	vst v14  }
0x16b: {  	v14 =	vadd.s32 $0x4C0, v4;
	[tilespmem:s21+$0x4E00] =	vst v16;
	v8 =	vld.idx.msk [tilespmem:v8+s11+$0x0], $0xffff  }
0x16c: {  	v16 =	vadd.s32 $0x4C0, v5;
	[tilespmem:s19+$0xFFFFE3E0] =	vst v17;
	v17 =	vld.idx.msk [tilespmem:v18+s11+$0x0], $0xffff  }
0x16d: {  	[tilespmem:s19+$0xFFFFE3F0] =	vst v15;
	v15 =	vadd.s32 $0x740, v1;
	v18 =	vld.idx.msk [tilespmem:v20+s11+$0x0], $0xffff  }
0x16e: {  	[tilespmem:s18+$0xFFFFF3E0] =	vst v9;
	v9 =	vld.idx.msk [tilespmem:v11+s11+$0x0], $0xffff;
	v11 =	vadd.s32 $0x740, v0  }
0x16f: {  	v20 =	vadd.s32 $0x4C0, v7;
	[tilespmem:s19+$0xFFFFE600] =	vst v12;
	v12 =	vld.idx.msk [tilespmem:v13+s11+$0x0], $0xffff  }
0x170: {  	v13 =	vadd.s32 $0x4C0, v6;
	[tilespmem:s30+$0x3C00] =	vst v19;
	v14 =	vld.idx.msk [tilespmem:v14+s11+$0x0], $0xffff  }
0x171: {  	v19 =	vadd.s32 $0x680, v2;
	v16 =	vld.idx.msk [tilespmem:v16+s11+$0x0], $0xffff;
	[tilespmem:s18+$0xFFFFFA00] =	vst v8  }
0x172: {  	v8 =	vadd.s32 $0x500, v4;
	[tilespmem:s21+$0x5000] =	vst v17;
	v15 =	vld.idx.msk [tilespmem:v15+s11+$0x0], $0xffff  }
0x173: {  	v17 =	vadd.s32 $0x500, v5;
	[tilespmem:s19+$0xFFFFE5E0] =	vst v18;
	v11 =	vld.idx.msk [tilespmem:v11+s11+$0x0], $0xffff  }
0x174: {  	[tilespmem:s19+$0xFFFFE5F0] =	vst v9;
	v9 =	vadd.s32 $0x780, v1;
	v18 =	vld.idx.msk [tilespmem:v20+s11+$0x0], $0xffff  }
0x175: {  	[tilespmem:s18+$0xFFFFF3F0] =	vst v10;
	v10 =	vld.idx.msk [tilespmem:v13+s11+$0x0], $0xffff;
	v13 =	vadd.s32 $0x780, v0  }
0x176: {  	v20 =	vadd.s32 $0x500, v7;
	[tilespmem:s19+$0xFFFFE800] =	vst v14;
	v14 =	vld.idx.msk [tilespmem:v19+s11+$0x0], $0xffff  }
0x177: {  	v19 =	vadd.s32 $0x500, v6;
	[tilespmem:s30+$0x3E00] =	vst v16;
	v8 =	vld.idx.msk [tilespmem:v8+s11+$0x0], $0xffff  }
0x178: {  	v16 =	vadd.s32 $0x6C0, v3;
	v17 =	vld.idx.msk [tilespmem:v17+s11+$0x0], $0xffff;
	[tilespmem:s18+$0xFFFFFC00] =	vst v15  }
0x179: {  	v15 =	vadd.s32 $0x540, v4;
	[tilespmem:s21+$0x5200] =	vst v11;
	v9 =	vld.idx.msk [tilespmem:v9+s11+$0x0], $0xffff  }
0x17a: {  	v11 =	vadd.s32 $0x540, v5;
	[tilespmem:s19+$0xFFFFE7E0] =	vst v18;
	v13 =	vld.idx.msk [tilespmem:v13+s11+$0x0], $0xffff  }
0x17b: {  	v1 =	vadd.s32 $0x7C0, v1;
	[tilespmem:s19+$0xFFFFE7F0] =	vst v10;
	v18 =	vld.idx.msk [tilespmem:v20+s11+$0x0], $0xffff  }
0x17c: {  	[tilespmem:s18+$0xFFFFF5E0] =	vst v12;
	v0 =	vadd.s32 $0x7C0, v0;
	v10 =	vld.idx.msk [tilespmem:v19+s11+$0x0], $0xffff  }
0x17d: {  	v12 =	vadd.s32 $0x540, v7;
	[tilespmem:s19+$0xFFFFEA00] =	vst v8;
	v8 =	vld.idx.msk [tilespmem:v16+s11+$0x0], $0xffff  }
0x17e: {  	v16 =	vadd.s32 $0x540, v6;
	[tilespmem:s30+$0x4000] =	vst v17;
	v15 =	vld.idx.msk [tilespmem:v15+s11+$0x0], $0xffff  }
0x17f: {  	v17 =	vadd.s32 $0x6C0, v2;
	v11 =	vld.idx.msk [tilespmem:v11+s11+$0x0], $0xffff;
	[tilespmem:s18+$0xFFFFFE00] =	vst v9  }
0x180: {  	v9 =	vadd.s32 $0x580, v4;
	[tilespmem:s21+$0x5400] =	vst v13;
	v13 =	vld.idx.msk [tilespmem:v1+s11+$0x0], $0xffff  }
0x181: {  	v1 =	vadd.s32 $0x580, v5;
	[tilespmem:s19+$0xFFFFE9E0] =	vst v18;
	v18 =	vld.idx.msk [tilespmem:v0+s11+$0x0], $0xffff  }
0x182: {  	v0 =	vadd.s32 $0x700, v3;
	v12 =	vld.idx.msk [tilespmem:v12+s11+$0x0], $0xffff;
	[tilespmem:s19+$0xFFFFE9F0] =	vst v10  }
0x183: {  	[tilespmem:s18+$0xFFFFF5F0] =	vst v14;
	v10 =	vadd.s32 $0x580, v7;
	v14 =	vld.idx.msk [tilespmem:v16+s11+$0x0], $0xffff  }
0x184: {  	v16 =	vadd.s32 $0x580, v6;
	[tilespmem:s19+$0xFFFFEC00] =	vst v15;
	v15 =	vld.idx.msk [tilespmem:v17+s11+$0x0], $0xffff  }
0x185: {  	v17 =	vadd.s32 $0x700, v2;
	[tilespmem:s30+$0x4200] =	vst v11;
	v9 =	vld.idx.msk [tilespmem:v9+s11+$0x0], $0xffff  }
0x186: {  	[tilespmem:s18+$0xFFFFF7E0] =	vst v8;
	v8 =	vadd.s32 $0x5C0, v4;
	v1 =	vld.idx.msk [tilespmem:v1+s11+$0x0], $0xffff  }
0x187: {  	v11 =	vadd.s32 $0x5C0, v5;
	v0 =	vld.idx.msk [tilespmem:v0+s11+$0x0], $0xffff;
	[tilespmem:s19+$0xFFFFEBE0] =	vst v12  }
0x188: {  	v12 =	vadd.s32 $0x740, v3;
	v10 =	vld.idx.msk [tilespmem:v10+s11+$0x0], $0xffff;
	[tilespmem:s19+$0xFFFFEBF0] =	vst v14  }
0x189: {  	v14 =	vadd.s32 $0x5C0, v7;
	v16 =	vld.idx.msk [tilespmem:v16+s11+$0x0], $0xffff;
	[tilespmem:s18+$0xFFFFF7F0] =	vst v15  }
0x18a: {  	v15 =	vadd.s32 $0x5C0, v6;
	[tilespmem:s19+$0xFFFFEE00] =	vst v9;
	v9 =	vld.idx.msk [tilespmem:v17+s11+$0x0], $0xffff  }
0x18b: {  	[tilespmem:s30+$0x4400] =	vst v1;
	v1 =	vld.idx.msk [tilespmem:v8+s11+$0x0], $0xffff  }
0x18c: {  	v8 =	vld.idx.msk [tilespmem:v11+s11+$0x0], $0xffff;
	[tilespmem:s18+$0xFFFFF9E0] =	vst v0;
	v0 =	vadd.s32 $0x600, v4  }
0x18d: {  	v11 =	vld.idx.msk [tilespmem:v12+s11+$0x0], $0xffff;
	[tilespmem:s19+$0xFFFFEDE0] =	vst v10  }
0x18e: {  	s31 =	simm.s32 $0x80;
	v12 =	vadd.s32 $0x600, v5;
	v10 =	vld.idx.msk [tilespmem:v14+s11+$0x0], $0xffff;
	[tilespmem:s19+$0xFFFFEDF0] =	vst v16  }
0x18f: {  	s20 =	sand.u32 $0x1C0, s31;
	[tilespmem:s18+$0x0] =	vst v13;
	v17 =	vadd.s32 $0x740, v2;
	v14 =	vld.idx.msk [tilespmem:v15+s11+$0x0], $0xffff  }
0x190: {  	v13 =	vadd.s32 $0x780, v3;
	[tilespmem:s19+$0xFFFFF000] =	vst v1;
	v1 =	vld [tilespmem:s20+$0x200]  }
0x191: {  	v15 =	vadd.s32 $0x600, v7;
	[tilespmem:s30+$0x4600] =	vst v8;
	v8 =	vld.idx.msk [tilespmem:v0+s11+$0x0], $0xffff  }
0x192: {  	v19 =	vadd.s32 $0x600, v6;
	[tilespmem:s21+$0x5600] =	vst v18;
	v0 =	vld [tilespmem:s23+$0x0]  }
0x193: {  	v16 =	vadd.s32 $0x640, v4;
	[tilespmem:s18+$0xFFFFF9F0] =	vst v9;
	v12 =	vld.idx.msk [tilespmem:v12+s11+$0x0], $0xffff  }
0x194: {  	v9 =	vld.idx.msk [tilespmem:v17+s11+$0x0], $0xffff;
	v17 =	vadd.s32 $0x640, v5;
	[tilespmem:s18+$0xFFFFFBE0] =	vst v11  }
0x195: {  	[tilespmem:s19+$0xFFFFEFE0] =	vst v10;
	v10 =	vadd.s32 $0x780, v2;
	v13 =	vld.idx.msk [tilespmem:v13+s11+$0x0], $0xffff  }
0x196: {  	v15 =	vld.idx.msk [tilespmem:v15+s11+$0x0], $0xffff;
	[tilespmem:s19+$0xFFFFEFF0] =	vst v14;
	v14 =	vadd.s32 $0x400, v1  }
0x197: {  	v18 =	vadd.s32 $0x400, v22;
	v11 =	vld.idx.msk [tilespmem:v19+s11+$0x0], $0xffff;
	[tilespmem:s19+$0xFFFFF200] =	vst v8  }
0x198: {  	v8 =	vadd.s32 $0x400, v0;
	[tilespmem:s30+$0x4800] =	vst v12;
	v12 =	vld.idx.msk [tilespmem:v16+s11+$0x0], $0xffff  }
0x199: {  	[tilespmem:s18+$0xFFFFFBF0] =	vst v9;
	v19 =	vadd.s32 $0x400, v23;
	v16 =	vld.idx.msk [tilespmem:v17+s11+$0x0], $0xffff  }
0x19a: {  	v17 =	vadd.s32 $0x680, v4;
	v10 =	vld.idx.msk [tilespmem:v10+s11+$0x0], $0xffff  }
0x19b: {  	v3 =	vadd.s32 $0x7C0, v3;
	[tilespmem:s18+$0xFFFFFDE0] =	vst v13;
	v14 =	vld.idx.msk [tilespmem:v14+s11+$0x0], $0xffff  }
0x19c: {  	v9 =	vadd.s32 $0x680, v5;
	[tilespmem:s19+$0xFFFFF1F0] =	vst v11;
	v11 =	vld.idx.msk [tilespmem:v18+s11+$0x0], $0xffff  }
0x19d: {  	[tilespmem:s19+$0xFFFFF1E0] =	vst v15;
	v15 =	vadd.s32 $0x640, v7;
	v8 =	vld.idx.msk [tilespmem:v8+s11+$0x0], $0xffff  }
0x19e: {  	v13 =	vld.idx.msk [tilespmem:v19+s11+$0x0], $0xffff;
	[tilespmem:s19+$0xFFFFF400] =	vst v12;
	v12 =	vadd.s32 $0x440, v0  }
0x19f: {  	[tilespmem:s30+$0x4A00] =	vst v16;
	v16 =	vld.idx.msk [tilespmem:v17+s11+$0x0], $0xffff;
	v17 =	vadd.s32 $0x440, v1  }
0x1a0: {  	v3 =	vld.idx.msk [tilespmem:v3+s11+$0x0], $0xffff;
	[tilespmem:s18+$0xFFFFFDF0] =	vst v10;
	v10 =	vadd.s32 $0x440, v22  }
0x1a1: {  	s21 =	simm.s32 $0x56B0;
	v18 =	vadd.s32 $0x6C0, v4;
	v9 =	vld.idx.msk [tilespmem:v9+s11+$0x0], $0xffff;
	[tilespmem:s20+$0x3800] =	vst v14  }
0x1a2: {  	v19 =	vadd.s32 $0x6C0, v5;
	[tilespmem:s21+$0xFFFFE200] =	vst v8;
	v8 =	vld.idx.msk [tilespmem:v15+s11+$0x0], $0xffff  }
0x1a3: {  	[tilespmem:s21+$0xFFFFE1E0] =	vst v11;
	v15 =	vadd.s32 $0x440, v23;
	v12 =	vld.idx.msk [tilespmem:v12+s11+$0x0], $0xffff  }
0x1a4: {  	v14 =	vadd.s32 $0x640, v6;
	[tilespmem:s21+$0xFFFFE1F0] =	vst v13;
	v17 =	vld.idx.msk [tilespmem:v17+s11+$0x0], $0xffff  }
0x1a5: {  	[tilespmem:s19+$0xFFFFF600] =	vst v16;
	v16 =	vadd.s32 $0x480, v0;
	v10 =	vld.idx.msk [tilespmem:v10+s11+$0x0], $0xffff  }
0x1a6: {  	[tilespmem:s30+$0x4C00] =	vst v9;
	v9 =	vld.idx.msk [tilespmem:v18+s11+$0x0], $0xffff;
	v18 =	vadd.s32 $0x480, v1  }
0x1a7: {  	v13 =	vadd.s32 $0x700, v4;
	v11 =	vld.idx.msk [tilespmem:v19+s11+$0x0], $0xffff;
	[tilespmem:s19+$0xFFFFF3E0] =	vst v8  }
0x1a8: {  	v19 =	vadd.s32 $0x700, v5;
	v15 =	vld.idx.msk [tilespmem:v15+s11+$0x0], $0xffff;
	[tilespmem:s21+$0xFFFFE400] =	vst v12  }
0x1a9: {  	v8 =	vadd.s32 $0x480, v22;
	v12 =	vld.idx.msk [tilespmem:v14+s11+$0x0], $0xffff;
	[tilespmem:s20+$0x3A00] =	vst v17  }
0x1aa: {  	v14 =	vadd.s32 $0x480, v23;
	v16 =	vld.idx.msk [tilespmem:v16+s11+$0x0], $0xffff;
	[tilespmem:s21+$0xFFFFE3E0] =	vst v10  }
0x1ab: {  	v17 =	vadd.s32 $0x680, v7;
	v18 =	vld.idx.msk [tilespmem:v18+s11+$0x0], $0xffff;
	[tilespmem:s19+$0xFFFFF800] =	vst v9  }
0x1ac: {  	v9 =	vadd.s32 $0x4C0, v0;
	[tilespmem:s30+$0x4E00] =	vst v11;
	v11 =	vld.idx.msk [tilespmem:v13+s11+$0x0], $0xffff  }
0x1ad: {  	v13 =	vadd.s32 $0x4C0, v1;
	v10 =	vld.idx.msk [tilespmem:v19+s11+$0x0], $0xffff;
	[tilespmem:s21+$0xFFFFE3F0] =	vst v15  }
0x1ae: {  	v8 =	vld.idx.msk [tilespmem:v8+s11+$0x0], $0xffff;
	v15 =	vadd.s32 $0x740, v4;
	[tilespmem:s19+$0xFFFFF3F0] =	vst v12  }
0x1af: {  	v19 =	vadd.s32 $0x740, v5;
	v14 =	vld.idx.msk [tilespmem:v14+s11+$0x0], $0xffff;
	[tilespmem:s21+$0xFFFFE600] =	vst v16  }
0x1b0: {  	v12 =	vadd.s32 $0x4C0, v22;
	v16 =	vld.idx.msk [tilespmem:v17+s11+$0x0], $0xffff;
	[tilespmem:s20+$0x3C00] =	vst v18  }
0x1b1: {  	v17 =	vadd.s32 $0x4C0, v23;
	v9 =	vld.idx.msk [tilespmem:v9+s11+$0x0], $0xffff;
	[tilespmem:s19+$0xFFFFFA00] =	vst v11  }
0x1b2: {  	v18 =	vadd.s32 $0x680, v6;
	v13 =	vld.idx.msk [tilespmem:v13+s11+$0x0], $0xffff;
	[tilespmem:s30+$0x5000] =	vst v10  }
0x1b3: {  	v11 =	vadd.s32 $0x500, v0;
	v10 =	vld.idx.msk [tilespmem:v15+s11+$0x0], $0xffff;
	[tilespmem:s21+$0xFFFFE5E0] =	vst v8  }
0x1b4: {  	v15 =	vadd.s32 $0x500, v1;
	v8 =	vld.idx.msk [tilespmem:v19+s11+$0x0], $0xffff;
	[tilespmem:s21+$0xFFFFE5F0] =	vst v14  }
0x1b5: {  	v12 =	vld.idx.msk [tilespmem:v12+s11+$0x0], $0xffff;
	v14 =	vadd.s32 $0x780, v4;
	[tilespmem:s19+$0xFFFFF5E0] =	vst v16  }
0x1b6: {  	v19 =	vadd.s32 $0x780, v5;
	v17 =	vld.idx.msk [tilespmem:v17+s11+$0x0], $0xffff;
	[tilespmem:s21+$0xFFFFE800] =	vst v9  }
0x1b7: {  	v16 =	vadd.s32 $0x500, v22;
	v9 =	vld.idx.msk [tilespmem:v18+s11+$0x0], $0xffff;
	[tilespmem:s20+$0x3E00] =	vst v13  }
0x1b8: {  	v18 =	vadd.s32 $0x500, v23;
	v11 =	vld.idx.msk [tilespmem:v11+s11+$0x0], $0xffff;
	[tilespmem:s19+$0xFFFFFC00] =	vst v10  }
0x1b9: {  	v13 =	vadd.s32 $0x6C0, v7;
	v15 =	vld.idx.msk [tilespmem:v15+s11+$0x0], $0xffff;
	[tilespmem:s30+$0x5200] =	vst v8  }
0x1ba: {  	v10 =	vadd.s32 $0x540, v0;
	v8 =	vld.idx.msk [tilespmem:v14+s11+$0x0], $0xffff;
	[tilespmem:s21+$0xFFFFE7E0] =	vst v12  }
0x1bb: {  	v14 =	vadd.s32 $0x540, v1;
	v12 =	vld.idx.msk [tilespmem:v19+s11+$0x0], $0xffff;
	[tilespmem:s21+$0xFFFFE7F0] =	vst v17  }
0x1bc: {  	v4 =	vadd.s32 $0x7C0, v4;
	v16 =	vld.idx.msk [tilespmem:v16+s11+$0x0], $0xffff;
	[tilespmem:s19+$0xFFFFF5F0] =	vst v9  }
0x1bd: {  	v5 =	vadd.s32 $0x7C0, v5;
	v17 =	vld.idx.msk [tilespmem:v18+s11+$0x0], $0xffff;
	[tilespmem:s21+$0xFFFFEA00] =	vst v11  }
0x1be: {  	v9 =	vadd.s32 $0x540, v22;
	v11 =	vld.idx.msk [tilespmem:v13+s11+$0x0], $0xffff;
	[tilespmem:s20+$0x4000] =	vst v15  }
0x1bf: {  	v13 =	vadd.s32 $0x540, v23;
	v10 =	vld.idx.msk [tilespmem:v10+s11+$0x0], $0xffff;
	[tilespmem:s19+$0xFFFFFE00] =	vst v8  }
0x1c0: {  	v15 =	vadd.s32 $0x6C0, v6;
	v14 =	vld.idx.msk [tilespmem:v14+s11+$0x0], $0xffff;
	[tilespmem:s30+$0x5400] =	vst v12  }
0x1c1: {  	v8 =	vadd.s32 $0x580, v0;
	v4 =	vld.idx.msk [tilespmem:v4+s11+$0x0], $0xffff;
	[tilespmem:s21+$0xFFFFE9E0] =	vst v16  }
0x1c2: {  	v12 =	vadd.s32 $0x580, v1;
	v5 =	vld.idx.msk [tilespmem:v5+s11+$0x0], $0xffff;
	[tilespmem:s21+$0xFFFFE9F0] =	vst v17  }
0x1c3: {  	v16 =	vadd.s32 $0x700, v7;
	v9 =	vld.idx.msk [tilespmem:v9+s11+$0x0], $0xffff;
	[tilespmem:s19+$0xFFFFF7E0] =	vst v11  }
0x1c4: {  	v13 =	vld.idx.msk [tilespmem:v13+s11+$0x0], $0xffff;
	v11 =	vadd.s32 $0x580, v22;
	[tilespmem:s21+$0xFFFFEC00] =	vst v10  }
0x1c5: {  	v10 =	vld.idx.msk [tilespmem:v15+s11+$0x0], $0xffff;
	v15 =	vadd.s32 $0x580, v23;
	[tilespmem:s20+$0x4200] =	vst v14  }
0x1c6: {  	v8 =	vld.idx.msk [tilespmem:v8+s11+$0x0], $0xffff;
	v14 =	vadd.s32 $0x700, v6;
	[tilespmem:s19+$0x0] =	vst v4  }
0x1c7: {  	v12 =	vld.idx.msk [tilespmem:v12+s11+$0x0], $0xffff;
	v4 =	vadd.s32 $0x5C0, v0;
	[tilespmem:s30+$0x5600] =	vst v5  }
0x1c8: {  	v5 =	vld.idx.msk [tilespmem:v16+s11+$0x0], $0xffff;
	v16 =	vadd.s32 $0x5C0, v1;
	[tilespmem:s21+$0xFFFFEBE0] =	vst v9  }
0x1c9: {  	v9 =	vadd.s32 $0x740, v7;
	v11 =	vld.idx.msk [tilespmem:v11+s11+$0x0], $0xffff;
	[tilespmem:s21+$0xFFFFEBF0] =	vst v13  }
0x1ca: {  	v13 =	vadd.s32 $0x7C0, v2;
	v15 =	vld.idx.msk [tilespmem:v15+s11+$0x0], $0xffff;
	[tilespmem:s19+$0xFFFFF7F0] =	vst v10  }
0x1cb: {  	v10 =	vadd.s32 $0x5C0, v22;
	[tilespmem:s21+$0xFFFFEE00] =	vst v8;
	v8 =	vld.idx.msk [tilespmem:v14+s11+$0x0], $0xffff  }
0x1cc: {  	v18 =	vadd.s32 $0x5C0, v23;
	[tilespmem:s20+$0x4400] =	vst v12;
	v19 =	vld.idx.msk [tilespmem:v4+s11+$0x0], $0xffff  }
0x1cd: {  	v21 =	vadd.s32 $0x600, v22;
	v25 =	vadd.s32 $0x740, v6;
	v26 =	vld.idx.msk [tilespmem:v16+s11+$0x0], $0xffff;
	[tilespmem:s19+$0xFFFFF9E0] =	vst v5  }
0x1ce: {  	[tilespmem:s18+$0xFFFFFFE0] =	vst v3;
	v2 =	vadd.s32 $0x7C0, v7;
	v4 =	vadd.s32 $0x780, v7;
	v7 =	vadd.s32 $0x600, v0;
	v31 =	vld.idx.msk [tilespmem:v9+s11+$0x0], $0xffff  }
0x1cf: {  	v20 =	vadd.s32 $0x600, v23;
	v32 =	vadd.s32 $0x600, v1;
	v3 =	vadd.s32 $0x7C0, v6;
	[tilespmem:s21+$0xFFFFEDE0] =	vst v11;
	v24 =	vld.idx.msk [tilespmem:v13+s11+$0x0], $0xffff  }
0x1d0: {  	v17 =	vadd.s32 $0x640, v23;
	v14 =	vadd.s32 $0x680, v22;
	v12 =	vadd.s32 $0x6C0, v22;
	v29 =	vld.idx.msk [tilespmem:v10+s11+$0x0], $0xffff;
	[tilespmem:s21+$0xFFFFEDF0] =	vst v15  }
0x1d1: {  	v5 =	vadd.s32 $0x780, v6;
	v16 =	vadd.s32 $0x640, v22;
	v6 =	vadd.s32 $0x7C0, v23;
	v30 =	vld.idx.msk [tilespmem:v18+s11+$0x0], $0xffff;
	[tilespmem:s19+$0xFFFFF9F0] =	vst v8  }
0x1d2: {  	v13 =	vadd.s32 $0x6C0, v23;
	v11 =	vadd.s32 $0x700, v23;
	v9 =	vadd.s32 $0x740, v23;
	[tilespmem:s21+$0xFFFFF000] =	vst v19;
	v27 =	vld.idx.msk [tilespmem:v25+s11+$0x0], $0xffff  }
0x1d3: {  	v15 =	vadd.s32 $0x680, v23;
	v10 =	vadd.s32 $0x700, v22;
	v8 =	vadd.s32 $0x740, v22;
	[tilespmem:s20+$0x4600] =	vst v26;
	v28 =	vld.idx.msk [tilespmem:v7+s11+$0x0], $0xffff  }
0x1d4: {  	s24 =	simm.s32 $0x2F0;
	s22 =	simm.s32 $0x8;
	s23 =	simm.s32 $0xC0;
	v18 =	vadd.s32 $0x780, v23;
	v19 =	vadd.s32 $0x780, v22;
	v7 =	vadd.s32 $0x7C0, v22;
	v22 =	vld.idx.msk [tilespmem:v32+s11+$0x0], $0xffff;
	[tilespmem:s19+$0xFFFFFBE0] =	vst v31  }
.LBB2_4:
0x1d5: {  	s25 =	sand.u32 $0x1C0, s23;
	v25 =	vld [tilespmem:s24+$0x0];
	s22 =	sadd.s32 $0x4, s22;
	v23 =	vadd.s32 $0x640, v0;
	[tilespmem:s18+$0xFFFFFFF0] =	vst v24;
	s18 =	smov.u32 s19  }
0x1d6: {  	v24 =	vadd.s32 $0x640, v1;
	s19 =	smov.u32 s21;
	v26 =	vld [tilespmem:s25+$0x200];
	p0 =	slt.u32 s22, $0x1C;
	[tilespmem:s21+$0xFFFFEFE0] =	vst v29  }
0x1d7: {  	v37 =	vld [tilespmem:s24+$0xFFFFFFE0];
	[tilespmem:s21+$0xFFFFEFF0] =	vst v30  }
0x1d8: {  	v30 =	vld [tilespmem:s24+$0xFFFFFFF0];
	[tilespmem:s18+$0xFFFFFBF0] =	vst v27  }
0x1d9: {  	v21 =	vld.idx.msk [tilespmem:v21+s11+$0x0], $0xffff;
	[tilespmem:s21+$0xFFFFF200] =	vst v28  }
0x1da: {  	v27 =	vadd.s32 $0x400, v25;
	[tilespmem:s20+$0x4800] =	vst v22;
	v22 =	vld.idx.msk [tilespmem:v23+s11+$0x0], $0xffff  }
0x1db: {  	v23 =	vadd.s32 $0x400, v26;
	v28 =	vld.idx.msk [tilespmem:v24+s11+$0x0], $0xffff  }
0x1dc: {  	v33 =	vadd.s32 $0x680, v0;
	v29 =	vadd.s32 $0x400, v37;
	v39 =	vadd.s32 $0x440, v37;
	v20 =	vld.idx.msk [tilespmem:v20+s11+$0x0], $0xffff  }
0x1dd: {  	v38 =	vadd.s32 $0x680, v1;
	v35 =	vadd.s32 $0x400, v30;
	v40 =	vadd.s32 $0x440, v30;
	v41 =	vld.idx.msk [tilespmem:v4+s11+$0x0], $0xffff;
	v4 =	vmovc v19  }
0x1de: {  	v42 =	vadd.s32 $0x480, v37;
	v43 =	vadd.s32 $0x4C0, v37;
	v44 =	vadd.s32 $0x480, v30;
	v19 =	vld.idx.msk [tilespmem:v5+s11+$0x0], $0xffff;
	v5 =	vmovc v18  }
0x1df: {  	v36 =	vadd.s32 $0x500, v37;
	v45 =	vadd.s32 $0x4C0, v30;
	v34 =	vadd.s32 $0x500, v30;
	v18 =	vld.idx.msk [tilespmem:v27+s11+$0x0], $0xffff;
	[tilespmem:s21+$0xFFFFF1E0] =	vst v21  }
0x1e0: {  	v32 =	vadd.s32 $0x540, v37;
	v24 =	vadd.s32 $0x580, v37;
	v31 =	vadd.s32 $0x540, v30;
	v46 =	vld.idx.msk [tilespmem:v23+s11+$0x0], $0xffff;
	[tilespmem:s21+$0xFFFFF400] =	vst v22  }
0x1e1: {  	v47 =	vadd.s32 $0x440, v25;
	v27 =	vadd.s32 $0x580, v30;
	v22 =	vadd.s32 $0x5C0, v37;
	[tilespmem:s20+$0x4A00] =	vst v28;
	v48 =	vld.idx.msk [tilespmem:v33+s11+$0x0], $0xffff  }
0x1e2: {  	v21 =	vadd.s32 $0x600, v37;
	v23 =	vadd.s32 $0x5C0, v30;
	v28 =	vadd.s32 $0x440, v26;
	v49 =	vld.idx.msk [tilespmem:v38+s11+$0x0], $0xffff;
	[tilespmem:s21+$0xFFFFF1F0] =	vst v20  }
0x1e3: {  	v51 =	vadd.s32 $0x6C0, v0;
	v20 =	vadd.s32 $0x600, v30;
	v50 =	vld.idx.msk [tilespmem:v29+s11+$0x0], $0xffff;
	v29 =	vadd.s32 $0x640, v37;
	[tilespmem:s18+$0xFFFFFDE0] =	vst v41  }
0x1e4: {  	v54 =	vadd.s32 $0x6C0, v1;
	v53 =	vadd.s32 $0x640, v30;
	s21 =	sadd.s32 $0x40, s21;
	v41 =	vadd.s32 $0x680, v37;
	v52 =	vld.idx.msk [tilespmem:v35+s11+$0x0], $0xffff;
	[tilespmem:s18+$0xFFFFFDF0] =	vst v19  }
0x1e5: {  	v55 =	vadd.s32 $0x6C0, v37;
	v56 =	vadd.s32 $0x680, v30;
	v38 =	vadd.s32 $0x6C0, v30;
	[tilespmem:s21+$0xFFFFE200] =	vst v18;
	v57 =	vld.idx.msk [tilespmem:v16+s11+$0x0], $0xffff;
	v16 =	vmovc v29  }
0x1e6: {  	v33 =	vadd.s32 $0x700, v30;
	v35 =	vadd.s32 $0x700, v37;
	v29 =	vadd.s32 $0x740, v37;
	[tilespmem:s25+$0x3800] =	vst v46;
	v46 =	vld.idx.msk [tilespmem:v47+s11+$0x0], $0xffff  }
0x1e7: {  	v19 =	vadd.s32 $0x780, v37;
	v18 =	vadd.s32 $0x780, v30;
	v47 =	vld.idx.msk [tilespmem:v28+s11+$0x0], $0xffff;
	v28 =	vadd.s32 $0x740, v30;
	[tilespmem:s19+$0xFFFFF600] =	vst v48  }
0x1e8: {  	v37 =	vadd.s32 $0x7C0, v37;
	v30 =	vadd.s32 $0x7C0, v30;
	v48 =	vadd.s32 $0x480, v25;
	[tilespmem:s20+$0x4C00] =	vst v49;
	v49 =	vld.idx.msk [tilespmem:v51+s11+$0x0], $0xffff  }
0x1e9: {  	v51 =	vadd.s32 $0x480, v26;
	[tilespmem:s21+$0xFFFFE1E0] =	vst v50;
	v50 =	vld.idx.msk [tilespmem:v54+s11+$0x0], $0xffff  }
0x1ea: {  	v39 =	vld.idx.msk [tilespmem:v39+s11+$0x0], $0xffff;
	[tilespmem:s21+$0xFFFFE1F0] =	vst v52;
	v52 =	vadd.s32 $0x700, v0  }
0x1eb: {  	v54 =	vadd.s32 $0x700, v1;
	v40 =	vld.idx.msk [tilespmem:v40+s11+$0x0], $0xffff;
	[tilespmem:s19+$0xFFFFF3E0] =	vst v57  }
0x1ec: {  	[tilespmem:s21+$0xFFFFE400] =	vst v46;
	v46 =	vld.idx.msk [tilespmem:v17+s11+$0x0], $0xffff;
	v17 =	vmov v53  }
0x1ed: {  	[tilespmem:s25+$0x3A00] =	vst v47;
	v47 =	vld.idx.msk [tilespmem:v48+s11+$0x0], $0xffff  }
0x1ee: {  	v48 =	vld.idx.msk [tilespmem:v51+s11+$0x0], $0xffff;
	[tilespmem:s19+$0xFFFFF800] =	vst v49  }
0x1ef: {  	v49 =	vadd.s32 $0x4C0, v25;
	[tilespmem:s20+$0x4E00] =	vst v50;
	v50 =	vld.idx.msk [tilespmem:v52+s11+$0x0], $0xffff  }
0x1f0: {  	v51 =	vadd.s32 $0x4C0, v26;
	[tilespmem:s21+$0xFFFFE3E0] =	vst v39;
	v39 =	vld.idx.msk [tilespmem:v54+s11+$0x0], $0xffff  }
0x1f1: {  	v42 =	vld.idx.msk [tilespmem:v42+s11+$0x0], $0xffff;
	[tilespmem:s21+$0xFFFFE3F0] =	vst v40;
	v40 =	vadd.s32 $0x740, v0  }
0x1f2: {  	v52 =	vadd.s32 $0x740, v1;
	v44 =	vld.idx.msk [tilespmem:v44+s11+$0x0], $0xffff;
	[tilespmem:s19+$0xFFFFF3F0] =	vst v46  }
0x1f3: {  	[tilespmem:s21+$0xFFFFE600] =	vst v47;
	v46 =	vld.idx.msk [tilespmem:v14+s11+$0x0], $0xffff;
	v14 =	vmov v41  }
0x1f4: {  	[tilespmem:s25+$0x3C00] =	vst v48;
	v41 =	vld.idx.msk [tilespmem:v49+s11+$0x0], $0xffff  }
0x1f5: {  	v47 =	vld.idx.msk [tilespmem:v51+s11+$0x0], $0xffff;
	[tilespmem:s19+$0xFFFFFA00] =	vst v50  }
0x1f6: {  	v48 =	vadd.s32 $0x500, v25;
	[tilespmem:s20+$0x5000] =	vst v39;
	v39 =	vld.idx.msk [tilespmem:v40+s11+$0x0], $0xffff  }
0x1f7: {  	v40 =	vadd.s32 $0x500, v26;
	[tilespmem:s21+$0xFFFFE5E0] =	vst v42;
	v42 =	vld.idx.msk [tilespmem:v52+s11+$0x0], $0xffff  }
0x1f8: {  	v43 =	vld.idx.msk [tilespmem:v43+s11+$0x0], $0xffff;
	[tilespmem:s21+$0xFFFFE5F0] =	vst v44;
	v44 =	vadd.s32 $0x780, v0  }
0x1f9: {  	v49 =	vadd.s32 $0x780, v1;
	v45 =	vld.idx.msk [tilespmem:v45+s11+$0x0], $0xffff;
	[tilespmem:s19+$0xFFFFF5E0] =	vst v46  }
0x1fa: {  	[tilespmem:s21+$0xFFFFE800] =	vst v41;
	v41 =	vld.idx.msk [tilespmem:v15+s11+$0x0], $0xffff;
	v15 =	vmov v56  }
0x1fb: {  	[tilespmem:s25+$0x3E00] =	vst v47;
	v46 =	vld.idx.msk [tilespmem:v48+s11+$0x0], $0xffff  }
0x1fc: {  	v40 =	vld.idx.msk [tilespmem:v40+s11+$0x0], $0xffff;
	[tilespmem:s19+$0xFFFFFC00] =	vst v39  }
0x1fd: {  	v39 =	vadd.s32 $0x540, v25;
	[tilespmem:s20+$0x5200] =	vst v42;
	v42 =	vld.idx.msk [tilespmem:v44+s11+$0x0], $0xffff  }
0x1fe: {  	v44 =	vadd.s32 $0x540, v26;
	[tilespmem:s21+$0xFFFFE7E0] =	vst v43;
	v43 =	vld.idx.msk [tilespmem:v49+s11+$0x0], $0xffff  }
0x1ff: {  	v36 =	vld.idx.msk [tilespmem:v36+s11+$0x0], $0xffff;
	[tilespmem:s21+$0xFFFFE7F0] =	vst v45;
	v45 =	vadd.s32 $0x7C0, v0;
	v0 =	vmov v25  }
0x200: {  	v25 =	vld.idx.msk [tilespmem:v34+s11+$0x0], $0xffff;
	v34 =	vadd.s32 $0x7C0, v1;
	[tilespmem:s19+$0xFFFFF5F0] =	vst v41;
	v1 =	vmov v26  }
0x201: {  	[tilespmem:s21+$0xFFFFEA00] =	vst v46;
	v26 =	vld.idx.msk [tilespmem:v12+s11+$0x0], $0xffff;
	v12 =	vmov v55  }
0x202: {  	[tilespmem:s25+$0x4000] =	vst v40;
	v39 =	vld.idx.msk [tilespmem:v39+s11+$0x0], $0xffff  }
0x203: {  	v40 =	vld.idx.msk [tilespmem:v44+s11+$0x0], $0xffff;
	[tilespmem:s19+$0xFFFFFE00] =	vst v42  }
0x204: {  	v41 =	vadd.s32 $0x580, v0;
	[tilespmem:s20+$0x5400] =	vst v43;
	v42 =	vld.idx.msk [tilespmem:v45+s11+$0x0], $0xffff  }
0x205: {  	v43 =	vadd.s32 $0x580, v1;
	[tilespmem:s21+$0xFFFFE9E0] =	vst v36;
	v34 =	vld.idx.msk [tilespmem:v34+s11+$0x0], $0xffff  }
0x206: {  	v32 =	vld.idx.msk [tilespmem:v32+s11+$0x0], $0xffff;
	[tilespmem:s21+$0xFFFFE9F0] =	vst v25  }
0x207: {  	v25 =	vld.idx.msk [tilespmem:v31+s11+$0x0], $0xffff;
	[tilespmem:s19+$0xFFFFF7E0] =	vst v26  }
0x208: {  	[tilespmem:s21+$0xFFFFEC00] =	vst v39;
	v26 =	vld.idx.msk [tilespmem:v13+s11+$0x0], $0xffff;
	v13 =	vmov v38  }
0x209: {  	[tilespmem:s25+$0x4200] =	vst v40;
	v31 =	vld.idx.msk [tilespmem:v41+s11+$0x0], $0xffff  }
0x20a: {  	v36 =	vld.idx.msk [tilespmem:v43+s11+$0x0], $0xffff;
	[tilespmem:s19+$0x0] =	vst v42  }
0x20b: {  	v38 =	vadd.s32 $0x5C0, v0;
	[tilespmem:s20+$0x5600] =	vst v34;
	v34 =	vld.idx.msk [tilespmem:v10+s11+$0x0], $0xffff;
	v10 =	vmov v35;
	s20 =	smov.u32 s25  }
0x20c: {  	v35 =	vadd.s32 $0x5C0, v1;
	[tilespmem:s21+$0xFFFFEBE0] =	vst v32;
	v32 =	vld.idx.msk [tilespmem:v2+s11+$0x0], $0xffff;
	v2 =	vmov v7;
	v7 =	vmov v37  }
0x20d: {  	v24 =	vld.idx.msk [tilespmem:v24+s11+$0x0], $0xffff;
	[tilespmem:s21+$0xFFFFEBF0] =	vst v25  }
0x20e: {  	v25 =	vld.idx.msk [tilespmem:v27+s11+$0x0], $0xffff;
	[tilespmem:s19+$0xFFFFF7F0] =	vst v26  }
0x20f: {  	[tilespmem:s21+$0xFFFFEE00] =	vst v31;
	v26 =	vld.idx.msk [tilespmem:v11+s11+$0x0], $0xffff;
	v11 =	vmov v33  }
0x210: {  	[tilespmem:s20+$0x4400] =	vst v36;
	v27 =	vld.idx.msk [tilespmem:v38+s11+$0x0], $0xffff  }
0x211: {  	v31 =	vld.idx.msk [tilespmem:v35+s11+$0x0], $0xffff;
	[tilespmem:s19+$0xFFFFF9E0] =	vst v34  }
0x212: {  	v33 =	vadd.s32 $0x600, v0;
	v34 =	vld.idx.msk [tilespmem:v8+s11+$0x0], $0xffff;
	[tilespmem:s18+$0xFFFFFFE0] =	vst v32;
	v8 =	vmov v29  }
0x213: {  	v32 =	vadd.s32 $0x600, v1;
	[tilespmem:s21+$0xFFFFEDE0] =	vst v24;
	v24 =	vld.idx.msk [tilespmem:v3+s11+$0x0], $0xffff;
	v3 =	vmov v6;
	v6 =	vmov v30  }
.Ltmp1:
0x214: {  	v29 =	vld.idx.msk [tilespmem:v22+s11+$0x0], $0xffff;
	[tilespmem:s21+$0xFFFFEDF0] =	vst v25;
	(pc) =	sbr.rel @p0 .LBB2_4-.Ltmp1, $4  }
0x215: {  	v30 =	vld.idx.msk [tilespmem:v23+s11+$0x0], $0xffff;
	[tilespmem:s19+$0xFFFFF9F0] =	vst v26  }
0x216: {  	[tilespmem:s21+$0xFFFFF000] =	vst v27;
	v27 =	vld.idx.msk [tilespmem:v9+s11+$0x0], $0xffff;
	v9 =	vmov v28  }
0x217: {  	[tilespmem:s20+$0x4600] =	vst v31;
	v28 =	vld.idx.msk [tilespmem:v33+s11+$0x0], $0xffff  }
0x218: {  	s23 =	sadd.s32 $0x40, s23;
	s24 =	sadd.s32 $0x40, s24;
	v22 =	vld.idx.msk [tilespmem:v32+s11+$0x0], $0xffff;
	[tilespmem:s19+$0xFFFFFBE0] =	vst v34  }
0x219: {  	_ = 	snop  }
0x21a: {  	v23 =	vadd.s32 $0x640, v0  }
0x21b: {  	v25 =	vadd.s32 $0x640, v1  }
0x21c: {  	[tilespmem:s21+$0xFFFFEFE0] =	vst v29  }
0x21d: {  	[tilespmem:s21+$0xFFFFEFF0] =	vst v30;
	v21 =	vld.idx.msk [tilespmem:v21+s11+$0x0], $0xffff  }
0x21e: {  	v20 =	vld.idx.msk [tilespmem:v20+s11+$0x0], $0xffff;
	[tilespmem:s21+$0xFFFFF200] =	vst v28  }
0x21f: {  	[tilespmem:s20+$0x4800] =	vst v22;
	v22 =	vld.idx.msk [tilespmem:v23+s11+$0x0], $0xffff  }
0x220: {  	v23 =	vld.idx.msk [tilespmem:v25+s11+$0x0], $0xffff;
	v25 =	vadd.s32 $0x680, v0;
	_ =	sdelay $0x1  }
0x221: {  	[tilespmem:s21+$0xFFFFF1E0] =	vst v21  }
0x222: {  	v26 =	vadd.s32 $0x680, v1;
	[tilespmem:s21+$0xFFFFF1F0] =	vst v20;
	v16 =	vld.idx.msk [tilespmem:v16+s11+$0x0], $0xffff  }
0x223: {  	v17 =	vld.idx.msk [tilespmem:v17+s11+$0x0], $0xffff;
	[tilespmem:s21+$0xFFFFF400] =	vst v22  }
0x224: {  	v20 =	vld.idx.msk [tilespmem:v25+s11+$0x0], $0xffff  }
0x225: {  	v22 =	vadd.s32 $0x6C0, v0  }
0x226: {  	[tilespmem:s20+$0x4A00] =	vst v23  }
0x227: {  	v21 =	vld.idx.msk [tilespmem:v26+s11+$0x0], $0xffff;
	[tilespmem:s21+$0xFFFFF3E0] =	vst v16  }
0x228: {  	v23 =	vadd.s32 $0x6C0, v1;
	[tilespmem:s21+$0xFFFFF3F0] =	vst v17;
	v14 =	vld.idx.msk [tilespmem:v14+s11+$0x0], $0xffff  }
0x229: {  	v15 =	vld.idx.msk [tilespmem:v15+s11+$0x0], $0xffff;
	[tilespmem:s21+$0xFFFFF600] =	vst v20  }
0x22a: {  	v16 =	vld.idx.msk [tilespmem:v22+s11+$0x0], $0xffff  }
0x22b: {  	v20 =	vadd.s32 $0x700, v0  }
0x22c: {  	[tilespmem:s20+$0x4C00] =	vst v21  }
0x22d: {  	v17 =	vld.idx.msk [tilespmem:v23+s11+$0x0], $0xffff;
	[tilespmem:s21+$0xFFFFF5E0] =	vst v14  }
0x22e: {  	v21 =	vadd.s32 $0x700, v1;
	[tilespmem:s21+$0xFFFFF5F0] =	vst v15;
	v12 =	vld.idx.msk [tilespmem:v12+s11+$0x0], $0xffff  }
0x22f: {  	v13 =	vld.idx.msk [tilespmem:v13+s11+$0x0], $0xffff;
	[tilespmem:s21+$0xFFFFF800] =	vst v16  }
0x230: {  	v14 =	vld.idx.msk [tilespmem:v20+s11+$0x0], $0xffff  }
0x231: {  	v16 =	vadd.s32 $0x740, v0  }
0x232: {  	[tilespmem:s20+$0x4E00] =	vst v17  }
0x233: {  	v15 =	vld.idx.msk [tilespmem:v21+s11+$0x0], $0xffff;
	[tilespmem:s21+$0xFFFFF7E0] =	vst v12  }
0x234: {  	v17 =	vadd.s32 $0x740, v1;
	v10 =	vld.idx.msk [tilespmem:v10+s11+$0x0], $0xffff;
	[tilespmem:s21+$0xFFFFF7F0] =	vst v13  }
0x235: {  	v11 =	vld.idx.msk [tilespmem:v11+s11+$0x0], $0xffff;
	[tilespmem:s21+$0xFFFFFA00] =	vst v14  }
0x236: {  	v12 =	vld.idx.msk [tilespmem:v16+s11+$0x0], $0xffff  }
0x237: {  	v14 =	vadd.s32 $0x780, v0  }
0x238: {  	[tilespmem:s20+$0x5000] =	vst v15  }
0x239: {  	v13 =	vld.idx.msk [tilespmem:v17+s11+$0x0], $0xffff;
	[tilespmem:s21+$0xFFFFF9E0] =	vst v10  }
0x23a: {  	v15 =	vadd.s32 $0x780, v1;
	v8 =	vld.idx.msk [tilespmem:v8+s11+$0x0], $0xffff;
	[tilespmem:s21+$0xFFFFF9F0] =	vst v11  }
0x23b: {  	v9 =	vld.idx.msk [tilespmem:v9+s11+$0x0], $0xffff;
	[tilespmem:s21+$0xFFFFFC00] =	vst v12  }
0x23c: {  	[tilespmem:s18+$0xFFFFFFF0] =	vst v24;
	v10 =	vld.idx.msk [tilespmem:v14+s11+$0x0], $0xffff  }
0x23d: {  	v4 =	vld.idx.msk [tilespmem:v4+s11+$0x0], $0xffff;
	[tilespmem:s19+$0xFFFFFBF0] =	vst v27;
	v0 =	vadd.s32 $0x7C0, v0  }
0x23e: {  	v5 =	vld.idx.msk [tilespmem:v5+s11+$0x0], $0xffff;
	[tilespmem:s20+$0x5200] =	vst v13  }
0x23f: {  	v11 =	vld.idx.msk [tilespmem:v15+s11+$0x0], $0xffff;
	[tilespmem:s21+$0xFFFFFBE0] =	vst v8  }
0x240: {  	v1 =	vadd.s32 $0x7C0, v1;
	[tilespmem:s21+$0xFFFFFBF0] =	vst v9;
	v8 =	vld.idx.msk [tilespmem:v19+s11+$0x0], $0xffff  }
0x241: {  	v9 =	vld.idx.msk [tilespmem:v18+s11+$0x0], $0xffff;
	[tilespmem:s21+$0xFFFFFE00] =	vst v10  }
0x242: {  	[tilespmem:s19+$0xFFFFFDE0] =	vst v4;
	v0 =	vld.idx.msk [tilespmem:v0+s11+$0x0], $0xffff  }
0x243: {  	v2 =	vld.idx.msk [tilespmem:v2+s11+$0x0], $0xffff;
	[tilespmem:s19+$0xFFFFFDF0] =	vst v5  }
0x244: {  	v3 =	vld.idx.msk [tilespmem:v3+s11+$0x0], $0xffff;
	[tilespmem:s20+$0x5400] =	vst v11  }
0x245: {  	v1 =	vld.idx.msk [tilespmem:v1+s11+$0x0], $0xffff;
	[tilespmem:s21+$0xFFFFFDE0] =	vst v8  }
0x246: {  	[tilespmem:s21+$0xFFFFFDF0] =	vst v9;
	v4 =	vld.idx.msk [tilespmem:v7+s11+$0x0], $0xffff  }
0x247: {  	[tilespmem:s21+$0x0] =	vst v0;
	v0 =	vld.idx.msk [tilespmem:v6+s11+$0x0], $0xffff  }
0x248: {  	[tilespmem:s19+$0xFFFFFFE0] =	vst v2  }
0x249: {  	[tilespmem:s19+$0xFFFFFFF0] =	vst v3  }
0x24a: {  	[tilespmem:s20+$0x5600] =	vst v1  }
0x24b: {  	[tilespmem:s21+$0xFFFFFFE0] =	vst v4  }
0x24c: {  	s29 =	simm.s32 $0x0;
	s22 =	simm.s32 $0x0;
	[tilespmem:s21+$0xFFFFFFF0] =	vst v0  }
0x24d: {  	[hbm4b:s6+s29] =	stream.linear.scatter [tilespmem:s13], [sflag:$0x1], $0x2000, $0x38;
	[tilespmem:$0x9800] =	vst v63  }
0x24e: {  	v12 =	vld [tilespmem:s22+$0x420]  }
0x24f: {  	v9 =	vld [tilespmem:s22+$0x410];
	_ =	sdelay $0x3  }
0x250: {  	v1 =	vadd.s32 $0x800, v12  }
0x251: {  	v0 =	vadd.s32 $0x800, v9;
	_ =	sdelay $0x1  }
0x252: {  	s23 =	sand.u32 $0x1C0, s29;
	v10 =	vld [tilespmem:s22+$0x430]  }
0x253: {  	v11 =	vld [tilespmem:s23+$0x400]  }
0x254: {  	v1 =	vld.idx.msk [tilespmem:v1+s11+$0x0], $0xffff  }
0x255: {  	v3 =	vadd.s32 $0x840, v12;
	v0 =	vld.idx.msk [tilespmem:v0+s11+$0x0], $0xffff  }
0x256: {  	v2 =	vadd.s32 $0x840, v9;
	_ =	sdelay $0x2  }
0x257: {  	v5 =	vadd.s32 $0x800, v11;
	[tilespmem:s22+$0x5820] =	vst v1  }
0x258: {  	[tilespmem:s22+$0x5810] =	vst v0;
	v0 =	vadd.s32 $0x800, v10;
	v1 =	vld.idx.msk [tilespmem:v3+s11+$0x0], $0xffff  }
0x259: {  	v2 =	vld.idx.msk [tilespmem:v2+s11+$0x0], $0xffff;
	v3 =	vadd.s32 $0x880, v12;
	_ =	sdelay $0x2  }
0x25a: {  	v4 =	vadd.s32 $0x880, v9;
	v5 =	vld.idx.msk [tilespmem:v5+s11+$0x0], $0xffff  }
0x25b: {  	v0 =	vld.idx.msk [tilespmem:v0+s11+$0x0], $0xffff;
	[tilespmem:s22+$0x5A20] =	vst v1  }
0x25c: {  	s18 =	simm.s32 $0x40;
	[tilespmem:s22+$0x5A10] =	vst v2;
	v2 =	vadd.s32 $0x840, v10;
	v3 =	vld.idx.msk [tilespmem:v3+s11+$0x0], $0xffff  }
0x25d: {  	v7 =	vadd.s32 $0x8C0, v12;
	v1 =	vld [tilespmem:s18+$0x410]  }
0x25e: {  	v8 =	vadd.s32 $0x840, v11  }
0x25f: {  	v4 =	vld.idx.msk [tilespmem:v4+s11+$0x0], $0xffff  }
0x260: {  	v6 =	vadd.s32 $0x8C0, v9;
	[tilespmem:s22+$0x5830] =	vst v0;
	v0 =	vld [tilespmem:s18+$0x430]  }
0x261: {  	v2 =	vld.idx.msk [tilespmem:v2+s11+$0x0], $0xffff;
	[tilespmem:s22+$0x5C20] =	vst v3  }
0x262: {  	[tilespmem:s23+$0x5800] =	vst v5;
	v14 =	vadd.s32 $0x800, v1;
	v5 =	vld.idx.msk [tilespmem:v7+s11+$0x0], $0xffff  }
0x263: {  	v7 =	vld.idx.msk [tilespmem:v8+s11+$0x0], $0xffff;
	v8 =	vadd.s32 $0x900, v12  }
0x264: {  	s30 =	simm.s32 $0x40;
	v13 =	vadd.s32 $0x880, v11;
	[tilespmem:s22+$0x5C10] =	vst v4  }
0x265: {  	s19 =	sand.u32 $0x1C0, s30;
	v4 =	vld.idx.msk [tilespmem:v6+s11+$0x0], $0xffff;
	v6 =	vadd.s32 $0x880, v10  }
0x266: {  	v3 =	vadd.s32 $0x900, v9;
	[tilespmem:s22+$0x5A30] =	vst v2;
	v2 =	vld [tilespmem:s19+$0x400]  }
0x267: {  	v14 =	vld.idx.msk [tilespmem:v14+s11+$0x0], $0xffff;
	[tilespmem:s22+$0x5E20] =	vst v5  }
0x268: {  	v5 =	vadd.s32 $0x800, v0;
	[tilespmem:s23+$0x5A00] =	vst v7;
	v7 =	vld.idx.msk [tilespmem:v8+s11+$0x0], $0xffff  }
0x269: {  	v8 =	vld.idx.msk [tilespmem:v13+s11+$0x0], $0xffff;
	v13 =	vadd.s32 $0x940, v12  }
0x26a: {  	v15 =	vadd.s32 $0x8C0, v11;
	v6 =	vld.idx.msk [tilespmem:v6+s11+$0x0], $0xffff;
	[tilespmem:s22+$0x5E10] =	vst v4  }
0x26b: {  	v16 =	vadd.s32 $0x8C0, v10;
	v4 =	vld.idx.msk [tilespmem:v3+s11+$0x0], $0xffff  }
0x26c: {  	v17 =	vadd.s32 $0x940, v9;
	v3 =	vld [tilespmem:s18+$0x420]  }
0x26d: {  	v18 =	vadd.s32 $0x840, v1;
	v5 =	vld.idx.msk [tilespmem:v5+s11+$0x0], $0xffff;
	[tilespmem:s22+$0x6020] =	vst v7  }
0x26e: {  	v7 =	vadd.s32 $0x840, v0;
	[tilespmem:s23+$0x5C00] =	vst v8;
	v8 =	vld.idx.msk [tilespmem:v13+s11+$0x0], $0xffff  }
0x26f: {  	[tilespmem:s22+$0x5C30] =	vst v6;
	v6 =	vld.idx.msk [tilespmem:v15+s11+$0x0], $0xffff;
	v13 =	vadd.s32 $0x980, v12  }
0x270: {  	[tilespmem:s22+$0x6010] =	vst v4;
	v4 =	vld.idx.msk [tilespmem:v16+s11+$0x0], $0xffff;
	v15 =	vadd.s32 $0x900, v11  }
0x271: {  	[tilespmem:s18+$0x5810] =	vst v14;
	v14 =	vadd.s32 $0x900, v10;
	v16 =	vld.idx.msk [tilespmem:v17+s11+$0x0], $0xffff  }
0x272: {  	v17 =	vadd.s32 $0x980, v9;
	[tilespmem:s18+$0x5830] =	vst v5;
	v5 =	vld.idx.msk [tilespmem:v18+s11+$0x0], $0xffff  }
0x273: {  	v18 =	vadd.s32 $0x880, v1;
	v7 =	vld.idx.msk [tilespmem:v7+s11+$0x0], $0xffff;
	[tilespmem:s22+$0x6220] =	vst v8  }
0x274: {  	v8 =	vadd.s32 $0x880, v0;
	[tilespmem:s23+$0x5E00] =	vst v6;
	v6 =	vld.idx.msk [tilespmem:v13+s11+$0x0], $0xffff  }
0x275: {  	[tilespmem:s22+$0x5E30] =	vst v4;
	v4 =	vadd.s32 $0x9C0, v12;
	v13 =	vld.idx.msk [tilespmem:v15+s11+$0x0], $0xffff  }
0x276: {  	[tilespmem:s22+$0x6210] =	vst v16;
	v14 =	vld.idx.msk [tilespmem:v14+s11+$0x0], $0xffff;
	v15 =	vadd.s32 $0x940, v11  }
0x277: {  	v16 =	vld.idx.msk [tilespmem:v17+s11+$0x0], $0xffff;
	v17 =	vadd.s32 $0x800, v3;
	[tilespmem:s18+$0x5A10] =	vst v5  }
0x278: {  	v19 =	vadd.s32 $0x9C0, v9;
	[tilespmem:s18+$0x5A30] =	vst v7;
	v7 =	vld.idx.msk [tilespmem:v18+s11+$0x0], $0xffff  }
0x279: {  	v5 =	vadd.s32 $0x940, v10;
	v8 =	vld.idx.msk [tilespmem:v8+s11+$0x0], $0xffff;
	[tilespmem:s22+$0x6420] =	vst v6  }
0x27a: {  	v6 =	vadd.s32 $0x8C0, v1;
	[tilespmem:s23+$0x6000] =	vst v13;
	v4 =	vld.idx.msk [tilespmem:v4+s11+$0x0], $0xffff  }
0x27b: {  	[tilespmem:s22+$0x6030] =	vst v14;
	v14 =	vadd.s32 $0xA00, v12;
	v13 =	vld.idx.msk [tilespmem:v15+s11+$0x0], $0xffff  }
0x27c: {  	v17 =	vld.idx.msk [tilespmem:v17+s11+$0x0], $0xffff;
	[tilespmem:s22+$0x6410] =	vst v16;
	v15 =	vadd.s32 $0x980, v11  }
0x27d: {  	v18 =	vadd.s32 $0x800, v2;
	v16 =	vld.idx.msk [tilespmem:v19+s11+$0x0], $0xffff  }
0x27e: {  	v5 =	vld.idx.msk [tilespmem:v5+s11+$0x0], $0xffff;
	[tilespmem:s18+$0x5C10] =	vst v7  }
0x27f: {  	v6 =	vld.idx.msk [tilespmem:v6+s11+$0x0], $0xffff;
	[tilespmem:s22+$0x6620] =	vst v4  }
0x280: {  	v7 =	vadd.s32 $0x980, v10;
	[tilespmem:s23+$0x6200] =	vst v13;
	v13 =	vld.idx.msk [tilespmem:v14+s11+$0x0], $0xffff  }
0x281: {  	s31 =	simm.s32 $0x80;
	v20 =	vadd.s32 $0x900, v1;
	v14 =	vld.idx.msk [tilespmem:v15+s11+$0x0], $0xffff  }
0x282: {  	s20 =	sand.u32 $0x1C0, s31;
	v22 =	vadd.s32 $0x840, v3;
	v18 =	vld.idx.msk [tilespmem:v18+s11+$0x0], $0xffff  }
0x283: {  	s21 =	simm.s32 $0x80;
	[tilespmem:s18+$0x5820] =	vst v17;
	v4 =	vld [tilespmem:s20+$0x400];
	v15 =	vadd.s32 $0x9C0, v11  }
0x284: {  	[tilespmem:s22+$0x6230] =	vst v5;
	v5 =	vld [tilespmem:s21+$0x430]  }
0x285: {  	v7 =	vld.idx.msk [tilespmem:v7+s11+$0x0], $0xffff;
	[tilespmem:s18+$0x5E10] =	vst v6  }
0x286: {  	v19 =	vld.idx.msk [tilespmem:v20+s11+$0x0], $0xffff;
	v20 =	vadd.s32 $0x9C0, v10;
	[tilespmem:s23+$0x6400] =	vst v14  }
0x287: {  	v21 =	vadd.s32 $0x940, v1;
	[tilespmem:s22+$0x6820] =	vst v13;
	v13 =	vld.idx.msk [tilespmem:v22+s11+$0x0], $0xffff  }
0x288: {  	v14 =	vld.idx.msk [tilespmem:v15+s11+$0x0], $0xffff;
	v15 =	vadd.s32 $0xA40, v12  }
0x289: {  	v23 =	vadd.s32 $0xA00, v9;
	v6 =	vld [tilespmem:s21+$0x420]  }
0x28a: {  	v22 =	vadd.s32 $0x880, v3;
	[tilespmem:s22+$0x6430] =	vst v7;
	v7 =	vld [tilespmem:s21+$0x410]  }
0x28b: {  	v20 =	vld.idx.msk [tilespmem:v20+s11+$0x0], $0xffff;
	[tilespmem:s18+$0x6010] =	vst v19;
	v19 =	vadd.s32 $0xA00, v11  }
0x28c: {  	[tilespmem:s22+$0x6610] =	vst v16;
	v17 =	vld.idx.msk [tilespmem:v21+s11+$0x0], $0xffff;
	v21 =	vadd.s32 $0xA00, v10  }
0x28d: {  	v24 =	vadd.s32 $0x840, v2;
	[tilespmem:s18+$0x5A20] =	vst v13;
	v15 =	vld.idx.msk [tilespmem:v15+s11+$0x0], $0xffff  }
0x28e: {  	v16 =	vadd.s32 $0x980, v1;
	[tilespmem:s23+$0x6600] =	vst v14;
	v14 =	vld.idx.msk [tilespmem:v23+s11+$0x0], $0xffff  }
0x28f: {  	[tilespmem:s19+$0x5800] =	vst v18;
	v23 =	vadd.s32 $0xA80, v12;
	v22 =	vld.idx.msk [tilespmem:v22+s11+$0x0], $0xffff  }
0x290: {  	v18 =	vadd.s32 $0xA40, v9;
	v19 =	vld.idx.msk [tilespmem:v19+s11+$0x0], $0xffff;
	[tilespmem:s22+$0x6630] =	vst v20  }
0x291: {  	v20 =	vld.idx.msk [tilespmem:v21+s11+$0x0], $0xffff;
	[tilespmem:s18+$0x6210] =	vst v17;
	v17 =	vadd.s32 $0xA40, v11  }
0x292: {  	v13 =	vadd.s32 $0xA40, v10;
	v21 =	vld.idx.msk [tilespmem:v24+s11+$0x0], $0xffff  }
0x293: {  	v24 =	vadd.s32 $0x880, v2;
	v16 =	vld.idx.msk [tilespmem:v16+s11+$0x0], $0xffff;
	[tilespmem:s22+$0x6A20] =	vst v15  }
0x294: {  	v15 =	vadd.s32 $0x800, v5;
	[tilespmem:s22+$0x6810] =	vst v14;
	v14 =	vld.idx.msk [tilespmem:v23+s11+$0x0], $0xffff  }
0x295: {  	v23 =	vadd.s32 $0x8C0, v3;
	v18 =	vld.idx.msk [tilespmem:v18+s11+$0x0], $0xffff;
	[tilespmem:s23+$0x6800] =	vst v19  }
0x296: {  	v19 =	vadd.s32 $0xAC0, v12;
	v17 =	vld.idx.msk [tilespmem:v17+s11+$0x0], $0xffff;
	[tilespmem:s22+$0x6830] =	vst v20  }
0x297: {  	[tilespmem:s19+$0x5A00] =	vst v21;
	v20 =	vadd.s32 $0xA80, v9;
	v13 =	vld.idx.msk [tilespmem:v13+s11+$0x0], $0xffff  }
0x298: {  	[tilespmem:s18+$0x5C30] =	vst v8;
	v21 =	vld.idx.msk [tilespmem:v24+s11+$0x0], $0xffff;
	v24 =	vadd.s32 $0xA80, v11  }
0x299: {  	[tilespmem:s18+$0x5C20] =	vst v22;
	v22 =	vadd.s32 $0xA80, v10;
	v15 =	vld.idx.msk [tilespmem:v15+s11+$0x0], $0xffff  }
0x29a: {  	v25 =	vadd.s32 $0x800, v7;
	v23 =	vld.idx.msk [tilespmem:v23+s11+$0x0], $0xffff;
	[tilespmem:s22+$0x6C20] =	vst v14  }
0x29b: {  	v14 =	vadd.s32 $0x840, v5;
	[tilespmem:s22+$0x6A10] =	vst v18;
	v18 =	vld.idx.msk [tilespmem:v19+s11+$0x0], $0xffff  }
0x29c: {  	v19 =	vadd.s32 $0x900, v3;
	[tilespmem:s23+$0x6A00] =	vst v17;
	v17 =	vld.idx.msk [tilespmem:v20+s11+$0x0], $0xffff  }
0x29d: {  	v20 =	vld.idx.msk [tilespmem:v24+s11+$0x0], $0xffff;
	v24 =	vadd.s32 $0xB00, v12;
	[tilespmem:s22+$0x6A30] =	vst v13  }
0x29e: {  	[tilespmem:s18+$0x6410] =	vst v16;
	v13 =	vadd.s32 $0xAC0, v9;
	v16 =	vld.idx.msk [tilespmem:v22+s11+$0x0], $0xffff  }
0x29f: {  	[tilespmem:s21+$0x5830] =	vst v15;
	v15 =	vadd.s32 $0xAC0, v11;
	v22 =	vld.idx.msk [tilespmem:v25+s11+$0x0], $0xffff  }
0x2a0: {  	v14 =	vld.idx.msk [tilespmem:v14+s11+$0x0], $0xffff;
	[tilespmem:s18+$0x5E20] =	vst v23;
	v25 =	vadd.s32 $0x8C0, v0  }
0x2a1: {  	v23 =	vadd.s32 $0xAC0, v10;
	v19 =	vld.idx.msk [tilespmem:v19+s11+$0x0], $0xffff;
	[tilespmem:s22+$0x6E20] =	vst v18  }
0x2a2: {  	v18 =	vadd.s32 $0x8C0, v2;
	[tilespmem:s22+$0x6C10] =	vst v17;
	v17 =	vld.idx.msk [tilespmem:v24+s11+$0x0], $0xffff  }
0x2a3: {  	v24 =	vadd.s32 $0x940, v3;
	[tilespmem:s23+$0x6C00] =	vst v20;
	v13 =	vld.idx.msk [tilespmem:v13+s11+$0x0], $0xffff  }
0x2a4: {  	[tilespmem:s19+$0x5C00] =	vst v21;
	v20 =	vadd.s32 $0x880, v5;
	v15 =	vld.idx.msk [tilespmem:v15+s11+$0x0], $0xffff  }
0x2a5: {  	[tilespmem:s22+$0x6C30] =	vst v16;
	v16 =	vadd.s32 $0xB00, v9;
	v21 =	vld.idx.msk [tilespmem:v25+s11+$0x0], $0xffff  }
0x2a6: {  	v25 =	vadd.s32 $0xB40, v12;
	[tilespmem:s21+$0x5A30] =	vst v14;
	v23 =	vld.idx.msk [tilespmem:v23+s11+$0x0], $0xffff  }
0x2a7: {  	v18 =	vld.idx.msk [tilespmem:v18+s11+$0x0], $0xffff;
	[tilespmem:s18+$0x6020] =	vst v19;
	v19 =	vadd.s32 $0xB00, v10  }
0x2a8: {  	v26 =	vadd.s32 $0xB00, v11;
	[tilespmem:s21+$0x5810] =	vst v22;
	v14 =	vld.idx.msk [tilespmem:v24+s11+$0x0], $0xffff  }
0x2a9: {  	v8 =	vld.idx.msk [tilespmem:v20+s11+$0x0], $0xffff;
	v20 =	vadd.s32 $0x900, v2;
	[tilespmem:s22+$0x6E10] =	vst v13  }
0x2aa: {  	[tilespmem:s22+$0x7020] =	vst v17;
	v17 =	vadd.s32 $0x840, v7;
	v16 =	vld.idx.msk [tilespmem:v16+s11+$0x0], $0xffff  }
0x2ab: {  	v13 =	vadd.s32 $0x980, v3;
	v24 =	vld.idx.msk [tilespmem:v25+s11+$0x0], $0xffff;
	[tilespmem:s22+$0x6E30] =	vst v23  }
0x2ac: {  	[tilespmem:s23+$0x6E00] =	vst v15;
	v15 =	vadd.s32 $0xB40, v9;
	v19 =	vld.idx.msk [tilespmem:v19+s11+$0x0], $0xffff  }
0x2ad: {  	v23 =	vadd.s32 $0xB80, v12;
	[tilespmem:s19+$0x5E00] =	vst v18;
	v18 =	vld.idx.msk [tilespmem:v26+s11+$0x0], $0xffff  }
0x2ae: {  	v22 =	vadd.s32 $0xB40, v11;
	[tilespmem:s18+$0x5E30] =	vst v21;
	v20 =	vld.idx.msk [tilespmem:v20+s11+$0x0], $0xffff  }
0x2af: {  	[tilespmem:s18+$0x6220] =	vst v14;
	v14 =	vadd.s32 $0xB40, v10;
	v17 =	vld.idx.msk [tilespmem:v17+s11+$0x0], $0xffff  }
0x2b0: {  	v25 =	vadd.s32 $0x940, v2;
	v13 =	vld.idx.msk [tilespmem:v13+s11+$0x0], $0xffff;
	[tilespmem:s22+$0x7010] =	vst v16  }
0x2b1: {  	v16 =	vadd.s32 $0x900, v0;
	[tilespmem:s22+$0x7220] =	vst v24;
	v15 =	vld.idx.msk [tilespmem:v15+s11+$0x0], $0xffff  }
0x2b2: {  	v24 =	vadd.s32 $0x880, v7;
	v23 =	vld.idx.msk [tilespmem:v23+s11+$0x0], $0xffff;
	[tilespmem:s23+$0x7000] =	vst v18  }
0x2b3: {  	[tilespmem:s22+$0x7030] =	vst v19;
	v18 =	vadd.s32 $0xB80, v9;
	v22 =	vld.idx.msk [tilespmem:v22+s11+$0x0], $0xffff  }
0x2b4: {  	v19 =	vadd.s32 $0x9C0, v3;
	v14 =	vld.idx.msk [tilespmem:v14+s11+$0x0], $0xffff;
	[tilespmem:s19+$0x6000] =	vst v20  }
0x2b5: {  	v26 =	vadd.s32 $0xB80, v11;
	[tilespmem:s21+$0x5A10] =	vst v17;
	v21 =	vld.idx.msk [tilespmem:v25+s11+$0x0], $0xffff  }
0x2b6: {  	v25 =	vadd.s32 $0xB80, v10;
	v16 =	vld.idx.msk [tilespmem:v16+s11+$0x0], $0xffff;
	[tilespmem:s18+$0x6420] =	vst v13  }
0x2b7: {  	v12 =	vadd.s32 $0xBC0, v12;
	v17 =	vld.idx.msk [tilespmem:v24+s11+$0x0], $0xffff;
	[tilespmem:s22+$0x7210] =	vst v15  }
0x2b8: {  	v15 =	vadd.s32 $0x800, v6;
	[tilespmem:s22+$0x7420] =	vst v23;
	v13 =	vld.idx.msk [tilespmem:v18+s11+$0x0], $0xffff  }
0x2b9: {  	v24 =	vadd.s32 $0x8C0, v7;
	v20 =	vld.idx.msk [tilespmem:v19+s11+$0x0], $0xffff;
	[tilespmem:s23+$0x7200] =	vst v22  }
0x2ba: {  	v19 =	vadd.s32 $0x940, v0;
	[tilespmem:s22+$0x7230] =	vst v14;
	v23 =	vld.idx.msk [tilespmem:v26+s11+$0x0], $0xffff  }
0x2bb: {  	v22 =	vld.idx.msk [tilespmem:v25+s11+$0x0], $0xffff;
	v25 =	vadd.s32 $0xBC0, v9  }
0x2bc: {  	v63 =	vadd.s32 $0xBC0, v11;
	v27 =	vld.idx.msk [tilespmem:v12+s11+$0x0], $0xffff;
	[tilespmem:s19+$0x6200] =	vst v21  }
0x2bd: {  	v21 =	vadd.s32 $0xBC0, v10;
	[tilespmem:s21+$0x5C10] =	vst v17;
	v18 =	vld.idx.msk [tilespmem:v15+s11+$0x0], $0xffff  }
0x2be: {  	[tilespmem:s18+$0x6030] =	vst v16;
	v15 =	vadd.s32 $0x800, v4;
	v17 =	vld.idx.msk [tilespmem:v24+s11+$0x0], $0xffff  }
0x2bf: {  	v24 =	vadd.s32 $0xA00, v3;
	v16 =	vld.idx.msk [tilespmem:v19+s11+$0x0], $0xffff;
	[tilespmem:s22+$0x7410] =	vst v13  }
0x2c0: {  	v11 =	vadd.s32 $0x8C0, v6;
	v12 =	vadd.s32 $0x880, v6;
	[tilespmem:s23+$0x7400] =	vst v23;
	v19 =	vld.idx.msk [tilespmem:v25+s11+$0x0], $0xffff;
	v25 =	vadd.s32 $0x980, v2  }
0x2c1: {  	v14 =	vadd.s32 $0x900, v7;
	v26 =	vadd.s32 $0x980, v0;
	v10 =	vadd.s32 $0x840, v4;
	[tilespmem:s22+$0x7430] =	vst v22;
	v22 =	vld.idx.msk [tilespmem:v63+s11+$0x0], $0xffff  }
0x2c2: {  	s24 =	simm.s32 $0x8;
	s25 =	simm.s32 $0x200;
	s26 =	simm.s32 $0xC0;
	v9 =	vadd.s32 $0x880, v4;
	v13 =	vadd.s32 $0x840, v6;
	[tilespmem:s22+$0x7620] =	vst v27;
	v23 =	vadd.s32 $0x9C0, v1;
	v21 =	vld.idx.msk [tilespmem:v21+s11+$0x0], $0xffff  }
.LBB2_6:
0x2c3: {  	s28 =	sand.u32 $0x1C0, s26;
	s24 =	sadd.s32 $0x4, s24;
	v27 =	vld.idx.msk [tilespmem:v15+s11+$0x0], $0xffff;
	s25 =	sadd.s32 $0x100, s25;
	[tilespmem:s18+$0x6620] =	vst v20  }
0x2c4: {  	s29 =	sshra.s32 s25, $0x2;
	p0 =	slt.u32 s24, $0x1C;
	v15 =	vld.idx.msk [tilespmem:v24+s11+$0x0], $0xffff;
	[tilespmem:s18+$0x6230] =	vst v16  }
0x2c5: {  	[tilespmem:s21+$0x5E10] =	vst v17;
	v24 =	vld.idx.msk [tilespmem:v25+s11+$0x0], $0xffff  }
0x2c6: {  	v25 =	vld.idx.msk [tilespmem:v26+s11+$0x0], $0xffff;
	[tilespmem:s22+$0x7610] =	vst v19  }
0x2c7: {  	v19 =	vadd.s32 $0x9C0, v2;
	v23 =	vld.idx.msk [tilespmem:v23+s11+$0x0], $0xffff;
	[tilespmem:s22+$0x7630] =	vst v21;
	s22 =	smov.u32 s18;
	s18 =	smov.u32 s21;
	s21 =	smov.u32 s29  }
0x2c8: {  	v21 =	vadd.s32 $0x9C0, v0;
	v14 =	vld.idx.msk [tilespmem:v14+s11+$0x0], $0xffff;
	[tilespmem:s23+$0x7600] =	vst v22;
	s23 =	smov.u32 s19;
	s19 =	smov.u32 s20;
	s20 =	smov.u32 s28  }
0x2c9: {  	v17 =	vld [tilespmem:s20+$0x400];
	[tilespmem:s18+$0x5820] =	vst v18  }
0x2ca: {  	v18 =	vadd.s32 $0x940, v7;
	v16 =	vld [tilespmem:s21+$0x430];
	[tilespmem:s22+$0x6820] =	vst v15  }
0x2cb: {  	v20 =	vld [tilespmem:s21+$0x420];
	[tilespmem:s23+$0x6400] =	vst v24  }
0x2cc: {  	v24 =	vadd.s32 $0xA40, v3;
	v22 =	vld.idx.msk [tilespmem:v19+s11+$0x0], $0xffff;
	[tilespmem:s22+$0x6430] =	vst v25  }
0x2cd: {  	[tilespmem:s22+$0x6610] =	vst v23;
	v23 =	vadd.s32 $0xA00, v1;
	v21 =	vld.idx.msk [tilespmem:v21+s11+$0x0], $0xffff  }
0x2ce: {  	v25 =	vadd.s32 $0xA00, v2;
	v15 =	vadd.s32 $0x800, v17;
	v19 =	vld [tilespmem:s21+$0x410];
	[tilespmem:s18+$0x6010] =	vst v14  }
0x2cf: {  	v29 =	vadd.s32 $0xA00, v0;
	v26 =	vadd.s32 $0x800, v16;
	v28 =	vld.idx.msk [tilespmem:v18+s11+$0x0], $0xffff  }
0x2d0: {  	v18 =	vadd.s32 $0x800, v20;
	v13 =	vld.idx.msk [tilespmem:v13+s11+$0x0], $0xffff  }
0x2d1: {  	v30 =	vadd.s32 $0x980, v7;
	v24 =	vld.idx.msk [tilespmem:v24+s11+$0x0], $0xffff  }
0x2d2: {  	[tilespmem:s23+$0x6600] =	vst v22;
	v22 =	vld.idx.msk [tilespmem:v23+s11+$0x0], $0xffff  }
0x2d3: {  	v31 =	vadd.s32 $0xA80, v3;
	v23 =	vadd.s32 $0x800, v19;
	v14 =	vadd.s32 $0x900, v19;
	v25 =	vld.idx.msk [tilespmem:v25+s11+$0x0], $0xffff;
	[tilespmem:s22+$0x6630] =	vst v21  }
0x2d4: {  	v21 =	vadd.s32 $0xA40, v1;
	[tilespmem:s19+$0x5800] =	vst v27;
	v27 =	vld.idx.msk [tilespmem:v29+s11+$0x0], $0xffff  }
0x2d5: {  	v29 =	vld.idx.msk [tilespmem:v10+s11+$0x0], $0xffff;
	v10 =	vadd.s32 $0x840, v17;
	[tilespmem:s18+$0x6210] =	vst v28;
	v28 =	vadd.s32 $0xA40, v2  }
0x2d6: {  	v32 =	vadd.s32 $0xA40, v0;
	v30 =	vld.idx.msk [tilespmem:v30+s11+$0x0], $0xffff;
	[tilespmem:s18+$0x5A20] =	vst v13  }
0x2d7: {  	v13 =	vadd.s32 $0x840, v20;
	v12 =	vld.idx.msk [tilespmem:v12+s11+$0x0], $0xffff;
	[tilespmem:s22+$0x6A20] =	vst v24  }
0x2d8: {  	[tilespmem:s22+$0x6810] =	vst v22;
	v22 =	vld.idx.msk [tilespmem:v31+s11+$0x0], $0xffff  }
0x2d9: {  	[tilespmem:s23+$0x6800] =	vst v25;
	v21 =	vld.idx.msk [tilespmem:v21+s11+$0x0], $0xffff  }
0x2da: {  	v25 =	vadd.s32 $0xAC0, v3;
	v24 =	vld.idx.msk [tilespmem:v28+s11+$0x0], $0xffff;
	[tilespmem:s22+$0x6830] =	vst v27  }
0x2db: {  	v27 =	vadd.s32 $0x840, v16;
	v28 =	vadd.s32 $0xA80, v1;
	[tilespmem:s19+$0x5A00] =	vst v29;
	v29 =	vld.idx.msk [tilespmem:v32+s11+$0x0], $0xffff  }
0x2dc: {  	v31 =	vld.idx.msk [tilespmem:v9+s11+$0x0], $0xffff;
	v9 =	vadd.s32 $0x880, v17;
	[tilespmem:s18+$0x6410] =	vst v30;
	v30 =	vadd.s32 $0xA80, v2  }
0x2dd: {  	v32 =	vadd.s32 $0xA80, v0;
	v26 =	vld.idx.msk [tilespmem:v26+s11+$0x0], $0xffff;
	[tilespmem:s18+$0x5C20] =	vst v12  }
0x2de: {  	v12 =	vadd.s32 $0x880, v20;
	v11 =	vld.idx.msk [tilespmem:v11+s11+$0x0], $0xffff;
	[tilespmem:s22+$0x6C20] =	vst v22  }
0x2df: {  	[tilespmem:s22+$0x6A10] =	vst v21;
	v21 =	vld.idx.msk [tilespmem:v25+s11+$0x0], $0xffff  }
0x2e0: {  	v22 =	vadd.s32 $0x900, v6;
	[tilespmem:s23+$0x6A00] =	vst v24;
	v24 =	vld.idx.msk [tilespmem:v28+s11+$0x0], $0xffff  }
0x2e1: {  	v28 =	vadd.s32 $0xB00, v3;
	v25 =	vld.idx.msk [tilespmem:v30+s11+$0x0], $0xffff;
	[tilespmem:s22+$0x6A30] =	vst v29  }
0x2e2: {  	v29 =	vadd.s32 $0xAC0, v1;
	[tilespmem:s19+$0x5C00] =	vst v31;
	v30 =	vld.idx.msk [tilespmem:v32+s11+$0x0], $0xffff  }
0x2e3: {  	v31 =	vadd.s32 $0x840, v19;
	v23 =	vld.idx.msk [tilespmem:v23+s11+$0x0], $0xffff;
	[tilespmem:s21+$0x5830] =	vst v26;
	v26 =	vadd.s32 $0xAC0, v2  }
0x2e4: {  	v32 =	vadd.s32 $0xAC0, v0;
	v27 =	vld.idx.msk [tilespmem:v27+s11+$0x0], $0xffff;
	[tilespmem:s18+$0x5E20] =	vst v11  }
0x2e5: {  	v34 =	vadd.s32 $0x8C0, v5;
	v33 =	vadd.s32 $0x880, v16;
	v11 =	vadd.s32 $0x8C0, v20;
	v22 =	vld.idx.msk [tilespmem:v22+s11+$0x0], $0xffff;
	[tilespmem:s22+$0x6E20] =	vst v21  }
0x2e6: {  	v21 =	vadd.s32 $0x8C0, v4;
	[tilespmem:s22+$0x6C10] =	vst v24;
	v24 =	vld.idx.msk [tilespmem:v28+s11+$0x0], $0xffff  }
0x2e7: {  	v28 =	vadd.s32 $0x940, v6;
	[tilespmem:s23+$0x6C00] =	vst v25;
	v25 =	vld.idx.msk [tilespmem:v29+s11+$0x0], $0xffff  }
0x2e8: {  	v26 =	vld.idx.msk [tilespmem:v26+s11+$0x0], $0xffff;
	[tilespmem:s22+$0x6C30] =	vst v30  }
0x2e9: {  	v29 =	vadd.s32 $0xB00, v1;
	[tilespmem:s18+$0x5C30] =	vst v8;
	v30 =	vld.idx.msk [tilespmem:v32+s11+$0x0], $0xffff  }
0x2ea: {  	v32 =	vadd.s32 $0xB40, v3;
	[tilespmem:s21+$0x5810] =	vst v23;
	v23 =	vld.idx.msk [tilespmem:v34+s11+$0x0], $0xffff  }
0x2eb: {  	v35 =	vadd.s32 $0xB00, v0;
	v34 =	vadd.s32 $0x880, v19;
	v21 =	vld.idx.msk [tilespmem:v21+s11+$0x0], $0xffff;
	[tilespmem:s18+$0x6020] =	vst v22;
	v22 =	vadd.s32 $0xB00, v2  }
0x2ec: {  	[tilespmem:s21+$0x5A30] =	vst v27;
	v27 =	vld.idx.msk [tilespmem:v28+s11+$0x0], $0xffff  }
0x2ed: {  	v28 =	vadd.s32 $0x900, v4;
	v8 =	vld.idx.msk [tilespmem:v33+s11+$0x0], $0xffff;
	[tilespmem:s22+$0x6E10] =	vst v25  }
0x2ee: {  	v25 =	vadd.s32 $0x980, v6;
	v29 =	vld.idx.msk [tilespmem:v29+s11+$0x0], $0xffff;
	[tilespmem:s22+$0x7020] =	vst v24  }
0x2ef: {  	v24 =	vld.idx.msk [tilespmem:v32+s11+$0x0], $0xffff;
	[tilespmem:s22+$0x6E30] =	vst v30  }
0x2f0: {  	[tilespmem:s23+$0x6E00] =	vst v26;
	v26 =	vadd.s32 $0xB40, v1;
	v30 =	vld.idx.msk [tilespmem:v35+s11+$0x0], $0xffff  }
0x2f1: {  	[tilespmem:s19+$0x5E00] =	vst v21;
	v21 =	vld.idx.msk [tilespmem:v22+s11+$0x0], $0xffff;
	v22 =	vadd.s32 $0xB80, v3  }
0x2f2: {  	v32 =	vadd.s32 $0xB40, v0;
	v28 =	vld.idx.msk [tilespmem:v28+s11+$0x0], $0xffff;
	[tilespmem:s18+$0x6220] =	vst v27;
	v27 =	vadd.s32 $0xB40, v2  }
0x2f3: {  	v25 =	vld.idx.msk [tilespmem:v25+s11+$0x0], $0xffff;
	[tilespmem:s18+$0x5E30] =	vst v23  }
0x2f4: {  	v23 =	vld.idx.msk [tilespmem:v31+s11+$0x0], $0xffff;
	v31 =	vadd.s32 $0x940, v4;
	[tilespmem:s22+$0x7010] =	vst v29  }
0x2f5: {  	v29 =	vadd.s32 $0x900, v5;
	v26 =	vld.idx.msk [tilespmem:v26+s11+$0x0], $0xffff;
	[tilespmem:s22+$0x7220] =	vst v24  }
0x2f6: {  	v22 =	vld.idx.msk [tilespmem:v22+s11+$0x0], $0xffff;
	[tilespmem:s22+$0x7030] =	vst v30  }
0x2f7: {  	[tilespmem:s23+$0x7000] =	vst v21;
	v21 =	vadd.s32 $0xB80, v1;
	v24 =	vld.idx.msk [tilespmem:v32+s11+$0x0], $0xffff  }
0x2f8: {  	[tilespmem:s19+$0x6000] =	vst v28;
	v28 =	vadd.s32 $0x9C0, v6;
	v27 =	vld.idx.msk [tilespmem:v27+s11+$0x0], $0xffff  }
0x2f9: {  	v30 =	vld.idx.msk [tilespmem:v31+s11+$0x0], $0xffff;
	[tilespmem:s18+$0x6420] =	vst v25;
	v25 =	vadd.s32 $0xB80, v2;
	v31 =	vadd.s32 $0xB80, v0  }
0x2fa: {  	[tilespmem:s21+$0x5A10] =	vst v23;
	v23 =	vld.idx.msk [tilespmem:v29+s11+$0x0], $0xffff  }
0x2fb: {  	v29 =	vld.idx.msk [tilespmem:v34+s11+$0x0], $0xffff;
	[tilespmem:s22+$0x7210] =	vst v26;
	v26 =	vadd.s32 $0xBC0, v3;
	v3 =	vmov v6;
	v6 =	vmov v20  }
0x2fc: {  	v21 =	vld.idx.msk [tilespmem:v21+s11+$0x0], $0xffff;
	[tilespmem:s22+$0x7420] =	vst v22  }
0x2fd: {  	v22 =	vadd.s32 $0x940, v5;
	v20 =	vld.idx.msk [tilespmem:v28+s11+$0x0], $0xffff;
	[tilespmem:s22+$0x7230] =	vst v24  }
0x2fe: {  	v24 =	vadd.s32 $0x8C0, v19;
	[tilespmem:s23+$0x7200] =	vst v27;
	v27 =	vld.idx.msk [tilespmem:v31+s11+$0x0], $0xffff  }
0x2ff: {  	v31 =	vadd.s32 $0xBC0, v1;
	v1 =	vmov v7;
	v7 =	vmov v19;
	v28 =	vld.idx.msk [tilespmem:v25+s11+$0x0], $0xffff  }
0x300: {  	v33 =	vadd.s32 $0xBC0, v0;
	v0 =	vmovc v5;
	[tilespmem:s19+$0x6200] =	vst v30;
	v30 =	vadd.s32 $0xBC0, v2;
	v32 =	vld.idx.msk [tilespmem:v26+s11+$0x0], $0xffff;
	v2 =	vmovc v4;
	v4 =	vmov v17  }
0x301: {  	v5 =	vmov v16;
	v18 =	vld.idx.msk [tilespmem:v18+s11+$0x0], $0xffff;
	[tilespmem:s18+$0x6030] =	vst v23  }
.Ltmp2:
0x302: {  	[tilespmem:s21+$0x5C10] =	vst v29;
	v16 =	vld.idx.msk [tilespmem:v22+s11+$0x0], $0xffff;
	(pc) =	sbr.rel @p0 .LBB2_6-.Ltmp2, $4  }
0x303: {  	v17 =	vld.idx.msk [tilespmem:v24+s11+$0x0], $0xffff;
	v24 =	vadd.s32 $0xA00, v3;
	[tilespmem:s22+$0x7410] =	vst v21  }
0x304: {  	v25 =	vadd.s32 $0x980, v2;
	v19 =	vld.idx.msk [tilespmem:v31+s11+$0x0], $0xffff;
	[tilespmem:s22+$0x7430] =	vst v27  }
0x305: {  	v26 =	vadd.s32 $0x980, v0;
	[tilespmem:s23+$0x7400] =	vst v28;
	v21 =	vld.idx.msk [tilespmem:v33+s11+$0x0], $0xffff  }
0x306: {  	s26 =	sadd.s32 $0x40, s26;
	v23 =	vadd.s32 $0x9C0, v1;
	v22 =	vld.idx.msk [tilespmem:v30+s11+$0x0], $0xffff;
	[tilespmem:s22+$0x7620] =	vst v32  }
0x307: {  	_ = 	snop  }
0x308: {  	[tilespmem:s18+$0x6620] =	vst v20  }
0x309: {  	[tilespmem:s18+$0x6230] =	vst v16  }
0x30a: {  	[tilespmem:s21+$0x5820] =	vst v18  }
0x30b: {  	v15 =	vld.idx.msk [tilespmem:v15+s11+$0x0], $0xffff;
	[tilespmem:s21+$0x5C30] =	vst v8  }
0x30c: {  	v16 =	vld.idx.msk [tilespmem:v24+s11+$0x0], $0xffff;
	[tilespmem:s21+$0x5E10] =	vst v17  }
0x30d: {  	v17 =	vld.idx.msk [tilespmem:v25+s11+$0x0], $0xffff;
	[tilespmem:s22+$0x7610] =	vst v19  }
0x30e: {  	v20 =	vadd.s32 $0x9C0, v2;
	v19 =	vld.idx.msk [tilespmem:v26+s11+$0x0], $0xffff;
	[tilespmem:s22+$0x7630] =	vst v21  }
0x30f: {  	v14 =	vld.idx.msk [tilespmem:v14+s11+$0x0], $0xffff;
	v21 =	vadd.s32 $0x9C0, v0;
	[tilespmem:s23+$0x7600] =	vst v22  }
0x310: {  	v13 =	vld.idx.msk [tilespmem:v13+s11+$0x0], $0xffff;
	v22 =	vadd.s32 $0x940, v7;
	[tilespmem:s20+$0x5800] =	vst v15  }
0x311: {  	v18 =	vld.idx.msk [tilespmem:v23+s11+$0x0], $0xffff;
	[tilespmem:s18+$0x6820] =	vst v16  }
0x312: {  	[tilespmem:s19+$0x6400] =	vst v17;
	v16 =	vadd.s32 $0xA40, v3;
	v10 =	vld.idx.msk [tilespmem:v10+s11+$0x0], $0xffff  }
0x313: {  	v17 =	vld.idx.msk [tilespmem:v20+s11+$0x0], $0xffff;
	[tilespmem:s18+$0x6430] =	vst v19;
	v19 =	vadd.s32 $0xA00, v1  }
0x314: {  	[tilespmem:s21+$0x6010] =	vst v14;
	v20 =	vld.idx.msk [tilespmem:v21+s11+$0x0], $0xffff  }
0x315: {  	v15 =	vadd.s32 $0xA00, v2;
	[tilespmem:s21+$0x5A20] =	vst v13;
	v14 =	vld.idx.msk [tilespmem:v22+s11+$0x0], $0xffff  }
0x316: {  	[tilespmem:s18+$0x6610] =	vst v18;
	v13 =	vadd.s32 $0xA00, v0;
	v12 =	vld.idx.msk [tilespmem:v12+s11+$0x0], $0xffff  }
0x317: {  	v16 =	vld.idx.msk [tilespmem:v16+s11+$0x0], $0xffff;
	[tilespmem:s20+$0x5A00] =	vst v10  }
0x318: {  	v18 =	vadd.s32 $0x980, v7;
	[tilespmem:s19+$0x6600] =	vst v17;
	v17 =	vld.idx.msk [tilespmem:v19+s11+$0x0], $0xffff  }
0x319: {  	v10 =	vadd.s32 $0x8C0, v5;
	v9 =	vld.idx.msk [tilespmem:v9+s11+$0x0], $0xffff;
	[tilespmem:s18+$0x6630] =	vst v20  }
0x31a: {  	[tilespmem:s21+$0x6210] =	vst v14;
	v14 =	vld.idx.msk [tilespmem:v15+s11+$0x0], $0xffff;
	v15 =	vadd.s32 $0x8C0, v4  }
0x31b: {  	[tilespmem:s21+$0x5C20] =	vst v12;
	v12 =	vadd.s32 $0xA40, v1;
	v13 =	vld.idx.msk [tilespmem:v13+s11+$0x0], $0xffff  }
0x31c: {  	v11 =	vld.idx.msk [tilespmem:v11+s11+$0x0], $0xffff;
	[tilespmem:s18+$0x6A20] =	vst v16;
	v16 =	vadd.s32 $0xA80, v3  }
0x31d: {  	[tilespmem:s18+$0x6810] =	vst v17;
	v17 =	vld.idx.msk [tilespmem:v18+s11+$0x0], $0xffff;
	v18 =	vadd.s32 $0x900, v6  }
0x31e: {  	v8 =	vadd.s32 $0xA40, v2;
	[tilespmem:s20+$0x5C00] =	vst v9;
	v9 =	vld.idx.msk [tilespmem:v10+s11+$0x0], $0xffff  }
0x31f: {  	[tilespmem:s19+$0x6800] =	vst v14;
	v10 =	vld.idx.msk [tilespmem:v15+s11+$0x0], $0xffff;
	v14 =	vadd.s32 $0x900, v5  }
0x320: {  	v12 =	vld.idx.msk [tilespmem:v12+s11+$0x0], $0xffff;
	[tilespmem:s18+$0x6830] =	vst v13;
	v13 =	vadd.s32 $0x900, v4  }
0x321: {  	[tilespmem:s21+$0x5E20] =	vst v11;
	v15 =	vld.idx.msk [tilespmem:v16+s11+$0x0], $0xffff;
	v16 =	vadd.s32 $0xA40, v0  }
0x322: {  	v11 =	vadd.s32 $0xAC0, v3;
	[tilespmem:s21+$0x6410] =	vst v17;
	v17 =	vld.idx.msk [tilespmem:v18+s11+$0x0], $0xffff  }
0x323: {  	v8 =	vld.idx.msk [tilespmem:v8+s11+$0x0], $0xffff;
	v18 =	vadd.s32 $0x940, v6;
	[tilespmem:s21+$0x5E30] =	vst v9  }
0x324: {  	v9 =	vadd.s32 $0xA80, v1;
	[tilespmem:s20+$0x5E00] =	vst v10;
	v10 =	vld.idx.msk [tilespmem:v14+s11+$0x0], $0xffff  }
0x325: {  	[tilespmem:s18+$0x6A10] =	vst v12;
	v14 =	vadd.s32 $0x940, v5;
	v13 =	vld.idx.msk [tilespmem:v13+s11+$0x0], $0xffff  }
0x326: {  	v12 =	vadd.s32 $0x940, v4;
	[tilespmem:s18+$0x6C20] =	vst v15;
	v15 =	vld.idx.msk [tilespmem:v16+s11+$0x0], $0xffff  }
0x327: {  	v16 =	vadd.s32 $0xA80, v2;
	v11 =	vld.idx.msk [tilespmem:v11+s11+$0x0], $0xffff;
	[tilespmem:s21+$0x6020] =	vst v17  }
0x328: {  	[tilespmem:s19+$0x6A00] =	vst v8;
	v17 =	vadd.s32 $0xA80, v0;
	v8 =	vld.idx.msk [tilespmem:v18+s11+$0x0], $0xffff  }
0x329: {  	v9 =	vld.idx.msk [tilespmem:v9+s11+$0x0], $0xffff;
	v18 =	vadd.s32 $0x980, v6;
	[tilespmem:s21+$0x6030] =	vst v10  }
0x32a: {  	v10 =	vadd.s32 $0xAC0, v1;
	[tilespmem:s20+$0x6000] =	vst v13;
	v13 =	vld.idx.msk [tilespmem:v14+s11+$0x0], $0xffff  }
0x32b: {  	v14 =	vadd.s32 $0x980, v5;
	[tilespmem:s18+$0x6A30] =	vst v15;
	v12 =	vld.idx.msk [tilespmem:v12+s11+$0x0], $0xffff  }
0x32c: {  	v15 =	vld.idx.msk [tilespmem:v16+s11+$0x0], $0xffff;
	[tilespmem:s18+$0x6E20] =	vst v11;
	v11 =	vadd.s32 $0x980, v4  }
0x32d: {  	v16 =	vadd.s32 $0xB00, v3;
	v17 =	vld.idx.msk [tilespmem:v17+s11+$0x0], $0xffff;
	[tilespmem:s21+$0x6220] =	vst v8  }
0x32e: {  	[tilespmem:s18+$0x6C10] =	vst v9;
	v8 =	vadd.s32 $0xAC0, v0;
	v9 =	vld.idx.msk [tilespmem:v18+s11+$0x0], $0xffff  }
0x32f: {  	v10 =	vld.idx.msk [tilespmem:v10+s11+$0x0], $0xffff;
	v18 =	vadd.s32 $0x9C0, v6;
	[tilespmem:s21+$0x6230] =	vst v13  }
0x330: {  	[tilespmem:s20+$0x6200] =	vst v12;
	v12 =	vadd.s32 $0x9C0, v7;
	v13 =	vld.idx.msk [tilespmem:v14+s11+$0x0], $0xffff  }
0x331: {  	[tilespmem:s19+$0x6C00] =	vst v15;
	v14 =	vadd.s32 $0x9C0, v5;
	v11 =	vld.idx.msk [tilespmem:v11+s11+$0x0], $0xffff  }
0x332: {  	v15 =	vld.idx.msk [tilespmem:v16+s11+$0x0], $0xffff;
	v16 =	vadd.s32 $0x9C0, v4;
	[tilespmem:s18+$0x6C30] =	vst v17  }
0x333: {  	v17 =	vadd.s32 $0xAC0, v2;
	v8 =	vld.idx.msk [tilespmem:v8+s11+$0x0], $0xffff;
	[tilespmem:s21+$0x6420] =	vst v9  }
0x334: {  	v9 =	vadd.s32 $0xB00, v1;
	[tilespmem:s18+$0x6E10] =	vst v10;
	v10 =	vld.idx.msk [tilespmem:v18+s11+$0x0], $0xffff  }
0x335: {  	v18 =	vadd.s32 $0xA00, v6;
	v12 =	vld.idx.msk [tilespmem:v12+s11+$0x0], $0xffff;
	[tilespmem:s21+$0x6430] =	vst v13  }
0x336: {  	[tilespmem:s20+$0x6400] =	vst v11;
	v11 =	vadd.s32 $0xA00, v7;
	v13 =	vld.idx.msk [tilespmem:v14+s11+$0x0], $0xffff  }
0x337: {  	[tilespmem:s18+$0x7020] =	vst v15;
	v15 =	vadd.s32 $0xA00, v5;
	v14 =	vld.idx.msk [tilespmem:v16+s11+$0x0], $0xffff  }
0x338: {  	v16 =	vld.idx.msk [tilespmem:v17+s11+$0x0], $0xffff;
	[tilespmem:s18+$0x6E30] =	vst v8;
	v8 =	vadd.s32 $0xA00, v4  }
0x339: {  	v17 =	vadd.s32 $0xB40, v3;
	v9 =	vld.idx.msk [tilespmem:v9+s11+$0x0], $0xffff;
	[tilespmem:s21+$0x6620] =	vst v10  }
0x33a: {  	v10 =	vadd.s32 $0xB00, v0;
	v18 =	vld.idx.msk [tilespmem:v18+s11+$0x0], $0xffff;
	[tilespmem:s21+$0x6610] =	vst v12  }
0x33b: {  	v12 =	vadd.s32 $0xA40, v6;
	v11 =	vld.idx.msk [tilespmem:v11+s11+$0x0], $0xffff;
	[tilespmem:s21+$0x6630] =	vst v13  }
0x33c: {  	v13 =	vadd.s32 $0xA40, v7;
	[tilespmem:s20+$0x6600] =	vst v14;
	v14 =	vld.idx.msk [tilespmem:v15+s11+$0x0], $0xffff  }
0x33d: {  	[tilespmem:s19+$0x6E00] =	vst v16;
	v15 =	vadd.s32 $0xA40, v5;
	v8 =	vld.idx.msk [tilespmem:v8+s11+$0x0], $0xffff  }
0x33e: {  	v16 =	vld.idx.msk [tilespmem:v17+s11+$0x0], $0xffff;
	[tilespmem:s18+$0x7010] =	vst v9;
	v9 =	vadd.s32 $0xA40, v4  }
0x33f: {  	v17 =	vadd.s32 $0xB00, v2;
	v10 =	vld.idx.msk [tilespmem:v10+s11+$0x0], $0xffff;
	[tilespmem:s21+$0x6820] =	vst v18  }
0x340: {  	v18 =	vadd.s32 $0xB40, v1;
	v12 =	vld.idx.msk [tilespmem:v12+s11+$0x0], $0xffff;
	[tilespmem:s21+$0x6810] =	vst v11  }
0x341: {  	v11 =	vadd.s32 $0xA80, v6;
	v13 =	vld.idx.msk [tilespmem:v13+s11+$0x0], $0xffff;
	[tilespmem:s21+$0x6830] =	vst v14  }
0x342: {  	[tilespmem:s20+$0x6800] =	vst v8;
	v8 =	vadd.s32 $0xA80, v7;
	v14 =	vld.idx.msk [tilespmem:v15+s11+$0x0], $0xffff  }
0x343: {  	[tilespmem:s18+$0x7220] =	vst v16;
	v15 =	vadd.s32 $0xA80, v5;
	v9 =	vld.idx.msk [tilespmem:v9+s11+$0x0], $0xffff  }
0x344: {  	v16 =	vld.idx.msk [tilespmem:v17+s11+$0x0], $0xffff;
	[tilespmem:s18+$0x7030] =	vst v10;
	v10 =	vadd.s32 $0xA80, v4  }
0x345: {  	v17 =	vadd.s32 $0xB80, v3;
	v18 =	vld.idx.msk [tilespmem:v18+s11+$0x0], $0xffff;
	[tilespmem:s21+$0x6A20] =	vst v12  }
0x346: {  	v12 =	vadd.s32 $0xB40, v0;
	v11 =	vld.idx.msk [tilespmem:v11+s11+$0x0], $0xffff;
	[tilespmem:s21+$0x6A10] =	vst v13  }
0x347: {  	v13 =	vadd.s32 $0xAC0, v6;
	v8 =	vld.idx.msk [tilespmem:v8+s11+$0x0], $0xffff;
	[tilespmem:s21+$0x6A30] =	vst v14  }
0x348: {  	[tilespmem:s20+$0x6A00] =	vst v9;
	v9 =	vadd.s32 $0xAC0, v7;
	v14 =	vld.idx.msk [tilespmem:v15+s11+$0x0], $0xffff  }
0x349: {  	[tilespmem:s19+$0x7000] =	vst v16;
	v15 =	vadd.s32 $0xAC0, v5;
	v10 =	vld.idx.msk [tilespmem:v10+s11+$0x0], $0xffff  }
0x34a: {  	v16 =	vld.idx.msk [tilespmem:v17+s11+$0x0], $0xffff;
	v17 =	vadd.s32 $0xAC0, v4;
	[tilespmem:s18+$0x7210] =	vst v18  }
0x34b: {  	v18 =	vadd.s32 $0xB40, v2;
	v12 =	vld.idx.msk [tilespmem:v12+s11+$0x0], $0xffff;
	[tilespmem:s21+$0x6C20] =	vst v11  }
0x34c: {  	v11 =	vadd.s32 $0xB80, v1;
	v13 =	vld.idx.msk [tilespmem:v13+s11+$0x0], $0xffff;
	[tilespmem:s21+$0x6C10] =	vst v8  }
0x34d: {  	v8 =	vadd.s32 $0xB00, v6;
	v9 =	vld.idx.msk [tilespmem:v9+s11+$0x0], $0xffff;
	[tilespmem:s21+$0x6C30] =	vst v14  }
0x34e: {  	[tilespmem:s20+$0x6C00] =	vst v10;
	v10 =	vadd.s32 $0xB00, v7;
	v14 =	vld.idx.msk [tilespmem:v15+s11+$0x0], $0xffff  }
0x34f: {  	[tilespmem:s18+$0x7420] =	vst v16;
	v16 =	vadd.s32 $0xB00, v5;
	v15 =	vld.idx.msk [tilespmem:v17+s11+$0x0], $0xffff  }
0x350: {  	v17 =	vld.idx.msk [tilespmem:v18+s11+$0x0], $0xffff;
	[tilespmem:s18+$0x7230] =	vst v12;
	v12 =	vadd.s32 $0xB00, v4  }
0x351: {  	v3 =	vadd.s32 $0xBC0, v3;
	v11 =	vld.idx.msk [tilespmem:v11+s11+$0x0], $0xffff;
	[tilespmem:s21+$0x6E20] =	vst v13  }
0x352: {  	v13 =	vadd.s32 $0xB80, v2;
	v8 =	vld.idx.msk [tilespmem:v8+s11+$0x0], $0xffff;
	[tilespmem:s21+$0x6E10] =	vst v9  }
0x353: {  	v9 =	vadd.s32 $0xB40, v6;
	v10 =	vld.idx.msk [tilespmem:v10+s11+$0x0], $0xffff;
	[tilespmem:s21+$0x6E30] =	vst v14  }
0x354: {  	v14 =	vadd.s32 $0xB40, v7;
	[tilespmem:s20+$0x6E00] =	vst v15;
	v15 =	vld.idx.msk [tilespmem:v16+s11+$0x0], $0xffff  }
0x355: {  	[tilespmem:s19+$0x7200] =	vst v17;
	v16 =	vadd.s32 $0xB40, v5;
	v12 =	vld.idx.msk [tilespmem:v12+s11+$0x0], $0xffff  }
0x356: {  	v3 =	vld.idx.msk [tilespmem:v3+s11+$0x0], $0xffff;
	[tilespmem:s18+$0x7410] =	vst v11;
	v11 =	vadd.s32 $0xB40, v4  }
0x357: {  	v18 =	vadd.s32 $0xB80, v0;
	v13 =	vld.idx.msk [tilespmem:v13+s11+$0x0], $0xffff;
	[tilespmem:s21+$0x7020] =	vst v8  }
0x358: {  	v1 =	vadd.s32 $0xBC0, v1;
	v8 =	vld.idx.msk [tilespmem:v9+s11+$0x0], $0xffff;
	[tilespmem:s21+$0x7010] =	vst v10  }
0x359: {  	v9 =	vadd.s32 $0xB80, v6;
	v10 =	vld.idx.msk [tilespmem:v14+s11+$0x0], $0xffff;
	[tilespmem:s21+$0x7030] =	vst v15  }
0x35a: {  	[tilespmem:s20+$0x7000] =	vst v12;
	v12 =	vadd.s32 $0xB80, v7;
	v14 =	vld.idx.msk [tilespmem:v16+s11+$0x0], $0xffff  }
0x35b: {  	[tilespmem:s18+$0x7620] =	vst v3;
	v15 =	vadd.s32 $0xB80, v5;
	v11 =	vld.idx.msk [tilespmem:v11+s11+$0x0], $0xffff  }
0x35c: {  	v17 =	vld.idx.msk [tilespmem:v18+s11+$0x0], $0xffff;
	[tilespmem:s19+$0x7400] =	vst v13;
	v13 =	vadd.s32 $0xB80, v4  }
0x35d: {  	v0 =	vadd.s32 $0xBC0, v0;
	v1 =	vld.idx.msk [tilespmem:v1+s11+$0x0], $0xffff;
	[tilespmem:s21+$0x7220] =	vst v8  }
0x35e: {  	v2 =	vadd.s32 $0xBC0, v2;
	v8 =	vld.idx.msk [tilespmem:v9+s11+$0x0], $0xffff;
	[tilespmem:s21+$0x7210] =	vst v10  }
0x35f: {  	v6 =	vadd.s32 $0xBC0, v6;
	v9 =	vld.idx.msk [tilespmem:v12+s11+$0x0], $0xffff;
	[tilespmem:s21+$0x7230] =	vst v14  }
0x360: {  	v7 =	vadd.s32 $0xBC0, v7;
	[tilespmem:s20+$0x7200] =	vst v11;
	v10 =	vld.idx.msk [tilespmem:v15+s11+$0x0], $0xffff  }
0x361: {  	[tilespmem:s18+$0x7430] =	vst v17;
	v5 =	vadd.s32 $0xBC0, v5;
	v3 =	vld.idx.msk [tilespmem:v13+s11+$0x0], $0xffff  }
0x362: {  	v0 =	vld.idx.msk [tilespmem:v0+s11+$0x0], $0xffff;
	[tilespmem:s18+$0x7610] =	vst v1;
	v1 =	vadd.s32 $0xBC0, v4  }
0x363: {  	v2 =	vld.idx.msk [tilespmem:v2+s11+$0x0], $0xffff;
	[tilespmem:s21+$0x7420] =	vst v8  }
0x364: {  	v4 =	vld.idx.msk [tilespmem:v6+s11+$0x0], $0xffff;
	[tilespmem:s21+$0x7410] =	vst v9  }
0x365: {  	v6 =	vld.idx.msk [tilespmem:v7+s11+$0x0], $0xffff;
	[tilespmem:s21+$0x7430] =	vst v10  }
0x366: {  	[tilespmem:s20+$0x7400] =	vst v3;
	v3 =	vld.idx.msk [tilespmem:v5+s11+$0x0], $0xffff  }
0x367: {  	[tilespmem:s18+$0x7630] =	vst v0;
	v0 =	vld.idx.msk [tilespmem:v1+s11+$0x0], $0xffff  }
0x368: {  	[tilespmem:s19+$0x7600] =	vst v2  }
0x369: {  	[tilespmem:s21+$0x7620] =	vst v4  }
0x36a: {  	[tilespmem:s21+$0x7610] =	vst v6  }
0x36b: {  	[tilespmem:s21+$0x7630] =	vst v3  }
0x36c: {  	s29 =	simm.s32 $0x0;
	s22 =	simm.s32 $0x0;
	[tilespmem:s20+$0x7600] =	vst v0  }
0x36d: {  	[hbm4b:s7+s29] =	stream.linear.scatter [tilespmem:s14], [sflag:$0x1], $0x2000, $0x38;
	[tilespmem:$0x9800] =	vst v63  }
0x36e: {  	v12 =	vld [tilespmem:s22+$0x620]  }
0x36f: {  	v9 =	vld [tilespmem:s22+$0x610];
	_ =	sdelay $0x3  }
0x370: {  	v1 =	vadd.s32 $0xC00, v12  }
0x371: {  	v0 =	vadd.s32 $0xC00, v9;
	_ =	sdelay $0x1  }
0x372: {  	s23 =	sand.u32 $0x1C0, s29;
	v10 =	vld [tilespmem:s22+$0x630]  }
0x373: {  	v11 =	vld [tilespmem:s23+$0x600]  }
0x374: {  	v1 =	vld.idx.msk [tilespmem:v1+s11+$0x0], $0xffff  }
0x375: {  	v3 =	vadd.s32 $0xC40, v12;
	v0 =	vld.idx.msk [tilespmem:v0+s11+$0x0], $0xffff  }
0x376: {  	v2 =	vadd.s32 $0xC40, v9;
	_ =	sdelay $0x2  }
0x377: {  	v5 =	vadd.s32 $0xC00, v11;
	[tilespmem:s22+$0x7820] =	vst v1  }
0x378: {  	[tilespmem:s22+$0x7810] =	vst v0;
	v0 =	vadd.s32 $0xC00, v10;
	v1 =	vld.idx.msk [tilespmem:v3+s11+$0x0], $0xffff  }
0x379: {  	v2 =	vld.idx.msk [tilespmem:v2+s11+$0x0], $0xffff;
	v3 =	vadd.s32 $0xC80, v12;
	_ =	sdelay $0x2  }
0x37a: {  	v4 =	vadd.s32 $0xC80, v9;
	v5 =	vld.idx.msk [tilespmem:v5+s11+$0x0], $0xffff  }
0x37b: {  	v0 =	vld.idx.msk [tilespmem:v0+s11+$0x0], $0xffff;
	[tilespmem:s22+$0x7A20] =	vst v1  }
0x37c: {  	s18 =	simm.s32 $0x40;
	[tilespmem:s22+$0x7A10] =	vst v2;
	v2 =	vadd.s32 $0xC40, v10;
	v3 =	vld.idx.msk [tilespmem:v3+s11+$0x0], $0xffff  }
0x37d: {  	v7 =	vadd.s32 $0xCC0, v12;
	v1 =	vld [tilespmem:s18+$0x610]  }
0x37e: {  	v8 =	vadd.s32 $0xC40, v11  }
0x37f: {  	v4 =	vld.idx.msk [tilespmem:v4+s11+$0x0], $0xffff  }
0x380: {  	v6 =	vadd.s32 $0xCC0, v9;
	[tilespmem:s22+$0x7830] =	vst v0;
	v0 =	vld [tilespmem:s18+$0x630]  }
0x381: {  	v2 =	vld.idx.msk [tilespmem:v2+s11+$0x0], $0xffff;
	[tilespmem:s22+$0x7C20] =	vst v3  }
0x382: {  	[tilespmem:s23+$0x7800] =	vst v5;
	v14 =	vadd.s32 $0xC00, v1;
	v5 =	vld.idx.msk [tilespmem:v7+s11+$0x0], $0xffff  }
0x383: {  	v7 =	vld.idx.msk [tilespmem:v8+s11+$0x0], $0xffff;
	v8 =	vadd.s32 $0xD00, v12  }
0x384: {  	s30 =	simm.s32 $0x40;
	v13 =	vadd.s32 $0xC80, v11;
	[tilespmem:s22+$0x7C10] =	vst v4  }
0x385: {  	s19 =	sand.u32 $0x1C0, s30;
	v4 =	vld.idx.msk [tilespmem:v6+s11+$0x0], $0xffff;
	v6 =	vadd.s32 $0xC80, v10  }
0x386: {  	v3 =	vadd.s32 $0xD00, v9;
	[tilespmem:s22+$0x7A30] =	vst v2;
	v2 =	vld [tilespmem:s19+$0x600]  }
0x387: {  	v14 =	vld.idx.msk [tilespmem:v14+s11+$0x0], $0xffff;
	[tilespmem:s22+$0x7E20] =	vst v5  }
0x388: {  	v5 =	vadd.s32 $0xC00, v0;
	[tilespmem:s23+$0x7A00] =	vst v7;
	v7 =	vld.idx.msk [tilespmem:v8+s11+$0x0], $0xffff  }
0x389: {  	v8 =	vld.idx.msk [tilespmem:v13+s11+$0x0], $0xffff;
	v13 =	vadd.s32 $0xD40, v12  }
0x38a: {  	v15 =	vadd.s32 $0xCC0, v11;
	v6 =	vld.idx.msk [tilespmem:v6+s11+$0x0], $0xffff;
	[tilespmem:s22+$0x7E10] =	vst v4  }
0x38b: {  	v16 =	vadd.s32 $0xCC0, v10;
	v4 =	vld.idx.msk [tilespmem:v3+s11+$0x0], $0xffff  }
0x38c: {  	v17 =	vadd.s32 $0xD40, v9;
	v3 =	vld [tilespmem:s18+$0x620]  }
0x38d: {  	v18 =	vadd.s32 $0xC40, v1;
	v5 =	vld.idx.msk [tilespmem:v5+s11+$0x0], $0xffff;
	[tilespmem:s22+$0x8020] =	vst v7  }
0x38e: {  	v7 =	vadd.s32 $0xC40, v0;
	[tilespmem:s23+$0x7C00] =	vst v8;
	v8 =	vld.idx.msk [tilespmem:v13+s11+$0x0], $0xffff  }
0x38f: {  	[tilespmem:s22+$0x7C30] =	vst v6;
	v6 =	vld.idx.msk [tilespmem:v15+s11+$0x0], $0xffff;
	v13 =	vadd.s32 $0xD80, v12  }
0x390: {  	[tilespmem:s22+$0x8010] =	vst v4;
	v4 =	vld.idx.msk [tilespmem:v16+s11+$0x0], $0xffff;
	v15 =	vadd.s32 $0xD00, v11  }
0x391: {  	[tilespmem:s18+$0x7810] =	vst v14;
	v14 =	vadd.s32 $0xD00, v10;
	v16 =	vld.idx.msk [tilespmem:v17+s11+$0x0], $0xffff  }
0x392: {  	v17 =	vadd.s32 $0xD80, v9;
	[tilespmem:s18+$0x7830] =	vst v5;
	v5 =	vld.idx.msk [tilespmem:v18+s11+$0x0], $0xffff  }
0x393: {  	v18 =	vadd.s32 $0xC80, v1;
	v7 =	vld.idx.msk [tilespmem:v7+s11+$0x0], $0xffff;
	[tilespmem:s22+$0x8220] =	vst v8  }
0x394: {  	v8 =	vadd.s32 $0xC80, v0;
	[tilespmem:s23+$0x7E00] =	vst v6;
	v6 =	vld.idx.msk [tilespmem:v13+s11+$0x0], $0xffff  }
0x395: {  	[tilespmem:s22+$0x7E30] =	vst v4;
	v4 =	vadd.s32 $0xDC0, v12;
	v13 =	vld.idx.msk [tilespmem:v15+s11+$0x0], $0xffff  }
0x396: {  	[tilespmem:s22+$0x8210] =	vst v16;
	v14 =	vld.idx.msk [tilespmem:v14+s11+$0x0], $0xffff;
	v15 =	vadd.s32 $0xD40, v11  }
0x397: {  	v16 =	vld.idx.msk [tilespmem:v17+s11+$0x0], $0xffff;
	v17 =	vadd.s32 $0xC00, v3;
	[tilespmem:s18+$0x7A10] =	vst v5  }
0x398: {  	v19 =	vadd.s32 $0xDC0, v9;
	[tilespmem:s18+$0x7A30] =	vst v7;
	v7 =	vld.idx.msk [tilespmem:v18+s11+$0x0], $0xffff  }
0x399: {  	v5 =	vadd.s32 $0xD40, v10;
	v8 =	vld.idx.msk [tilespmem:v8+s11+$0x0], $0xffff;
	[tilespmem:s22+$0x8420] =	vst v6  }
0x39a: {  	v6 =	vadd.s32 $0xCC0, v1;
	[tilespmem:s23+$0x8000] =	vst v13;
	v4 =	vld.idx.msk [tilespmem:v4+s11+$0x0], $0xffff  }
0x39b: {  	[tilespmem:s22+$0x8030] =	vst v14;
	v14 =	vadd.s32 $0xE00, v12;
	v13 =	vld.idx.msk [tilespmem:v15+s11+$0x0], $0xffff  }
0x39c: {  	v17 =	vld.idx.msk [tilespmem:v17+s11+$0x0], $0xffff;
	[tilespmem:s22+$0x8410] =	vst v16;
	v15 =	vadd.s32 $0xD80, v11  }
0x39d: {  	v18 =	vadd.s32 $0xC00, v2;
	v16 =	vld.idx.msk [tilespmem:v19+s11+$0x0], $0xffff  }
0x39e: {  	v5 =	vld.idx.msk [tilespmem:v5+s11+$0x0], $0xffff;
	[tilespmem:s18+$0x7C10] =	vst v7  }
0x39f: {  	v6 =	vld.idx.msk [tilespmem:v6+s11+$0x0], $0xffff;
	[tilespmem:s22+$0x8620] =	vst v4  }
0x3a0: {  	v7 =	vadd.s32 $0xD80, v10;
	[tilespmem:s23+$0x8200] =	vst v13;
	v13 =	vld.idx.msk [tilespmem:v14+s11+$0x0], $0xffff  }
0x3a1: {  	s31 =	simm.s32 $0x80;
	v20 =	vadd.s32 $0xD00, v1;
	v14 =	vld.idx.msk [tilespmem:v15+s11+$0x0], $0xffff  }
0x3a2: {  	s20 =	sand.u32 $0x1C0, s31;
	v22 =	vadd.s32 $0xC40, v3;
	v18 =	vld.idx.msk [tilespmem:v18+s11+$0x0], $0xffff  }
0x3a3: {  	s21 =	simm.s32 $0x80;
	[tilespmem:s18+$0x7820] =	vst v17;
	v4 =	vld [tilespmem:s20+$0x600];
	v15 =	vadd.s32 $0xDC0, v11  }
0x3a4: {  	[tilespmem:s22+$0x8230] =	vst v5;
	v5 =	vld [tilespmem:s21+$0x630]  }
0x3a5: {  	v7 =	vld.idx.msk [tilespmem:v7+s11+$0x0], $0xffff;
	[tilespmem:s18+$0x7E10] =	vst v6  }
0x3a6: {  	v19 =	vld.idx.msk [tilespmem:v20+s11+$0x0], $0xffff;
	v20 =	vadd.s32 $0xDC0, v10;
	[tilespmem:s23+$0x8400] =	vst v14  }
0x3a7: {  	v21 =	vadd.s32 $0xD40, v1;
	[tilespmem:s22+$0x8820] =	vst v13;
	v13 =	vld.idx.msk [tilespmem:v22+s11+$0x0], $0xffff  }
0x3a8: {  	v14 =	vld.idx.msk [tilespmem:v15+s11+$0x0], $0xffff;
	v15 =	vadd.s32 $0xE40, v12  }
0x3a9: {  	v23 =	vadd.s32 $0xE00, v9;
	v6 =	vld [tilespmem:s21+$0x620]  }
0x3aa: {  	v22 =	vadd.s32 $0xC80, v3;
	[tilespmem:s22+$0x8430] =	vst v7;
	v7 =	vld [tilespmem:s21+$0x610]  }
0x3ab: {  	v20 =	vld.idx.msk [tilespmem:v20+s11+$0x0], $0xffff;
	[tilespmem:s18+$0x8010] =	vst v19;
	v19 =	vadd.s32 $0xE00, v11  }
0x3ac: {  	[tilespmem:s22+$0x8610] =	vst v16;
	v17 =	vld.idx.msk [tilespmem:v21+s11+$0x0], $0xffff;
	v21 =	vadd.s32 $0xE00, v10  }
0x3ad: {  	v24 =	vadd.s32 $0xC40, v2;
	[tilespmem:s18+$0x7A20] =	vst v13;
	v15 =	vld.idx.msk [tilespmem:v15+s11+$0x0], $0xffff  }
0x3ae: {  	v16 =	vadd.s32 $0xD80, v1;
	[tilespmem:s23+$0x8600] =	vst v14;
	v14 =	vld.idx.msk [tilespmem:v23+s11+$0x0], $0xffff  }
0x3af: {  	[tilespmem:s19+$0x7800] =	vst v18;
	v23 =	vadd.s32 $0xE80, v12;
	v22 =	vld.idx.msk [tilespmem:v22+s11+$0x0], $0xffff  }
0x3b0: {  	v18 =	vadd.s32 $0xE40, v9;
	v19 =	vld.idx.msk [tilespmem:v19+s11+$0x0], $0xffff;
	[tilespmem:s22+$0x8630] =	vst v20  }
0x3b1: {  	v20 =	vld.idx.msk [tilespmem:v21+s11+$0x0], $0xffff;
	[tilespmem:s18+$0x8210] =	vst v17;
	v17 =	vadd.s32 $0xE40, v11  }
0x3b2: {  	v13 =	vadd.s32 $0xE40, v10;
	v21 =	vld.idx.msk [tilespmem:v24+s11+$0x0], $0xffff  }
0x3b3: {  	v24 =	vadd.s32 $0xC80, v2;
	v16 =	vld.idx.msk [tilespmem:v16+s11+$0x0], $0xffff;
	[tilespmem:s22+$0x8A20] =	vst v15  }
0x3b4: {  	v15 =	vadd.s32 $0xC00, v5;
	[tilespmem:s22+$0x8810] =	vst v14;
	v14 =	vld.idx.msk [tilespmem:v23+s11+$0x0], $0xffff  }
0x3b5: {  	v23 =	vadd.s32 $0xCC0, v3;
	v18 =	vld.idx.msk [tilespmem:v18+s11+$0x0], $0xffff;
	[tilespmem:s23+$0x8800] =	vst v19  }
0x3b6: {  	v19 =	vadd.s32 $0xEC0, v12;
	v17 =	vld.idx.msk [tilespmem:v17+s11+$0x0], $0xffff;
	[tilespmem:s22+$0x8830] =	vst v20  }
0x3b7: {  	[tilespmem:s19+$0x7A00] =	vst v21;
	v20 =	vadd.s32 $0xE80, v9;
	v13 =	vld.idx.msk [tilespmem:v13+s11+$0x0], $0xffff  }
0x3b8: {  	[tilespmem:s18+$0x7C30] =	vst v8;
	v21 =	vld.idx.msk [tilespmem:v24+s11+$0x0], $0xffff;
	v24 =	vadd.s32 $0xE80, v11  }
0x3b9: {  	[tilespmem:s18+$0x7C20] =	vst v22;
	v22 =	vadd.s32 $0xE80, v10;
	v15 =	vld.idx.msk [tilespmem:v15+s11+$0x0], $0xffff  }
0x3ba: {  	v25 =	vadd.s32 $0xC00, v7;
	v23 =	vld.idx.msk [tilespmem:v23+s11+$0x0], $0xffff;
	[tilespmem:s22+$0x8C20] =	vst v14  }
0x3bb: {  	v14 =	vadd.s32 $0xC40, v5;
	[tilespmem:s22+$0x8A10] =	vst v18;
	v18 =	vld.idx.msk [tilespmem:v19+s11+$0x0], $0xffff  }
0x3bc: {  	v19 =	vadd.s32 $0xD00, v3;
	[tilespmem:s23+$0x8A00] =	vst v17;
	v17 =	vld.idx.msk [tilespmem:v20+s11+$0x0], $0xffff  }
0x3bd: {  	v20 =	vld.idx.msk [tilespmem:v24+s11+$0x0], $0xffff;
	v24 =	vadd.s32 $0xF00, v12;
	[tilespmem:s22+$0x8A30] =	vst v13  }
0x3be: {  	[tilespmem:s18+$0x8410] =	vst v16;
	v13 =	vadd.s32 $0xEC0, v9;
	v16 =	vld.idx.msk [tilespmem:v22+s11+$0x0], $0xffff  }
0x3bf: {  	[tilespmem:s21+$0x7830] =	vst v15;
	v15 =	vadd.s32 $0xEC0, v11;
	v22 =	vld.idx.msk [tilespmem:v25+s11+$0x0], $0xffff  }
0x3c0: {  	v14 =	vld.idx.msk [tilespmem:v14+s11+$0x0], $0xffff;
	[tilespmem:s18+$0x7E20] =	vst v23;
	v25 =	vadd.s32 $0xCC0, v0  }
0x3c1: {  	v23 =	vadd.s32 $0xEC0, v10;
	v19 =	vld.idx.msk [tilespmem:v19+s11+$0x0], $0xffff;
	[tilespmem:s22+$0x8E20] =	vst v18  }
0x3c2: {  	v18 =	vadd.s32 $0xCC0, v2;
	[tilespmem:s22+$0x8C10] =	vst v17;
	v17 =	vld.idx.msk [tilespmem:v24+s11+$0x0], $0xffff  }
0x3c3: {  	v24 =	vadd.s32 $0xD40, v3;
	[tilespmem:s23+$0x8C00] =	vst v20;
	v13 =	vld.idx.msk [tilespmem:v13+s11+$0x0], $0xffff  }
0x3c4: {  	[tilespmem:s19+$0x7C00] =	vst v21;
	v20 =	vadd.s32 $0xC80, v5;
	v15 =	vld.idx.msk [tilespmem:v15+s11+$0x0], $0xffff  }
0x3c5: {  	[tilespmem:s22+$0x8C30] =	vst v16;
	v16 =	vadd.s32 $0xF00, v9;
	v21 =	vld.idx.msk [tilespmem:v25+s11+$0x0], $0xffff  }
0x3c6: {  	v25 =	vadd.s32 $0xF40, v12;
	[tilespmem:s21+$0x7A30] =	vst v14;
	v23 =	vld.idx.msk [tilespmem:v23+s11+$0x0], $0xffff  }
0x3c7: {  	v18 =	vld.idx.msk [tilespmem:v18+s11+$0x0], $0xffff;
	[tilespmem:s18+$0x8020] =	vst v19;
	v19 =	vadd.s32 $0xF00, v10  }
0x3c8: {  	v26 =	vadd.s32 $0xF00, v11;
	[tilespmem:s21+$0x7810] =	vst v22;
	v14 =	vld.idx.msk [tilespmem:v24+s11+$0x0], $0xffff  }
0x3c9: {  	v8 =	vld.idx.msk [tilespmem:v20+s11+$0x0], $0xffff;
	v20 =	vadd.s32 $0xD00, v2;
	[tilespmem:s22+$0x8E10] =	vst v13  }
0x3ca: {  	[tilespmem:s22+$0x9020] =	vst v17;
	v17 =	vadd.s32 $0xC40, v7;
	v16 =	vld.idx.msk [tilespmem:v16+s11+$0x0], $0xffff  }
0x3cb: {  	v13 =	vadd.s32 $0xD80, v3;
	v24 =	vld.idx.msk [tilespmem:v25+s11+$0x0], $0xffff;
	[tilespmem:s22+$0x8E30] =	vst v23  }
0x3cc: {  	[tilespmem:s23+$0x8E00] =	vst v15;
	v15 =	vadd.s32 $0xF40, v9;
	v19 =	vld.idx.msk [tilespmem:v19+s11+$0x0], $0xffff  }
0x3cd: {  	v23 =	vadd.s32 $0xF80, v12;
	[tilespmem:s19+$0x7E00] =	vst v18;
	v18 =	vld.idx.msk [tilespmem:v26+s11+$0x0], $0xffff  }
0x3ce: {  	v22 =	vadd.s32 $0xF40, v11;
	[tilespmem:s18+$0x7E30] =	vst v21;
	v20 =	vld.idx.msk [tilespmem:v20+s11+$0x0], $0xffff  }
0x3cf: {  	[tilespmem:s18+$0x8220] =	vst v14;
	v14 =	vadd.s32 $0xF40, v10;
	v17 =	vld.idx.msk [tilespmem:v17+s11+$0x0], $0xffff  }
0x3d0: {  	v25 =	vadd.s32 $0xD40, v2;
	v13 =	vld.idx.msk [tilespmem:v13+s11+$0x0], $0xffff;
	[tilespmem:s22+$0x9010] =	vst v16  }
0x3d1: {  	v16 =	vadd.s32 $0xD00, v0;
	[tilespmem:s22+$0x9220] =	vst v24;
	v15 =	vld.idx.msk [tilespmem:v15+s11+$0x0], $0xffff  }
0x3d2: {  	v24 =	vadd.s32 $0xC80, v7;
	v23 =	vld.idx.msk [tilespmem:v23+s11+$0x0], $0xffff;
	[tilespmem:s23+$0x9000] =	vst v18  }
0x3d3: {  	[tilespmem:s22+$0x9030] =	vst v19;
	v18 =	vadd.s32 $0xF80, v9;
	v22 =	vld.idx.msk [tilespmem:v22+s11+$0x0], $0xffff  }
0x3d4: {  	v19 =	vadd.s32 $0xDC0, v3;
	v14 =	vld.idx.msk [tilespmem:v14+s11+$0x0], $0xffff;
	[tilespmem:s19+$0x8000] =	vst v20  }
0x3d5: {  	v26 =	vadd.s32 $0xF80, v11;
	[tilespmem:s21+$0x7A10] =	vst v17;
	v21 =	vld.idx.msk [tilespmem:v25+s11+$0x0], $0xffff  }
0x3d6: {  	v25 =	vadd.s32 $0xF80, v10;
	v16 =	vld.idx.msk [tilespmem:v16+s11+$0x0], $0xffff;
	[tilespmem:s18+$0x8420] =	vst v13  }
0x3d7: {  	v12 =	vadd.s32 $0xFC0, v12;
	v17 =	vld.idx.msk [tilespmem:v24+s11+$0x0], $0xffff;
	[tilespmem:s22+$0x9210] =	vst v15  }
0x3d8: {  	v15 =	vadd.s32 $0xC00, v6;
	[tilespmem:s22+$0x9420] =	vst v23;
	v13 =	vld.idx.msk [tilespmem:v18+s11+$0x0], $0xffff  }
0x3d9: {  	v24 =	vadd.s32 $0xCC0, v7;
	v20 =	vld.idx.msk [tilespmem:v19+s11+$0x0], $0xffff;
	[tilespmem:s23+$0x9200] =	vst v22  }
0x3da: {  	v19 =	vadd.s32 $0xD40, v0;
	[tilespmem:s22+$0x9230] =	vst v14;
	v23 =	vld.idx.msk [tilespmem:v26+s11+$0x0], $0xffff  }
0x3db: {  	v22 =	vld.idx.msk [tilespmem:v25+s11+$0x0], $0xffff;
	v25 =	vadd.s32 $0xFC0, v9  }
0x3dc: {  	v28 =	vadd.s32 $0xFC0, v11;
	v27 =	vld.idx.msk [tilespmem:v12+s11+$0x0], $0xffff;
	[tilespmem:s19+$0x8200] =	vst v21  }
0x3dd: {  	v21 =	vadd.s32 $0xFC0, v10;
	[tilespmem:s21+$0x7C10] =	vst v17;
	v18 =	vld.idx.msk [tilespmem:v15+s11+$0x0], $0xffff  }
0x3de: {  	[tilespmem:s18+$0x8030] =	vst v16;
	v15 =	vadd.s32 $0xC00, v4;
	v17 =	vld.idx.msk [tilespmem:v24+s11+$0x0], $0xffff  }
0x3df: {  	v24 =	vadd.s32 $0xE00, v3;
	v16 =	vld.idx.msk [tilespmem:v19+s11+$0x0], $0xffff;
	[tilespmem:s22+$0x9410] =	vst v13  }
0x3e0: {  	v11 =	vadd.s32 $0xCC0, v6;
	v12 =	vadd.s32 $0xC80, v6;
	[tilespmem:s23+$0x9400] =	vst v23;
	v19 =	vld.idx.msk [tilespmem:v25+s11+$0x0], $0xffff;
	v25 =	vadd.s32 $0xD80, v2  }
0x3e1: {  	v14 =	vadd.s32 $0xD00, v7;
	v26 =	vadd.s32 $0xD80, v0;
	v10 =	vadd.s32 $0xC40, v4;
	[tilespmem:s22+$0x9430] =	vst v22;
	v22 =	vld.idx.msk [tilespmem:v28+s11+$0x0], $0xffff  }
0x3e2: {  	s24 =	simm.s32 $0x8;
	s25 =	simm.s32 $0x200;
	s26 =	simm.s32 $0xC0;
	v9 =	vadd.s32 $0xC80, v4;
	v13 =	vadd.s32 $0xC40, v6;
	[tilespmem:s22+$0x9620] =	vst v27;
	v23 =	vadd.s32 $0xDC0, v1;
	v21 =	vld.idx.msk [tilespmem:v21+s11+$0x0], $0xffff  }
.LBB2_8:
0x3e3: {  	s28 =	sand.u32 $0x1C0, s26;
	s24 =	sadd.s32 $0x4, s24;
	v27 =	vld.idx.msk [tilespmem:v15+s11+$0x0], $0xffff;
	s25 =	sadd.s32 $0x100, s25;
	[tilespmem:s18+$0x8620] =	vst v20  }
0x3e4: {  	s29 =	sshra.s32 s25, $0x2;
	p0 =	slt.u32 s24, $0x1C;
	v15 =	vld.idx.msk [tilespmem:v24+s11+$0x0], $0xffff;
	[tilespmem:s18+$0x8230] =	vst v16  }
0x3e5: {  	[tilespmem:s21+$0x7E10] =	vst v17;
	v24 =	vld.idx.msk [tilespmem:v25+s11+$0x0], $0xffff  }
0x3e6: {  	v25 =	vld.idx.msk [tilespmem:v26+s11+$0x0], $0xffff;
	[tilespmem:s22+$0x9610] =	vst v19  }
0x3e7: {  	v19 =	vadd.s32 $0xDC0, v2;
	v23 =	vld.idx.msk [tilespmem:v23+s11+$0x0], $0xffff;
	[tilespmem:s22+$0x9630] =	vst v21;
	s22 =	smov.u32 s18;
	s18 =	smov.u32 s21;
	s21 =	smov.u32 s29  }
0x3e8: {  	v21 =	vadd.s32 $0xDC0, v0;
	v14 =	vld.idx.msk [tilespmem:v14+s11+$0x0], $0xffff;
	[tilespmem:s23+$0x9600] =	vst v22;
	s23 =	smov.u32 s19;
	s19 =	smov.u32 s20;
	s20 =	smov.u32 s28  }
0x3e9: {  	v17 =	vld [tilespmem:s20+$0x600];
	[tilespmem:s18+$0x7820] =	vst v18  }
0x3ea: {  	v18 =	vadd.s32 $0xD40, v7;
	v16 =	vld [tilespmem:s21+$0x630];
	[tilespmem:s22+$0x8820] =	vst v15  }
0x3eb: {  	v20 =	vld [tilespmem:s21+$0x620];
	[tilespmem:s23+$0x8400] =	vst v24  }
0x3ec: {  	v24 =	vadd.s32 $0xE40, v3;
	v22 =	vld.idx.msk [tilespmem:v19+s11+$0x0], $0xffff;
	[tilespmem:s22+$0x8430] =	vst v25  }
0x3ed: {  	[tilespmem:s22+$0x8610] =	vst v23;
	v23 =	vadd.s32 $0xE00, v1;
	v21 =	vld.idx.msk [tilespmem:v21+s11+$0x0], $0xffff  }
0x3ee: {  	v25 =	vadd.s32 $0xE00, v2;
	v15 =	vadd.s32 $0xC00, v17;
	v19 =	vld [tilespmem:s21+$0x610];
	[tilespmem:s18+$0x8010] =	vst v14  }
0x3ef: {  	v29 =	vadd.s32 $0xE00, v0;
	v26 =	vadd.s32 $0xC00, v16;
	v28 =	vld.idx.msk [tilespmem:v18+s11+$0x0], $0xffff  }
0x3f0: {  	v18 =	vadd.s32 $0xC00, v20;
	v13 =	vld.idx.msk [tilespmem:v13+s11+$0x0], $0xffff  }
0x3f1: {  	v30 =	vadd.s32 $0xD80, v7;
	v24 =	vld.idx.msk [tilespmem:v24+s11+$0x0], $0xffff  }
0x3f2: {  	[tilespmem:s23+$0x8600] =	vst v22;
	v22 =	vld.idx.msk [tilespmem:v23+s11+$0x0], $0xffff  }
0x3f3: {  	v31 =	vadd.s32 $0xE80, v3;
	v23 =	vadd.s32 $0xC00, v19;
	v14 =	vadd.s32 $0xD00, v19;
	v25 =	vld.idx.msk [tilespmem:v25+s11+$0x0], $0xffff;
	[tilespmem:s22+$0x8630] =	vst v21  }
0x3f4: {  	v21 =	vadd.s32 $0xE40, v1;
	[tilespmem:s19+$0x7800] =	vst v27;
	v27 =	vld.idx.msk [tilespmem:v29+s11+$0x0], $0xffff  }
0x3f5: {  	v29 =	vld.idx.msk [tilespmem:v10+s11+$0x0], $0xffff;
	v10 =	vadd.s32 $0xC40, v17;
	[tilespmem:s18+$0x8210] =	vst v28;
	v28 =	vadd.s32 $0xE40, v2  }
0x3f6: {  	v32 =	vadd.s32 $0xE40, v0;
	v30 =	vld.idx.msk [tilespmem:v30+s11+$0x0], $0xffff;
	[tilespmem:s18+$0x7A20] =	vst v13  }
0x3f7: {  	v13 =	vadd.s32 $0xC40, v20;
	v12 =	vld.idx.msk [tilespmem:v12+s11+$0x0], $0xffff;
	[tilespmem:s22+$0x8A20] =	vst v24  }
0x3f8: {  	[tilespmem:s22+$0x8810] =	vst v22;
	v22 =	vld.idx.msk [tilespmem:v31+s11+$0x0], $0xffff  }
0x3f9: {  	[tilespmem:s23+$0x8800] =	vst v25;
	v21 =	vld.idx.msk [tilespmem:v21+s11+$0x0], $0xffff  }
0x3fa: {  	v25 =	vadd.s32 $0xEC0, v3;
	v24 =	vld.idx.msk [tilespmem:v28+s11+$0x0], $0xffff;
	[tilespmem:s22+$0x8830] =	vst v27  }
0x3fb: {  	v27 =	vadd.s32 $0xC40, v16;
	v28 =	vadd.s32 $0xE80, v1;
	[tilespmem:s19+$0x7A00] =	vst v29;
	v29 =	vld.idx.msk [tilespmem:v32+s11+$0x0], $0xffff  }
0x3fc: {  	v31 =	vld.idx.msk [tilespmem:v9+s11+$0x0], $0xffff;
	v9 =	vadd.s32 $0xC80, v17;
	[tilespmem:s18+$0x8410] =	vst v30;
	v30 =	vadd.s32 $0xE80, v2  }
0x3fd: {  	v32 =	vadd.s32 $0xE80, v0;
	v26 =	vld.idx.msk [tilespmem:v26+s11+$0x0], $0xffff;
	[tilespmem:s18+$0x7C20] =	vst v12  }
0x3fe: {  	v12 =	vadd.s32 $0xC80, v20;
	v11 =	vld.idx.msk [tilespmem:v11+s11+$0x0], $0xffff;
	[tilespmem:s22+$0x8C20] =	vst v22  }
0x3ff: {  	[tilespmem:s22+$0x8A10] =	vst v21;
	v21 =	vld.idx.msk [tilespmem:v25+s11+$0x0], $0xffff  }
0x400: {  	v22 =	vadd.s32 $0xD00, v6;
	[tilespmem:s23+$0x8A00] =	vst v24;
	v24 =	vld.idx.msk [tilespmem:v28+s11+$0x0], $0xffff  }
0x401: {  	v28 =	vadd.s32 $0xF00, v3;
	v25 =	vld.idx.msk [tilespmem:v30+s11+$0x0], $0xffff;
	[tilespmem:s22+$0x8A30] =	vst v29  }
0x402: {  	v29 =	vadd.s32 $0xEC0, v1;
	[tilespmem:s19+$0x7C00] =	vst v31;
	v30 =	vld.idx.msk [tilespmem:v32+s11+$0x0], $0xffff  }
0x403: {  	v31 =	vadd.s32 $0xC40, v19;
	v23 =	vld.idx.msk [tilespmem:v23+s11+$0x0], $0xffff;
	[tilespmem:s21+$0x7830] =	vst v26;
	v26 =	vadd.s32 $0xEC0, v2  }
0x404: {  	v32 =	vadd.s32 $0xEC0, v0;
	v27 =	vld.idx.msk [tilespmem:v27+s11+$0x0], $0xffff;
	[tilespmem:s18+$0x7E20] =	vst v11  }
0x405: {  	v34 =	vadd.s32 $0xCC0, v5;
	v33 =	vadd.s32 $0xC80, v16;
	v11 =	vadd.s32 $0xCC0, v20;
	v22 =	vld.idx.msk [tilespmem:v22+s11+$0x0], $0xffff;
	[tilespmem:s22+$0x8E20] =	vst v21  }
0x406: {  	v21 =	vadd.s32 $0xCC0, v4;
	[tilespmem:s22+$0x8C10] =	vst v24;
	v24 =	vld.idx.msk [tilespmem:v28+s11+$0x0], $0xffff  }
0x407: {  	v28 =	vadd.s32 $0xD40, v6;
	[tilespmem:s23+$0x8C00] =	vst v25;
	v25 =	vld.idx.msk [tilespmem:v29+s11+$0x0], $0xffff  }
0x408: {  	v26 =	vld.idx.msk [tilespmem:v26+s11+$0x0], $0xffff;
	[tilespmem:s22+$0x8C30] =	vst v30  }
0x409: {  	v29 =	vadd.s32 $0xF00, v1;
	[tilespmem:s18+$0x7C30] =	vst v8;
	v30 =	vld.idx.msk [tilespmem:v32+s11+$0x0], $0xffff  }
0x40a: {  	v32 =	vadd.s32 $0xF40, v3;
	[tilespmem:s21+$0x7810] =	vst v23;
	v23 =	vld.idx.msk [tilespmem:v34+s11+$0x0], $0xffff  }
0x40b: {  	v35 =	vadd.s32 $0xF00, v0;
	v34 =	vadd.s32 $0xC80, v19;
	v21 =	vld.idx.msk [tilespmem:v21+s11+$0x0], $0xffff;
	[tilespmem:s18+$0x8020] =	vst v22;
	v22 =	vadd.s32 $0xF00, v2  }
0x40c: {  	[tilespmem:s21+$0x7A30] =	vst v27;
	v27 =	vld.idx.msk [tilespmem:v28+s11+$0x0], $0xffff  }
0x40d: {  	v28 =	vadd.s32 $0xD00, v4;
	v8 =	vld.idx.msk [tilespmem:v33+s11+$0x0], $0xffff;
	[tilespmem:s22+$0x8E10] =	vst v25  }
0x40e: {  	v25 =	vadd.s32 $0xD80, v6;
	v29 =	vld.idx.msk [tilespmem:v29+s11+$0x0], $0xffff;
	[tilespmem:s22+$0x9020] =	vst v24  }
0x40f: {  	v24 =	vld.idx.msk [tilespmem:v32+s11+$0x0], $0xffff;
	[tilespmem:s22+$0x8E30] =	vst v30  }
0x410: {  	[tilespmem:s23+$0x8E00] =	vst v26;
	v26 =	vadd.s32 $0xF40, v1;
	v30 =	vld.idx.msk [tilespmem:v35+s11+$0x0], $0xffff  }
0x411: {  	[tilespmem:s19+$0x7E00] =	vst v21;
	v21 =	vld.idx.msk [tilespmem:v22+s11+$0x0], $0xffff;
	v22 =	vadd.s32 $0xF80, v3  }
0x412: {  	v32 =	vadd.s32 $0xF40, v0;
	v28 =	vld.idx.msk [tilespmem:v28+s11+$0x0], $0xffff;
	[tilespmem:s18+$0x8220] =	vst v27;
	v27 =	vadd.s32 $0xF40, v2  }
0x413: {  	v25 =	vld.idx.msk [tilespmem:v25+s11+$0x0], $0xffff;
	[tilespmem:s18+$0x7E30] =	vst v23  }
0x414: {  	v23 =	vld.idx.msk [tilespmem:v31+s11+$0x0], $0xffff;
	v31 =	vadd.s32 $0xD40, v4;
	[tilespmem:s22+$0x9010] =	vst v29  }
0x415: {  	v29 =	vadd.s32 $0xD00, v5;
	v26 =	vld.idx.msk [tilespmem:v26+s11+$0x0], $0xffff;
	[tilespmem:s22+$0x9220] =	vst v24  }
0x416: {  	v22 =	vld.idx.msk [tilespmem:v22+s11+$0x0], $0xffff;
	[tilespmem:s22+$0x9030] =	vst v30  }
0x417: {  	[tilespmem:s23+$0x9000] =	vst v21;
	v21 =	vadd.s32 $0xF80, v1;
	v24 =	vld.idx.msk [tilespmem:v32+s11+$0x0], $0xffff  }
0x418: {  	[tilespmem:s19+$0x8000] =	vst v28;
	v28 =	vadd.s32 $0xDC0, v6;
	v27 =	vld.idx.msk [tilespmem:v27+s11+$0x0], $0xffff  }
0x419: {  	v30 =	vld.idx.msk [tilespmem:v31+s11+$0x0], $0xffff;
	[tilespmem:s18+$0x8420] =	vst v25;
	v25 =	vadd.s32 $0xF80, v2;
	v31 =	vadd.s32 $0xF80, v0  }
0x41a: {  	[tilespmem:s21+$0x7A10] =	vst v23;
	v23 =	vld.idx.msk [tilespmem:v29+s11+$0x0], $0xffff  }
0x41b: {  	v29 =	vld.idx.msk [tilespmem:v34+s11+$0x0], $0xffff;
	[tilespmem:s22+$0x9210] =	vst v26;
	v26 =	vadd.s32 $0xFC0, v3;
	v3 =	vmov v6;
	v6 =	vmov v20  }
0x41c: {  	v21 =	vld.idx.msk [tilespmem:v21+s11+$0x0], $0xffff;
	[tilespmem:s22+$0x9420] =	vst v22  }
0x41d: {  	v22 =	vadd.s32 $0xD40, v5;
	v20 =	vld.idx.msk [tilespmem:v28+s11+$0x0], $0xffff;
	[tilespmem:s22+$0x9230] =	vst v24  }
0x41e: {  	v24 =	vadd.s32 $0xCC0, v19;
	[tilespmem:s23+$0x9200] =	vst v27;
	v27 =	vld.idx.msk [tilespmem:v31+s11+$0x0], $0xffff  }
0x41f: {  	v31 =	vadd.s32 $0xFC0, v1;
	v1 =	vmov v7;
	v7 =	vmov v19;
	v28 =	vld.idx.msk [tilespmem:v25+s11+$0x0], $0xffff  }
0x420: {  	v33 =	vadd.s32 $0xFC0, v0;
	v0 =	vmovc v5;
	[tilespmem:s19+$0x8200] =	vst v30;
	v30 =	vadd.s32 $0xFC0, v2;
	v32 =	vld.idx.msk [tilespmem:v26+s11+$0x0], $0xffff;
	v2 =	vmovc v4;
	v4 =	vmov v17  }
0x421: {  	v5 =	vmov v16;
	v18 =	vld.idx.msk [tilespmem:v18+s11+$0x0], $0xffff;
	[tilespmem:s18+$0x8030] =	vst v23  }
.Ltmp3:
0x422: {  	[tilespmem:s21+$0x7C10] =	vst v29;
	v16 =	vld.idx.msk [tilespmem:v22+s11+$0x0], $0xffff;
	(pc) =	sbr.rel @p0 .LBB2_8-.Ltmp3, $4  }
0x423: {  	v17 =	vld.idx.msk [tilespmem:v24+s11+$0x0], $0xffff;
	v24 =	vadd.s32 $0xE00, v3;
	[tilespmem:s22+$0x9410] =	vst v21  }
0x424: {  	v25 =	vadd.s32 $0xD80, v2;
	v19 =	vld.idx.msk [tilespmem:v31+s11+$0x0], $0xffff;
	[tilespmem:s22+$0x9430] =	vst v27  }
0x425: {  	v26 =	vadd.s32 $0xD80, v0;
	[tilespmem:s23+$0x9400] =	vst v28;
	v21 =	vld.idx.msk [tilespmem:v33+s11+$0x0], $0xffff  }
0x426: {  	s26 =	sadd.s32 $0x40, s26;
	v23 =	vadd.s32 $0xDC0, v1;
	v22 =	vld.idx.msk [tilespmem:v30+s11+$0x0], $0xffff;
	[tilespmem:s22+$0x9620] =	vst v32  }
0x427: {  	_ = 	snop  }
0x428: {  	[tilespmem:s18+$0x8620] =	vst v20  }
0x429: {  	[tilespmem:s18+$0x8230] =	vst v16  }
0x42a: {  	[tilespmem:s21+$0x7820] =	vst v18  }
0x42b: {  	v31 =	vld.idx.msk [tilespmem:v25+s11+$0x0], $0xffff;
	[tilespmem:s21+$0x7C30] =	vst v8  }
0x42c: {  	v15 =	vld.idx.msk [tilespmem:v15+s11+$0x0], $0xffff;
	[tilespmem:s21+$0x7E10] =	vst v17  }
0x42d: {  	v35 =	vld.idx.msk [tilespmem:v23+s11+$0x0], $0xffff;
	v44 =	vadd.s32 $0xCC0, v5;
	[tilespmem:s22+$0x9610] =	vst v19  }
0x42e: {  	v30 =	vld.idx.msk [tilespmem:v24+s11+$0x0], $0xffff;
	[tilespmem:s22+$0x9630] =	vst v21  }
0x42f: {  	v33 =	vadd.s32 $0xDC0, v2;
	v32 =	vld.idx.msk [tilespmem:v26+s11+$0x0], $0xffff;
	[tilespmem:s23+$0x9600] =	vst v22  }
0x430: {  	v38 =	vadd.s32 $0xE00, v1;
	v13 =	vld.idx.msk [tilespmem:v13+s11+$0x0], $0xffff;
	[tilespmem:s19+$0x8400] =	vst v31  }
0x431: {  	v34 =	vadd.s32 $0xDC0, v0;
	v14 =	vld.idx.msk [tilespmem:v14+s11+$0x0], $0xffff;
	[tilespmem:s20+$0x7800] =	vst v15  }
0x432: {  	v37 =	vadd.s32 $0xE40, v3;
	[tilespmem:s18+$0x8610] =	vst v35;
	v52 =	vld.idx.msk [tilespmem:v44+s11+$0x0], $0xffff  }
0x433: {  	[tilespmem:s18+$0x8820] =	vst v30;
	v10 =	vld.idx.msk [tilespmem:v10+s11+$0x0], $0xffff  }
0x434: {  	v17 =	vld.idx.msk [tilespmem:v33+s11+$0x0], $0xffff;
	[tilespmem:s18+$0x8430] =	vst v32  }
0x435: {  	v36 =	vadd.s32 $0xD40, v7;
	[tilespmem:s21+$0x7A20] =	vst v13;
	v42 =	vld.idx.msk [tilespmem:v38+s11+$0x0], $0xffff  }
0x436: {  	v54 =	vadd.s32 $0xD00, v5;
	v39 =	vld.idx.msk [tilespmem:v34+s11+$0x0], $0xffff;
	[tilespmem:s21+$0x8010] =	vst v14  }
0x437: {  	v40 =	vadd.s32 $0xE00, v2;
	v16 =	vld.idx.msk [tilespmem:v37+s11+$0x0], $0xffff;
	[tilespmem:s21+$0x7E30] =	vst v52  }
0x438: {  	v48 =	vadd.s32 $0xE40, v1;
	v12 =	vld.idx.msk [tilespmem:v12+s11+$0x0], $0xffff;
	[tilespmem:s20+$0x7A00] =	vst v10  }
0x439: {  	[tilespmem:s19+$0x8600] =	vst v17;
	v9 =	vld.idx.msk [tilespmem:v9+s11+$0x0], $0xffff  }
0x43a: {  	v46 =	vadd.s32 $0xCC0, v4;
	v14 =	vld.idx.msk [tilespmem:v36+s11+$0x0], $0xffff;
	[tilespmem:s18+$0x8810] =	vst v42  }
0x43b: {  	v41 =	vadd.s32 $0xE00, v0;
	v62 =	vld.idx.msk [tilespmem:v54+s11+$0x0], $0xffff;
	[tilespmem:s18+$0x8630] =	vst v39  }
0x43c: {  	v47 =	vadd.s32 $0xE80, v3;
	v45 =	vld.idx.msk [tilespmem:v40+s11+$0x0], $0xffff;
	[tilespmem:s18+$0x8A20] =	vst v16  }
0x43d: {  	v43 =	vadd.s32 $0xD80, v7;
	[tilespmem:s21+$0x7C20] =	vst v12;
	v12 =	vld.idx.msk [tilespmem:v48+s11+$0x0], $0xffff  }
0x43e: {  	v63 =	vadd.s32 $0xD40, v5;
	v11 =	vld.idx.msk [tilespmem:v11+s11+$0x0], $0xffff;
	[tilespmem:s20+$0x7C00] =	vst v9  }
0x43f: {  	v50 =	vadd.s32 $0xD00, v6;
	[tilespmem:s21+$0x8210] =	vst v14;
	v53 =	vld.idx.msk [tilespmem:v46+s11+$0x0], $0xffff  }
0x440: {  	v56 =	vadd.s32 $0xD00, v4;
	v13 =	vld.idx.msk [tilespmem:v41+s11+$0x0], $0xffff;
	[tilespmem:s21+$0x8030] =	vst v62  }
0x441: {  	v51 =	vadd.s32 $0xE40, v2;
	v55 =	vld.idx.msk [tilespmem:v47+s11+$0x0], $0xffff;
	[tilespmem:s19+$0x8800] =	vst v45  }
0x442: {  	v61 =	vadd.s32 $0xE80, v1;
	v49 =	vld.idx.msk [tilespmem:v43+s11+$0x0], $0xffff;
	[tilespmem:s18+$0x8A10] =	vst v12  }
0x443: {  	v57 =	vadd.s32 $0xE40, v0;
	v28 =	vld.idx.msk [tilespmem:v63+s11+$0x0], $0xffff;
	[tilespmem:s21+$0x7E20] =	vst v11  }
0x444: {  	v58 =	vadd.s32 $0xEC0, v3;
	v59 =	vld.idx.msk [tilespmem:v50+s11+$0x0], $0xffff;
	[tilespmem:s20+$0x7E00] =	vst v53  }
0x445: {  	v60 =	vadd.s32 $0xD40, v6;
	[tilespmem:s18+$0x8830] =	vst v13;
	v13 =	vld.idx.msk [tilespmem:v56+s11+$0x0], $0xffff  }
0x446: {  	v22 =	vadd.s32 $0xD40, v4;
	v8 =	vld.idx.msk [tilespmem:v51+s11+$0x0], $0xffff;
	[tilespmem:s18+$0x8C20] =	vst v55  }
0x447: {  	v23 =	vadd.s32 $0xE80, v2;
	v9 =	vld.idx.msk [tilespmem:v61+s11+$0x0], $0xffff;
	[tilespmem:s21+$0x8410] =	vst v49  }
0x448: {  	v27 =	vadd.s32 $0xEC0, v1;
	v21 =	vld.idx.msk [tilespmem:v57+s11+$0x0], $0xffff;
	[tilespmem:s21+$0x8230] =	vst v28  }
0x449: {  	v24 =	vadd.s32 $0xE80, v0;
	v11 =	vld.idx.msk [tilespmem:v58+s11+$0x0], $0xffff;
	[tilespmem:s21+$0x8020] =	vst v59  }
0x44a: {  	v29 =	vadd.s32 $0xD80, v5;
	v25 =	vld.idx.msk [tilespmem:v60+s11+$0x0], $0xffff;
	[tilespmem:s20+$0x8000] =	vst v13  }
0x44b: {  	v26 =	vadd.s32 $0xD80, v6;
	[tilespmem:s19+$0x8A00] =	vst v8;
	v12 =	vld.idx.msk [tilespmem:v22+s11+$0x0], $0xffff  }
0x44c: {  	v31 =	vadd.s32 $0xD80, v4;
	[tilespmem:s18+$0x8C10] =	vst v9;
	v30 =	vld.idx.msk [tilespmem:v23+s11+$0x0], $0xffff  }
0x44d: {  	v32 =	vadd.s32 $0xF00, v3;
	[tilespmem:s18+$0x8A30] =	vst v21;
	v10 =	vld.idx.msk [tilespmem:v27+s11+$0x0], $0xffff  }
0x44e: {  	v40 =	vadd.s32 $0xEC0, v2;
	[tilespmem:s18+$0x8E20] =	vst v11;
	v17 =	vld.idx.msk [tilespmem:v24+s11+$0x0], $0xffff  }
0x44f: {  	v36 =	vadd.s32 $0xDC0, v7;
	v13 =	vld.idx.msk [tilespmem:v29+s11+$0x0], $0xffff;
	[tilespmem:s21+$0x8220] =	vst v25  }
0x450: {  	v37 =	vadd.s32 $0xDC0, v5;
	v34 =	vld.idx.msk [tilespmem:v26+s11+$0x0], $0xffff;
	[tilespmem:s20+$0x8200] =	vst v12  }
0x451: {  	v35 =	vadd.s32 $0xDC0, v6;
	[tilespmem:s19+$0x8C00] =	vst v30;
	v11 =	vld.idx.msk [tilespmem:v31+s11+$0x0], $0xffff  }
0x452: {  	v39 =	vadd.s32 $0xDC0, v4;
	v38 =	vld.idx.msk [tilespmem:v32+s11+$0x0], $0xffff;
	[tilespmem:s18+$0x8E10] =	vst v10  }
0x453: {  	v33 =	vadd.s32 $0xEC0, v0;
	[tilespmem:s18+$0x8C30] =	vst v17;
	v47 =	vld.idx.msk [tilespmem:v40+s11+$0x0], $0xffff  }
0x454: {  	v41 =	vadd.s32 $0xF00, v1;
	[tilespmem:s21+$0x8430] =	vst v13;
	v12 =	vld.idx.msk [tilespmem:v36+s11+$0x0], $0xffff  }
0x455: {  	v44 =	vadd.s32 $0xE00, v7;
	v13 =	vld.idx.msk [tilespmem:v37+s11+$0x0], $0xffff;
	[tilespmem:s21+$0x8420] =	vst v34  }
0x456: {  	v46 =	vadd.s32 $0xE00, v5;
	v42 =	vld.idx.msk [tilespmem:v35+s11+$0x0], $0xffff;
	[tilespmem:s20+$0x8400] =	vst v11  }
0x457: {  	v43 =	vadd.s32 $0xE00, v6;
	[tilespmem:s18+$0x9020] =	vst v38;
	v45 =	vld.idx.msk [tilespmem:v39+s11+$0x0], $0xffff  }
0x458: {  	v48 =	vadd.s32 $0xE00, v4;
	v8 =	vld.idx.msk [tilespmem:v33+s11+$0x0], $0xffff;
	[tilespmem:s19+$0x8E00] =	vst v47  }
0x459: {  	v49 =	vadd.s32 $0xF40, v3;
	v9 =	vld.idx.msk [tilespmem:v41+s11+$0x0], $0xffff;
	[tilespmem:s21+$0x8610] =	vst v12  }
0x45a: {  	v57 =	vadd.s32 $0xF00, v2;
	[tilespmem:s21+$0x8630] =	vst v13;
	v11 =	vld.idx.msk [tilespmem:v44+s11+$0x0], $0xffff  }
0x45b: {  	v52 =	vadd.s32 $0xE40, v7;
	v53 =	vld.idx.msk [tilespmem:v46+s11+$0x0], $0xffff;
	[tilespmem:s21+$0x8620] =	vst v42  }
0x45c: {  	v54 =	vadd.s32 $0xE40, v5;
	v18 =	vld.idx.msk [tilespmem:v43+s11+$0x0], $0xffff;
	[tilespmem:s20+$0x8600] =	vst v45  }
0x45d: {  	v51 =	vadd.s32 $0xE40, v6;
	[tilespmem:s18+$0x8E30] =	vst v8;
	v8 =	vld.idx.msk [tilespmem:v48+s11+$0x0], $0xffff  }
0x45e: {  	v56 =	vadd.s32 $0xE40, v4;
	v55 =	vld.idx.msk [tilespmem:v49+s11+$0x0], $0xffff;
	[tilespmem:s18+$0x9010] =	vst v9  }
0x45f: {  	v50 =	vadd.s32 $0xF00, v0;
	v62 =	vld.idx.msk [tilespmem:v57+s11+$0x0], $0xffff;
	[tilespmem:s21+$0x8810] =	vst v11  }
0x460: {  	v21 =	vadd.s32 $0xF80, v3;
	[tilespmem:s21+$0x8830] =	vst v53;
	v13 =	vld.idx.msk [tilespmem:v52+s11+$0x0], $0xffff  }
0x461: {  	v60 =	vadd.s32 $0xE80, v7;
	v14 =	vld.idx.msk [tilespmem:v54+s11+$0x0], $0xffff;
	[tilespmem:s21+$0x8820] =	vst v18  }
0x462: {  	v61 =	vadd.s32 $0xE80, v5;
	v12 =	vld.idx.msk [tilespmem:v51+s11+$0x0], $0xffff;
	[tilespmem:s20+$0x8800] =	vst v8  }
0x463: {  	v59 =	vadd.s32 $0xE80, v6;
	[tilespmem:s18+$0x9220] =	vst v55;
	v9 =	vld.idx.msk [tilespmem:v56+s11+$0x0], $0xffff  }
0x464: {  	v63 =	vadd.s32 $0xE80, v4;
	v10 =	vld.idx.msk [tilespmem:v50+s11+$0x0], $0xffff;
	[tilespmem:s19+$0x9000] =	vst v62  }
0x465: {  	v28 =	vadd.s32 $0xF40, v2;
	v26 =	vld.idx.msk [tilespmem:v21+s11+$0x0], $0xffff;
	[tilespmem:s21+$0x8A10] =	vst v13  }
0x466: {  	v58 =	vadd.s32 $0xF40, v1;
	[tilespmem:s21+$0x8A30] =	vst v14;
	v8 =	vld.idx.msk [tilespmem:v60+s11+$0x0], $0xffff  }
0x467: {  	v24 =	vadd.s32 $0xEC0, v7;
	v14 =	vld.idx.msk [tilespmem:v61+s11+$0x0], $0xffff;
	[tilespmem:s21+$0x8A20] =	vst v12  }
0x468: {  	v25 =	vadd.s32 $0xEC0, v5;
	v11 =	vld.idx.msk [tilespmem:v59+s11+$0x0], $0xffff;
	[tilespmem:s20+$0x8A00] =	vst v9  }
0x469: {  	v23 =	vadd.s32 $0xEC0, v6;
	[tilespmem:s18+$0x9030] =	vst v10;
	v10 =	vld.idx.msk [tilespmem:v63+s11+$0x0], $0xffff  }
0x46a: {  	v27 =	vadd.s32 $0xEC0, v4;
	[tilespmem:s18+$0x9420] =	vst v26;
	v34 =	vld.idx.msk [tilespmem:v28+s11+$0x0], $0xffff  }
0x46b: {  	v22 =	vadd.s32 $0xF40, v0;
	v18 =	vld.idx.msk [tilespmem:v58+s11+$0x0], $0xffff;
	[tilespmem:s21+$0x8C10] =	vst v8  }
0x46c: {  	v44 =	vadd.s32 $0xFC0, v3;
	[tilespmem:s21+$0x8C30] =	vst v14;
	v9 =	vld.idx.msk [tilespmem:v24+s11+$0x0], $0xffff  }
0x46d: {  	v31 =	vadd.s32 $0xF00, v7;
	v14 =	vld.idx.msk [tilespmem:v25+s11+$0x0], $0xffff;
	[tilespmem:s21+$0x8C20] =	vst v11  }
0x46e: {  	v33 =	vadd.s32 $0xF00, v5;
	v13 =	vld.idx.msk [tilespmem:v23+s11+$0x0], $0xffff;
	[tilespmem:s20+$0x8C00] =	vst v10  }
0x46f: {  	v30 =	vadd.s32 $0xF00, v6;
	[tilespmem:s19+$0x9200] =	vst v34;
	v32 =	vld.idx.msk [tilespmem:v27+s11+$0x0], $0xffff  }
0x470: {  	v35 =	vadd.s32 $0xF00, v4;
	[tilespmem:s18+$0x9210] =	vst v18;
	v12 =	vld.idx.msk [tilespmem:v22+s11+$0x0], $0xffff  }
0x471: {  	v29 =	vadd.s32 $0xF80, v1;
	v3 =	vld.idx.msk [tilespmem:v44+s11+$0x0], $0xffff;
	[tilespmem:s21+$0x8E10] =	vst v9  }
0x472: {  	v36 =	vadd.s32 $0xF80, v0;
	[tilespmem:s21+$0x8E30] =	vst v14;
	v10 =	vld.idx.msk [tilespmem:v31+s11+$0x0], $0xffff  }
0x473: {  	v39 =	vadd.s32 $0xF40, v7;
	v40 =	vld.idx.msk [tilespmem:v33+s11+$0x0], $0xffff;
	[tilespmem:s21+$0x8E20] =	vst v13  }
0x474: {  	v41 =	vadd.s32 $0xF40, v5;
	v8 =	vld.idx.msk [tilespmem:v30+s11+$0x0], $0xffff;
	[tilespmem:s20+$0x8E00] =	vst v32  }
0x475: {  	v38 =	vadd.s32 $0xF40, v6;
	[tilespmem:s18+$0x9230] =	vst v12;
	v12 =	vld.idx.msk [tilespmem:v35+s11+$0x0], $0xffff  }
0x476: {  	v43 =	vadd.s32 $0xF40, v4;
	[tilespmem:s18+$0x9620] =	vst v3;
	v11 =	vld.idx.msk [tilespmem:v29+s11+$0x0], $0xffff  }
0x477: {  	v37 =	vadd.s32 $0xF80, v2;
	v42 =	vld.idx.msk [tilespmem:v36+s11+$0x0], $0xffff;
	[tilespmem:s21+$0x9010] =	vst v10  }
0x478: {  	v45 =	vadd.s32 $0xFC0, v1;
	[tilespmem:s21+$0x9030] =	vst v40;
	v10 =	vld.idx.msk [tilespmem:v39+s11+$0x0], $0xffff  }
0x479: {  	v47 =	vadd.s32 $0xF80, v7;
	v48 =	vld.idx.msk [tilespmem:v41+s11+$0x0], $0xffff;
	[tilespmem:s21+$0x9020] =	vst v8  }
0x47a: {  	v49 =	vadd.s32 $0xF80, v5;
	v8 =	vld.idx.msk [tilespmem:v38+s11+$0x0], $0xffff;
	[tilespmem:s20+$0x9000] =	vst v12  }
0x47b: {  	v46 =	vadd.s32 $0xF80, v6;
	[tilespmem:s18+$0x9410] =	vst v11;
	v11 =	vld.idx.msk [tilespmem:v43+s11+$0x0], $0xffff  }
0x47c: {  	v50 =	vadd.s32 $0xF80, v4;
	[tilespmem:s18+$0x9430] =	vst v42;
	v13 =	vld.idx.msk [tilespmem:v37+s11+$0x0], $0xffff  }
0x47d: {  	v51 =	vadd.s32 $0xFC0, v0;
	v1 =	vld.idx.msk [tilespmem:v45+s11+$0x0], $0xffff;
	[tilespmem:s21+$0x9210] =	vst v10  }
0x47e: {  	v52 =	vadd.s32 $0xFC0, v2;
	[tilespmem:s21+$0x9230] =	vst v48;
	v54 =	vld.idx.msk [tilespmem:v47+s11+$0x0], $0xffff  }
0x47f: {  	v56 =	vadd.s32 $0xFC0, v7;
	v55 =	vld.idx.msk [tilespmem:v49+s11+$0x0], $0xffff;
	[tilespmem:s21+$0x9220] =	vst v8  }
0x480: {  	v58 =	vadd.s32 $0xFC0, v5;
	v8 =	vld.idx.msk [tilespmem:v46+s11+$0x0], $0xffff;
	[tilespmem:s20+$0x9200] =	vst v11  }
0x481: {  	v53 =	vadd.s32 $0xFC0, v6;
	[tilespmem:s19+$0x9400] =	vst v13;
	v57 =	vld.idx.msk [tilespmem:v50+s11+$0x0], $0xffff  }
0x482: {  	v59 =	vadd.s32 $0xFC0, v4;
	v0 =	vld.idx.msk [tilespmem:v51+s11+$0x0], $0xffff;
	[tilespmem:s18+$0x9610] =	vst v1  }
0x483: {  	v2 =	vld.idx.msk [tilespmem:v52+s11+$0x0], $0xffff;
	[tilespmem:s21+$0x9410] =	vst v54  }
0x484: {  	[tilespmem:s21+$0x9430] =	vst v55;
	v61 =	vld.idx.msk [tilespmem:v56+s11+$0x0], $0xffff  }
0x485: {  	v62 =	vld.idx.msk [tilespmem:v58+s11+$0x0], $0xffff;
	[tilespmem:s21+$0x9420] =	vst v8  }
0x486: {  	v60 =	vld.idx.msk [tilespmem:v53+s11+$0x0], $0xffff;
	[tilespmem:s20+$0x9400] =	vst v57  }
0x487: {  	[tilespmem:s18+$0x9630] =	vst v0;
	v63 =	vld.idx.msk [tilespmem:v59+s11+$0x0], $0xffff  }
0x488: {  	[tilespmem:s19+$0x9600] =	vst v2  }
0x489: {  	[tilespmem:s21+$0x9610] =	vst v61  }
0x48a: {  	[tilespmem:s21+$0x9630] =	vst v62  }
0x48b: {  	[tilespmem:s21+$0x9620] =	vst v60  }
0x48c: {  	[tilespmem:s20+$0x9600] =	vst v63  }
0x48d: {  	[hbm4b:s8+s2] =	stream.linear.scatter [tilespmem:s15], [sflag:$0x1], $0x2000, $0x38;
	[tilespmem:$0x9800] =	vst v63  }
0x48e: {  	_ =	swait.ge [sflag:s16], $0x2000  }
0x48f: {  	[sflag:s16] =	ssyncset.done $0x0  }
0x490: {  	[sflag:s16] =	ssyncadd.s32 $0xFFFFE000  }
0x491: {  	_ =	swait.ge [sflag:s16], $0x2000  }
0x492: {  	[sflag:s16] =	ssyncset.done $0x0  }
0x493: {  	s17 =	sadd.s32 $0x1, s17;
	[sflag:s16] =	ssyncadd.s32 $0xFFFFE000  }
0x494: {  	p0 =	sne.s32 s17, s9;
	_ =	swait.ge [sflag:s16], $0x2000  }
.Ltmp4:
0x495: {  	[sflag:s16] =	ssyncset.done $0x0;
	(pc) =	sbr.rel @p0 .LBB2_1-.Ltmp4, $4  }
0x496: {  	[sflag:s16] =	ssyncadd.s32 $0xFFFFE000  }
0x497: {  	_ =	swait.ge [sflag:s16], $0x2000  }
0x498: {  	[sflag:s16] =	ssyncset.done $0x0  }
0x499: {  	[sflag:s16] =	ssyncadd.s32 $0xFFFFE000  }
0x49a: {  	_ =	sfence.sel $0x180000  }
0x49b: {  	[bflag:$0x0] =	sbarrier.arrive $0xFFFF  }
0x49c: {  	p0 =	sne.s32 s0, $0x0;
	_ =	strace $0x90000047  }
0x49d: {  	s0 =	sadd.s32 @!p0 $0x100000, s1;
	[bflag:$0x2] =	sbarrier.arrive $0xFFFF  }
0x49e: {  	[sflag:s0] =	ssyncadd.tile.s32 @!p0 $0x1;
	_ =	shalt  }
.Lfunc_end2:
_tile_overlayer_lowered:
.L_overlay_start_2:
0x49f: {  	(tag) =	ssettag $0x2  }
0x4a0: {  	s0 =	rddreg [dreg:$0x0];
	s2 =	stileid.u32  }
0x4a1: {  	s1 =	rddreg [dreg:$0x1];
	p0 =	sne.s32 s2, $0x0  }
0x4a2: {  	s3 =	rddreg [dreg:$0x2];
	[bflag:$0x3] =	sbarrier.arrive $0xFFFF;
	s2 =	simm.s32 @!p0 $0x1C02  }
0x4a3: {  	[timem:s3], [sflag:s2] =	dma.local @!p0 [hbm:s0], s1  }
0x4a4: {  	s0 =	simm.s32 @!p0 $0x2  }
0x4a5: {  	_ =	swait.ge @!p0 [sflag:s0], s1  }
0x4a6: {  	s1 =	ssub.s32 @!p0 $0x0, s1;
	[sflag:s0] =	ssyncset.done @!p0 $0x0  }
0x4a7: {  	[sflag:s0] =	ssyncadd.s32 @!p0 s1  }
0x4a8: {  	[bflag:$0x3] =	sbarrier.arrive $0xFFFF  }
0x4a9: {  	_ =	shalt  }

</sc_bundles>
